<compile_context>
chip_gen: v7x
topology: tpu7x:2x2x1
jax: 0.10.2.dev20260603
libtpu: 0.0.44.dev20260713+nightly
codegen_flags: <defaults>
</compile_context>

<pallas_src>
import functools
import math

import jax
import jax.numpy as jnp
from jax import lax
from jax.experimental import pallas as pl
from jax.experimental.pallas import tpu as pltpu
from jax.experimental.pallas import tpu_sc as plsc

N = 10000
E = 320000
D = 128
HD = D // 2
ALPHA_C = 0.1
BETA_C = float(math.log(1.5))

NC = 2
NS = 16
EPT = E // NS
CH = 80
NCH = EPT // CH
RPT = 624
RCH = 208
TAIL = N - NS * RPT
LANES = 16


def _sc_body(src_ref, dst_ref, w_ref, xa_ref, xb_ref, out_ref,
             src_v, dst_v, w_v, dst80_v, rows_v, cbuf, agg_sh, sem):
    c = lax.axis_index("c")
    s = lax.axis_index("s")

    z16 = jnp.zeros((LANES,), jnp.float32)

    def zero_row(i, _):
        for k in range(HD // LANES):
            cbuf[i, pl.ds(k * LANES, LANES)] = z16
        return 0

    lax.fori_loop(0, RCH, zero_row, 0)
    r0 = s * RPT
    for t in range(RPT // RCH):
        pltpu.sync_copy(cbuf, agg_sh.at[pl.ds(r0 + t * RCH, RCH)])

    @pl.when(s == NS - 1)
    def _zero_tail():
        pltpu.sync_copy(cbuf.at[pl.ds(0, TAIL)],
                        agg_sh.at[pl.ds(NS * RPT, TAIL)])

    plsc.subcore_barrier()

    pltpu.sync_copy(src_ref.at[pl.ds(s * EPT, EPT)], src_v)
    pltpu.sync_copy(dst_ref.at[pl.ds(s * EPT, EPT)], dst_v)
    pltpu.sync_copy(w_ref.at[pl.ds(s * EPT, EPT)], w_v)

    def make_chunk(x_half_ref):
        def chunk(j, _):
            e0 = j * CH
            pltpu.async_copy(x_half_ref.at[src_v.at[pl.ds(e0, CH)]],
                             rows_v, sem).wait()
            for g in range(CH // LANES):
                dst80_v[pl.ds(g * LANES, LANES)] = (
                    dst_v[pl.ds(e0 + g * LANES, LANES)])

            def scale(g, _):
                w16 = w_v[pl.ds(e0 + g * LANES, LANES)]
                for l in range(LANES):
                    i = g * LANES + l
                    wv = w16[l]
                    for k in range(HD // LANES):
                        sl = pl.ds(k * LANES, LANES)
                        rows_v[i, sl] = rows_v[i, sl] * wv
                return 0

            lax.fori_loop(0, CH // LANES, scale, 0)

            pltpu.sync_copy(rows_v, agg_sh.at[dst80_v], add=True)
            return 0

        return chunk

    @pl.when(c == 0)
    def _run_a():
        lax.fori_loop(0, NCH, make_chunk(xa_ref), 0)

    @pl.when(c == 1)
    def _run_b():
        lax.fori_loop(0, NCH, make_chunk(xb_ref), 0)

    plsc.subcore_barrier()

    for t in range(RPT // RCH):
        rr = r0 + t * RCH
        pltpu.sync_copy(agg_sh.at[pl.ds(rr, RCH)], cbuf)
        pltpu.sync_copy(cbuf, out_ref.at[c, pl.ds(rr, RCH)])

    @pl.when(s == NS - 1)
    def _write_tail():
        pltpu.sync_copy(agg_sh.at[pl.ds(NS * RPT, TAIL)],
                        cbuf.at[pl.ds(0, TAIL)])
        pltpu.sync_copy(cbuf.at[pl.ds(0, TAIL)],
                        out_ref.at[c, pl.ds(NS * RPT, TAIL)])


@functools.partial(
    pl.kernel,
    out_type=jax.ShapeDtypeStruct((NC, N, HD), jnp.float32),
    mesh=plsc.VectorSubcoreMesh(core_axis_name="c", subcore_axis_name="s"),
    compiler_params=pltpu.CompilerParams(use_tc_tiling_on_sc=False),
    scratch_types=[
        pltpu.VMEM((EPT,), jnp.int32),
        pltpu.VMEM((EPT,), jnp.int32),
        pltpu.VMEM((EPT,), jnp.float32),
        pltpu.VMEM((CH,), jnp.int32),
        pltpu.VMEM((CH, HD), jnp.float32),
        pltpu.VMEM((RCH, HD), jnp.float32),
        pltpu.VMEM_SHARED((N, HD), jnp.float32),
        pltpu.SemaphoreType.DMA,
    ],
)
def _sc_scatter(src_ref, dst_ref, w_ref, xa_ref, xb_ref, out_ref,
                src_v, dst_v, w_v, dst80_v, rows_v, cbuf, agg_sh, sem):
    _sc_body(src_ref, dst_ref, w_ref, xa_ref, xb_ref, out_ref,
             src_v, dst_v, w_v, dst80_v, rows_v, cbuf, agg_sh, sem)


def _tc_body(p_ref, x0_ref, w_ref, o_ref):
    agg = jnp.concatenate([p_ref[0], p_ref[1]], axis=-1)
    t = (1.0 - ALPHA_C) * agg + ALPHA_C * x0_ref[...]
    o_ref[...] = (1.0 - BETA_C) * t + BETA_C * jnp.dot(
        t, w_ref[...], preferred_element_type=jnp.float32)


BN = 2000


def _tc_combine(partials, x_0, weight1):
    return pl.pallas_call(
        _tc_body,
        grid=(N // BN,),
        in_specs=[
            pl.BlockSpec((NC, BN, HD), lambda i: (0, i, 0)),
            pl.BlockSpec((BN, D), lambda i: (i, 0)),
            pl.BlockSpec((D, D), lambda i: (0, 0)),
        ],
        out_specs=pl.BlockSpec((BN, D), lambda i: (i, 0)),
        out_shape=jax.ShapeDtypeStruct((N, D), jnp.float32),
    )(partials, x_0, weight1)


def kernel(x, edge_index, edge_weight, x_0, weight1):
    src = edge_index[0]
    dst = edge_index[1]
    xa = x[:, :HD]
    xb = x[:, HD:]
    partials = _sc_scatter(src, dst, edge_weight, xa, xb)
    return _tc_combine(partials, x_0, weight1)

# --- scband reference (transcript-rebuilt; emitter-appended) ---
"""Pipeline reference for scband-simplicial-cn-25821343384027 (READ-ONLY COPY).

The authoritative reference and input builder live on the scoring server;
editing this copy changes nothing except your own understanding.
"""

import jax, jax.numpy as jnp
import numpy as np

N = 10000
E = 320000
D = 128
ALPHA = 0.1
# GCN2Conv: beta = log(theta / layer + 1), theta=0.5, layer=1
BETA = float(np.log(0.5 / 1.0 + 1.0))


def setup_inputs(seed: int = 0) -> dict:
    key = jax.random.key(seed)
    k1, k2, k3, k4, k5 = jax.random.split(key, 5)
    x = jax.random.normal(k1, (N, D), dtype=jnp.float32)
    edge_index = jax.random.randint(k2, (2, E), 0, N, dtype=jnp.int32)
    edge_weight = jax.random.uniform(k3, (E,), dtype=jnp.float32)
    x_0 = jax.random.normal(k4, (N, D), dtype=jnp.float32)
    # learned parameter of GCN2Conv (shared_weights=True -> weight2 is None)
    weight1 = jax.random.normal(k5, (D, D), dtype=jnp.float32) * (1.0 / np.sqrt(D))
    return {"x": x, "edge_index": edge_index, "edge_weight": edge_weight, "x_0": x_0, "weight1": weight1}


def reference(x, edge_index, edge_weight, x_0, weight1):
    # propagate: message = x_j * edge_weight, aggregate = sum at dst
    src = edge_index[0]
    dst = edge_index[1]
    msg = jnp.take(x, src, axis=0) * edge_weight[:, None]
    agg = jax.ops.segment_sum(msg, dst, num_segments=x.shape[0])
    # x.mul_(1 - alpha)
    h = agg * (1.0 - ALPHA)
    # x_0 = alpha * x_0[:x.size(0)]
    x0 = ALPHA * x_0[: h.shape[0]]
    # weight2 is None branch: out = x + x_0; out = addmm(out, out, weight1, beta=1-beta, alpha=beta)
    out = h + x0
    out = (1.0 - BETA) * out + BETA * (out @ weight1)
    return out

if __name__ == "__main__":
    import jax
    _d = setup_inputs()
    print(jax.jit(kernel)(*tuple(_d.values())))

</pallas_src>

<mosaic_0001>
#map = affine_map<(d0, d1) -> (0)>
#map1 = affine_map<(d0, d1) -> (0, 0)>
#map2 = affine_map<(d0, d1) -> (0, 0, 0)>
module attributes {stable_mosaic.version = 14 : i64} {
  func.func @_sc_scatter(%arg0: i32, %arg1: i32, %arg2: memref<320000xi32, #tpu.memory_space<hbm>>, %arg3: memref<320000xi32, #tpu.memory_space<hbm>>, %arg4: memref<320000xf32, #tpu.memory_space<hbm>>, %arg5: memref<10000x64xf32, #tpu.memory_space<hbm>>, %arg6: memref<10000x64xf32, #tpu.memory_space<hbm>>, %arg7: memref<2x10000x64xf32, #tpu.memory_space<hbm>>, %arg8: memref<20000xi32, #tpu.memory_space<vmem>>, %arg9: memref<20000xi32, #tpu.memory_space<vmem>>, %arg10: memref<20000xf32, #tpu.memory_space<vmem>>, %arg11: memref<80xi32, #tpu.memory_space<vmem>>, %arg12: memref<80x64xf32, #tpu.memory_space<vmem>>, %arg13: memref<208x64xf32, #tpu.memory_space<vmem>>, %arg14: memref<10000x64xf32, #tpu.memory_space<vmem_shared>>, %arg15: memref<!tpu.dma_semaphore, #tpu.memory_space<semaphore_mem>>) attributes {dimension_semantics = [#tpu.dimension_semantics<core_parallel>, #tpu.dimension_semantics<subcore_parallel>], iteration_bounds = array<i64: 2, 16>, scalar_prefetch = 0 : i64, scratch_operands = 8 : i64, tpu.core_type = #tpu.core_type<sc_vector_subcore>, window_params = [{transform_indices = #map}, {transform_indices = #map}, {transform_indices = #map}, {transform_indices = #map1}, {transform_indices = #map1}, {transform_indices = #map2}]} {
    %broadcast_in_dim3A = arith.constant 0.000000e+00 : f32
    %broadcast_in_dim3A_0 = vector.broadcast %broadcast_in_dim3A : f32 to vector<16xf32>
    %scan3A = arith.constant 0 : i32
    %scan3A_1 = arith.constant 0 : i32
    %scan3A_2 = arith.constant 208 : i32
    %scan3A_3 = arith.addi %scan3A_1, %scan3A_2 : i32
    %scan3A_4 = arith.constant 1 : i32
    %scan3A_5 = scf.for %scan3A_43 = %scan3A_1 to %scan3A_3 step %scan3A_4 iter_args(%scan3A_44 = %scan3A) -> (i32)  : i32 {
      %swap3A = arith.index_cast %scan3A_43 : i32 to index
      %swap3A_45 = arith.constant 0 : index
      %swap3A_46 = tpu.vector_load %arg13[%swap3A, %swap3A_45] {strides = array<i32>} : memref<208x64xf32, #tpu.memory_space<vmem>>, vector<1x16xf32>,
      %swap3A_47 = vector.shape_cast %swap3A_46 : vector<1x16xf32> to vector<16xf32>
      %swap3A_48 = vector.shape_cast %broadcast_in_dim3A_0 : vector<16xf32> to vector<1x16xf32>
      tpu.vector_store %arg13[%swap3A, %swap3A_45], %swap3A_48 {strides = array<i32>} : memref<208x64xf32, #tpu.memory_space<vmem>>, vector<1x16xf32>,
      %swap3A_49 = arith.index_cast %scan3A_43 : i32 to index
      %swap3A_50 = arith.constant 16 : index
      %swap3A_51 = tpu.vector_load %arg13[%swap3A_49, %swap3A_50] {strides = array<i32>} : memref<208x64xf32, #tpu.memory_space<vmem>>, vector<1x16xf32>,
      %swap3A_52 = vector.shape_cast %swap3A_51 : vector<1x16xf32> to vector<16xf32>
      %swap3A_53 = vector.shape_cast %broadcast_in_dim3A_0 : vector<16xf32> to vector<1x16xf32>
      tpu.vector_store %arg13[%swap3A_49, %swap3A_50], %swap3A_53 {strides = array<i32>} : memref<208x64xf32, #tpu.memory_space<vmem>>, vector<1x16xf32>,
      %swap3A_54 = arith.index_cast %scan3A_43 : i32 to index
      %swap3A_55 = arith.constant 32 : index
      %swap3A_56 = tpu.vector_load %arg13[%swap3A_54, %swap3A_55] {strides = array<i32>} : memref<208x64xf32, #tpu.memory_space<vmem>>, vector<1x16xf32>,
      %swap3A_57 = vector.shape_cast %swap3A_56 : vector<1x16xf32> to vector<16xf32>
      %swap3A_58 = vector.shape_cast %broadcast_in_dim3A_0 : vector<16xf32> to vector<1x16xf32>
      tpu.vector_store %arg13[%swap3A_54, %swap3A_55], %swap3A_58 {strides = array<i32>} : memref<208x64xf32, #tpu.memory_space<vmem>>, vector<1x16xf32>,
      %swap3A_59 = arith.index_cast %scan3A_43 : i32 to index
      %swap3A_60 = arith.constant 48 : index
      %swap3A_61 = tpu.vector_load %arg13[%swap3A_59, %swap3A_60] {strides = array<i32>} : memref<208x64xf32, #tpu.memory_space<vmem>>, vector<1x16xf32>,
      %swap3A_62 = vector.shape_cast %swap3A_61 : vector<1x16xf32> to vector<16xf32>
      %swap3A_63 = vector.shape_cast %broadcast_in_dim3A_0 : vector<16xf32> to vector<1x16xf32>
      tpu.vector_store %arg13[%swap3A_59, %swap3A_60], %swap3A_63 {strides = array<i32>} : memref<208x64xf32, #tpu.memory_space<vmem>>, vector<1x16xf32>,
      %scan3A_64 = arith.constant 0 : i32
      scf.yield %scan3A_64 : i32
    }
    %scan3A_6 = arith.constant 208 : i32
    %mul3A = arith.constant 624 : i32
    %mul3A_7 = arith.muli %arg1, %mul3A : i32
    %add3A = arith.constant 0 : i32
    %add3A_8 = arith.addi %mul3A_7, %add3A : i32
    "tpu.region"() ({
      %run_scoped3A = tpu.sem_alloc : memref<!tpu.dma_semaphore, #tpu.memory_space<semaphore_mem>>
      %dma_start3A = arith.constant 0 : i32
      %dma_start3A_43 = tpu.memref_slice %arg14[%add3A_8, %dma_start3A] : memref<10000x64xf32, #tpu.memory_space<vmem_shared>> -> memref<208x64xf32, #tpu.memory_space<vmem_shared>>
      %dma_start3A_44 = arith.constant 0 : i32
      %dma_start3A_45 = tpu.memref_slice %arg14[%add3A_8, %dma_start3A_44] : memref<10000x64xf32, #tpu.memory_space<vmem_shared>> -> memref<208x64xf32, #tpu.memory_space<vmem_shared>>
      tpu.enqueue_dma source(%arg13 : memref<208x64xf32, #tpu.memory_space<vmem>>) target(%dma_start3A_45 : memref<208x64xf32, #tpu.memory_space<vmem_shared>>) target_semaphore(%run_scoped3A : memref<!tpu.dma_semaphore, #tpu.memory_space<semaphore_mem>>)
      %dma_wait3A = arith.constant 0 : i32
      %dma_wait3A_46 = tpu.memref_slice %arg14[%add3A_8, %dma_wait3A] : memref<10000x64xf32, #tpu.memory_space<vmem_shared>> -> memref<208x64xf32, #tpu.memory_space<vmem_shared>>
      %dma_wait3A_47 = arith.constant 0 : i32
      %dma_wait3A_48 = tpu.memref_slice %arg14[%add3A_8, %dma_wait3A_47] : memref<10000x64xf32, #tpu.memory_space<vmem_shared>> -> memref<208x64xf32, #tpu.memory_space<vmem_shared>>
      tpu.wait_dma2 semaphore(%run_scoped3A : memref<!tpu.dma_semaphore, #tpu.memory_space<semaphore_mem>>) src(%arg13 : memref<208x64xf32, #tpu.memory_space<vmem>>) dst(%dma_wait3A_48 : memref<208x64xf32, #tpu.memory_space<vmem_shared>>)
      tpu.yield
    }) : () -> ()
    %add3A_9 = arith.constant 208 : i32
    %add3A_10 = arith.addi %mul3A_7, %add3A_9 : i32
    "tpu.region"() ({
      %run_scoped3A = tpu.sem_alloc : memref<!tpu.dma_semaphore, #tpu.memory_space<semaphore_mem>>
      %dma_start3A = arith.constant 0 : i32
      %dma_start3A_43 = tpu.memref_slice %arg14[%add3A_10, %dma_start3A] : memref<10000x64xf32, #tpu.memory_space<vmem_shared>> -> memref<208x64xf32, #tpu.memory_space<vmem_shared>>
      %dma_start3A_44 = arith.constant 0 : i32
      %dma_start3A_45 = tpu.memref_slice %arg14[%add3A_10, %dma_start3A_44] : memref<10000x64xf32, #tpu.memory_space<vmem_shared>> -> memref<208x64xf32, #tpu.memory_space<vmem_shared>>
      tpu.enqueue_dma source(%arg13 : memref<208x64xf32, #tpu.memory_space<vmem>>) target(%dma_start3A_45 : memref<208x64xf32, #tpu.memory_space<vmem_shared>>) target_semaphore(%run_scoped3A : memref<!tpu.dma_semaphore, #tpu.memory_space<semaphore_mem>>)
      %dma_wait3A = arith.constant 0 : i32
      %dma_wait3A_46 = tpu.memref_slice %arg14[%add3A_10, %dma_wait3A] : memref<10000x64xf32, #tpu.memory_space<vmem_shared>> -> memref<208x64xf32, #tpu.memory_space<vmem_shared>>
      %dma_wait3A_47 = arith.constant 0 : i32
      %dma_wait3A_48 = tpu.memref_slice %arg14[%add3A_10, %dma_wait3A_47] : memref<10000x64xf32, #tpu.memory_space<vmem_shared>> -> memref<208x64xf32, #tpu.memory_space<vmem_shared>>
      tpu.wait_dma2 semaphore(%run_scoped3A : memref<!tpu.dma_semaphore, #tpu.memory_space<semaphore_mem>>) src(%arg13 : memref<208x64xf32, #tpu.memory_space<vmem>>) dst(%dma_wait3A_48 : memref<208x64xf32, #tpu.memory_space<vmem_shared>>)
      tpu.yield
    }) : () -> ()
    %add3A_11 = arith.constant 416 : i32
    %add3A_12 = arith.addi %mul3A_7, %add3A_11 : i32
    "tpu.region"() ({
      %run_scoped3A = tpu.sem_alloc : memref<!tpu.dma_semaphore, #tpu.memory_space<semaphore_mem>>
      %dma_start3A = arith.constant 0 : i32
      %dma_start3A_43 = tpu.memref_slice %arg14[%add3A_12, %dma_start3A] : memref<10000x64xf32, #tpu.memory_space<vmem_shared>> -> memref<208x64xf32, #tpu.memory_space<vmem_shared>>
      %dma_start3A_44 = arith.constant 0 : i32
      %dma_start3A_45 = tpu.memref_slice %arg14[%add3A_12, %dma_start3A_44] : memref<10000x64xf32, #tpu.memory_space<vmem_shared>> -> memref<208x64xf32, #tpu.memory_space<vmem_shared>>
      tpu.enqueue_dma source(%arg13 : memref<208x64xf32, #tpu.memory_space<vmem>>) target(%dma_start3A_45 : memref<208x64xf32, #tpu.memory_space<vmem_shared>>) target_semaphore(%run_scoped3A : memref<!tpu.dma_semaphore, #tpu.memory_space<semaphore_mem>>)
      %dma_wait3A = arith.constant 0 : i32
      %dma_wait3A_46 = tpu.memref_slice %arg14[%add3A_12, %dma_wait3A] : memref<10000x64xf32, #tpu.memory_space<vmem_shared>> -> memref<208x64xf32, #tpu.memory_space<vmem_shared>>
      %dma_wait3A_47 = arith.constant 0 : i32
      %dma_wait3A_48 = tpu.memref_slice %arg14[%add3A_12, %dma_wait3A_47] : memref<10000x64xf32, #tpu.memory_space<vmem_shared>> -> memref<208x64xf32, #tpu.memory_space<vmem_shared>>
      tpu.wait_dma2 semaphore(%run_scoped3A : memref<!tpu.dma_semaphore, #tpu.memory_space<semaphore_mem>>) src(%arg13 : memref<208x64xf32, #tpu.memory_space<vmem>>) dst(%dma_wait3A_48 : memref<208x64xf32, #tpu.memory_space<vmem_shared>>)
      tpu.yield
    }) : () -> ()
    %eq3A = arith.constant 15 : i32
    %eq3A_13 = arith.cmpi eq, %arg1, %eq3A : i32
    %convert_element_type3A = arith.extui %eq3A_13 : i1 to i32
    %cond3A = arith.constant 0 : i32
    %cond3A_14 = arith.cmpi ne, %convert_element_type3A, %cond3A : i32
    scf.if %cond3A_14 {
      "tpu.region"() ({
        %run_scoped3A = tpu.sem_alloc : memref<!tpu.dma_semaphore, #tpu.memory_space<semaphore_mem>>
        %dma_start3A = arith.constant 0 : i32
        %dma_start3A_43 = arith.constant 0 : i32
        %dma_start3A_44 = tpu.memref_slice %arg13[%dma_start3A, %dma_start3A_43] : memref<208x64xf32, #tpu.memory_space<vmem>> -> memref<16x64xf32, #tpu.memory_space<vmem>>
        %dma_start3A_45 = arith.constant 9984 : i32
        %dma_start3A_46 = arith.constant 0 : i32
        %dma_start3A_47 = tpu.memref_slice %arg14[%dma_start3A_45, %dma_start3A_46] : memref<10000x64xf32, #tpu.memory_space<vmem_shared>> -> memref<16x64xf32, #tpu.memory_space<vmem_shared>>
        %dma_start3A_48 = arith.constant 9984 : i32
        %dma_start3A_49 = arith.constant 0 : i32
        %dma_start3A_50 = tpu.memref_slice %arg14[%dma_start3A_48, %dma_start3A_49] : memref<10000x64xf32, #tpu.memory_space<vmem_shared>> -> memref<16x64xf32, #tpu.memory_space<vmem_shared>>
        %dma_start3A_51 = arith.constant 0 : i32
        %dma_start3A_52 = arith.constant 0 : i32
        %dma_start3A_53 = tpu.memref_slice %arg13[%dma_start3A_51, %dma_start3A_52] : memref<208x64xf32, #tpu.memory_space<vmem>> -> memref<16x64xf32, #tpu.memory_space<vmem>>
        tpu.enqueue_dma source(%dma_start3A_53 : memref<16x64xf32, #tpu.memory_space<vmem>>) target(%dma_start3A_50 : memref<16x64xf32, #tpu.memory_space<vmem_shared>>) target_semaphore(%run_scoped3A : memref<!tpu.dma_semaphore, #tpu.memory_space<semaphore_mem>>)
        %dma_wait3A = arith.constant 0 : i32
        %dma_wait3A_54 = arith.constant 0 : i32
        %dma_wait3A_55 = tpu.memref_slice %arg13[%dma_wait3A, %dma_wait3A_54] : memref<208x64xf32, #tpu.memory_space<vmem>> -> memref<16x64xf32, #tpu.memory_space<vmem>>
        %dma_wait3A_56 = arith.constant 9984 : i32
        %dma_wait3A_57 = arith.constant 0 : i32
        %dma_wait3A_58 = tpu.memref_slice %arg14[%dma_wait3A_56, %dma_wait3A_57] : memref<10000x64xf32, #tpu.memory_space<vmem_shared>> -> memref<16x64xf32, #tpu.memory_space<vmem_shared>>
        %dma_wait3A_59 = arith.constant 9984 : i32
        %dma_wait3A_60 = arith.constant 0 : i32
        %dma_wait3A_61 = tpu.memref_slice %arg14[%dma_wait3A_59, %dma_wait3A_60] : memref<10000x64xf32, #tpu.memory_space<vmem_shared>> -> memref<16x64xf32, #tpu.memory_space<vmem_shared>>
        %dma_wait3A_62 = arith.constant 0 : i32
        %dma_wait3A_63 = arith.constant 0 : i32
        %dma_wait3A_64 = tpu.memref_slice %arg13[%dma_wait3A_62, %dma_wait3A_63] : memref<208x64xf32, #tpu.memory_space<vmem>> -> memref<16x64xf32, #tpu.memory_space<vmem>>
        tpu.wait_dma2 semaphore(%run_scoped3A : memref<!tpu.dma_semaphore, #tpu.memory_space<semaphore_mem>>) src(%dma_wait3A_64 : memref<16x64xf32, #tpu.memory_space<vmem>>) dst(%dma_wait3A_61 : memref<16x64xf32, #tpu.memory_space<vmem_shared>>)
        tpu.yield
      }) : () -> ()
    } else {
    }
    %barrier3A = arith.constant 0 : index
    tpu.barrier barrier_id(%barrier3A)
    %mul3A_15 = arith.constant 20000 : i32
    %mul3A_16 = arith.muli %arg1, %mul3A_15 : i32
    "tpu.region"() ({
      %run_scoped3A = tpu.sem_alloc : memref<!tpu.dma_semaphore, #tpu.memory_space<semaphore_mem>>
      %dma_start3A = tpu.memref_slice %arg2[%mul3A_16] : memref<320000xi32, #tpu.memory_space<hbm>> -> memref<20000xi32, #tpu.memory_space<hbm>>
      %dma_start3A_43 = tpu.memref_slice %arg2[%mul3A_16] : memref<320000xi32, #tpu.memory_space<hbm>> -> memref<20000xi32, #tpu.memory_space<hbm>>
      tpu.enqueue_dma source(%dma_start3A_43 : memref<20000xi32, #tpu.memory_space<hbm>>) target(%arg8 : memref<20000xi32, #tpu.memory_space<vmem>>) target_semaphore(%run_scoped3A : memref<!tpu.dma_semaphore, #tpu.memory_space<semaphore_mem>>)
      %dma_wait3A = tpu.memref_slice %arg2[%mul3A_16] : memref<320000xi32, #tpu.memory_space<hbm>> -> memref<20000xi32, #tpu.memory_space<hbm>>
      %dma_wait3A_44 = tpu.memref_slice %arg2[%mul3A_16] : memref<320000xi32, #tpu.memory_space<hbm>> -> memref<20000xi32, #tpu.memory_space<hbm>>
      tpu.wait_dma2 semaphore(%run_scoped3A : memref<!tpu.dma_semaphore, #tpu.memory_space<semaphore_mem>>) src(%dma_wait3A_44 : memref<20000xi32, #tpu.memory_space<hbm>>) dst(%arg8 : memref<20000xi32, #tpu.memory_space<vmem>>)
      tpu.yield
    }) : () -> ()
    %mul3A_17 = arith.constant 20000 : i32
    %mul3A_18 = arith.muli %arg1, %mul3A_17 : i32
    "tpu.region"() ({
      %run_scoped3A = tpu.sem_alloc : memref<!tpu.dma_semaphore, #tpu.memory_space<semaphore_mem>>
      %dma_start3A = tpu.memref_slice %arg3[%mul3A_18] : memref<320000xi32, #tpu.memory_space<hbm>> -> memref<20000xi32, #tpu.memory_space<hbm>>
      %dma_start3A_43 = tpu.memref_slice %arg3[%mul3A_18] : memref<320000xi32, #tpu.memory_space<hbm>> -> memref<20000xi32, #tpu.memory_space<hbm>>
      tpu.enqueue_dma source(%dma_start3A_43 : memref<20000xi32, #tpu.memory_space<hbm>>) target(%arg9 : memref<20000xi32, #tpu.memory_space<vmem>>) target_semaphore(%run_scoped3A : memref<!tpu.dma_semaphore, #tpu.memory_space<semaphore_mem>>)
      %dma_wait3A = tpu.memref_slice %arg3[%mul3A_18] : memref<320000xi32, #tpu.memory_space<hbm>> -> memref<20000xi32, #tpu.memory_space<hbm>>
      %dma_wait3A_44 = tpu.memref_slice %arg3[%mul3A_18] : memref<320000xi32, #tpu.memory_space<hbm>> -> memref<20000xi32, #tpu.memory_space<hbm>>
      tpu.wait_dma2 semaphore(%run_scoped3A : memref<!tpu.dma_semaphore, #tpu.memory_space<semaphore_mem>>) src(%dma_wait3A_44 : memref<20000xi32, #tpu.memory_space<hbm>>) dst(%arg9 : memref<20000xi32, #tpu.memory_space<vmem>>)
      tpu.yield
    }) : () -> ()
    %mul3A_19 = arith.constant 20000 : i32
    %mul3A_20 = arith.muli %arg1, %mul3A_19 : i32
    "tpu.region"() ({
      %run_scoped3A = tpu.sem_alloc : memref<!tpu.dma_semaphore, #tpu.memory_space<semaphore_mem>>
      %dma_start3A = tpu.memref_slice %arg4[%mul3A_20] : memref<320000xf32, #tpu.memory_space<hbm>> -> memref<20000xf32, #tpu.memory_space<hbm>>
      %dma_start3A_43 = tpu.memref_slice %arg4[%mul3A_20] : memref<320000xf32, #tpu.memory_space<hbm>> -> memref<20000xf32, #tpu.memory_space<hbm>>
      tpu.enqueue_dma source(%dma_start3A_43 : memref<20000xf32, #tpu.memory_space<hbm>>) target(%arg10 : memref<20000xf32, #tpu.memory_space<vmem>>) target_semaphore(%run_scoped3A : memref<!tpu.dma_semaphore, #tpu.memory_space<semaphore_mem>>)
      %dma_wait3A = tpu.memref_slice %arg4[%mul3A_20] : memref<320000xf32, #tpu.memory_space<hbm>> -> memref<20000xf32, #tpu.memory_space<hbm>>
      %dma_wait3A_44 = tpu.memref_slice %arg4[%mul3A_20] : memref<320000xf32, #tpu.memory_space<hbm>> -> memref<20000xf32, #tpu.memory_space<hbm>>
      tpu.wait_dma2 semaphore(%run_scoped3A : memref<!tpu.dma_semaphore, #tpu.memory_space<semaphore_mem>>) src(%dma_wait3A_44 : memref<20000xf32, #tpu.memory_space<hbm>>) dst(%arg10 : memref<20000xf32, #tpu.memory_space<vmem>>)
      tpu.yield
    }) : () -> ()
    %eq3A_21 = arith.constant 0 : i32
    %eq3A_22 = arith.cmpi eq, %arg0, %eq3A_21 : i32
    %convert_element_type3A_23 = arith.extui %eq3A_22 : i1 to i32
    %cond3A_24 = arith.constant 0 : i32
    %cond3A_25 = arith.cmpi ne, %convert_element_type3A_23, %cond3A_24 : i32
    scf.if %cond3A_25 {
      %scan3A_43 = arith.constant 0 : i32
      %scan3A_44 = arith.constant 0 : i32
      %scan3A_45 = arith.constant 250 : i32
      %scan3A_46 = arith.addi %scan3A_44, %scan3A_45 : i32
      %scan3A_47 = arith.constant 1 : i32
      %scan3A_48 = scf.for %scan3A_50 = %scan3A_44 to %scan3A_46 step %scan3A_47 iter_args(%scan3A_51 = %scan3A_43) -> (i32)  : i32 {
        %mul3A_52 = arith.constant 80 : i32
        %mul3A_53 = arith.muli %scan3A_50, %mul3A_52 : i32
        %dma_start3A = tpu.memref_slice %arg8[%mul3A_53] : memref<20000xi32, #tpu.memory_space<vmem>> -> memref<80xi32, #tpu.memory_space<vmem>>
        %dma_start3A_54 = arith.constant 0 : i32
        %dma_start3A_55 = arith.constant 0 : i32
        %dma_start3A_56 = tpu.memref_slice %arg5[%dma_start3A_54, %dma_start3A_55] : memref<10000x64xf32, #tpu.memory_space<hbm>> -> memref<10000x64xf32, #tpu.memory_space<hbm>>
        tpu.enqueue_indirect_dma source(%dma_start3A_56 : memref<10000x64xf32, #tpu.memory_space<hbm>>) target(%arg12 : memref<80x64xf32, #tpu.memory_space<vmem>>) offsets(%dma_start3A : memref<80xi32, #tpu.memory_space<vmem>>) semaphore(%arg15 : memref<!tpu.dma_semaphore, #tpu.memory_space<semaphore_mem>>)
        %dma_wait3A = tpu.memref_slice %arg8[%mul3A_53] : memref<20000xi32, #tpu.memory_space<vmem>> -> memref<80xi32, #tpu.memory_space<vmem>>
        %dma_wait3A_57 = arith.constant 0 : i32
        %dma_wait3A_58 = arith.constant 0 : i32
        %dma_wait3A_59 = tpu.memref_slice %arg5[%dma_wait3A_57, %dma_wait3A_58] : memref<10000x64xf32, #tpu.memory_space<hbm>> -> memref<10000x64xf32, #tpu.memory_space<hbm>>
        tpu.wait_indirect_dma semaphore(%arg15 : memref<!tpu.dma_semaphore, #tpu.memory_space<semaphore_mem>>) src(%dma_wait3A_59 : memref<10000x64xf32, #tpu.memory_space<hbm>>) dst(%arg12 : memref<80x64xf32, #tpu.memory_space<vmem>>)
        %add3A_60 = arith.constant 0 : i32
        %add3A_61 = arith.addi %mul3A_53, %add3A_60 : i32
        %get3A = arith.index_cast %add3A_61 : i32 to index
        %get3A_62 = tpu.vector_load %arg9[%get3A] {strides = array<i32>} : memref<20000xi32, #tpu.memory_space<vmem>>, vector<16xi32>,
        %get3A_63 = vector.shape_cast %get3A_62 : vector<16xi32> to vector<16xi32>
        %swap3A = arith.constant 0 : index
        %swap3A_64 = tpu.vector_load %arg11[%swap3A] {strides = array<i32>} : memref<80xi32, #tpu.memory_space<vmem>>, vector<16xi32>,
        %swap3A_65 = vector.shape_cast %swap3A_64 : vector<16xi32> to vector<16xi32>
        %swap3A_66 = vector.shape_cast %get3A_63 : vector<16xi32> to vector<16xi32>
        tpu.vector_store %arg11[%swap3A], %swap3A_66 {strides = array<i32>} : memref<80xi32, #tpu.memory_space<vmem>>, vector<16xi32>,
        %add3A_67 = arith.constant 16 : i32
        %add3A_68 = arith.addi %mul3A_53, %add3A_67 : i32
        %get3A_69 = arith.index_cast %add3A_68 : i32 to index
        %get3A_70 = tpu.vector_load %arg9[%get3A_69] {strides = array<i32>} : memref<20000xi32, #tpu.memory_space<vmem>>, vector<16xi32>,
        %get3A_71 = vector.shape_cast %get3A_70 : vector<16xi32> to vector<16xi32>
        %swap3A_72 = arith.constant 16 : index
        %swap3A_73 = tpu.vector_load %arg11[%swap3A_72] {strides = array<i32>} : memref<80xi32, #tpu.memory_space<vmem>>, vector<16xi32>,
        %swap3A_74 = vector.shape_cast %swap3A_73 : vector<16xi32> to vector<16xi32>
        %swap3A_75 = vector.shape_cast %get3A_71 : vector<16xi32> to vector<16xi32>
        tpu.vector_store %arg11[%swap3A_72], %swap3A_75 {strides = array<i32>} : memref<80xi32, #tpu.memory_space<vmem>>, vector<16xi32>,
        %add3A_76 = arith.constant 32 : i32
        %add3A_77 = arith.addi %mul3A_53, %add3A_76 : i32
        %get3A_78 = arith.index_cast %add3A_77 : i32 to index
        %get3A_79 = tpu.vector_load %arg9[%get3A_78] {strides = array<i32>} : memref<20000xi32, #tpu.memory_space<vmem>>, vector<16xi32>,
        %get3A_80 = vector.shape_cast %get3A_79 : vector<16xi32> to vector<16xi32>
        %swap3A_81 = arith.constant 32 : index
        %swap3A_82 = tpu.vector_load %arg11[%swap3A_81] {strides = array<i32>} : memref<80xi32, #tpu.memory_space<vmem>>, vector<16xi32>,
        %swap3A_83 = vector.shape_cast %swap3A_82 : vector<16xi32> to vector<16xi32>
        %swap3A_84 = vector.shape_cast %get3A_80 : vector<16xi32> to vector<16xi32>
        tpu.vector_store %arg11[%swap3A_81], %swap3A_84 {strides = array<i32>} : memref<80xi32, #tpu.memory_space<vmem>>, vector<16xi32>,
        %add3A_85 = arith.constant 48 : i32
        %add3A_86 = arith.addi %mul3A_53, %add3A_85 : i32
        %get3A_87 = arith.index_cast %add3A_86 : i32 to index
        %get3A_88 = tpu.vector_load %arg9[%get3A_87] {strides = array<i32>} : memref<20000xi32, #tpu.memory_space<vmem>>, vector<16xi32>,
        %get3A_89 = vector.shape_cast %get3A_88 : vector<16xi32> to vector<16xi32>
        %swap3A_90 = arith.constant 48 : index
        %swap3A_91 = tpu.vector_load %arg11[%swap3A_90] {strides = array<i32>} : memref<80xi32, #tpu.memory_space<vmem>>, vector<16xi32>,
        %swap3A_92 = vector.shape_cast %swap3A_91 : vector<16xi32> to vector<16xi32>
        %swap3A_93 = vector.shape_cast %get3A_89 : vector<16xi32> to vector<16xi32>
        tpu.vector_store %arg11[%swap3A_90], %swap3A_93 {strides = array<i32>} : memref<80xi32, #tpu.memory_space<vmem>>, vector<16xi32>,
        %add3A_94 = arith.constant 64 : i32
        %add3A_95 = arith.addi %mul3A_53, %add3A_94 : i32
        %get3A_96 = arith.index_cast %add3A_95 : i32 to index
        %get3A_97 = tpu.vector_load %arg9[%get3A_96] {strides = array<i32>} : memref<20000xi32, #tpu.memory_space<vmem>>, vector<16xi32>,
        %get3A_98 = vector.shape_cast %get3A_97 : vector<16xi32> to vector<16xi32>
        %swap3A_99 = arith.constant 64 : index
        %swap3A_100 = tpu.vector_load %arg11[%swap3A_99] {strides = array<i32>} : memref<80xi32, #tpu.memory_space<vmem>>, vector<16xi32>,
        %swap3A_101 = vector.shape_cast %swap3A_100 : vector<16xi32> to vector<16xi32>
        %swap3A_102 = vector.shape_cast %get3A_98 : vector<16xi32> to vector<16xi32>
        tpu.vector_store %arg11[%swap3A_99], %swap3A_102 {strides = array<i32>} : memref<80xi32, #tpu.memory_space<vmem>>, vector<16xi32>,
        %scan3A_103 = arith.constant 0 : i32
        %scan3A_104 = arith.constant 0 : i32
        %scan3A_105 = arith.constant 5 : i32
        %scan3A_106 = arith.addi %scan3A_104, %scan3A_105 : i32
        %scan3A_107 = arith.constant 1 : i32
        %scan3A_108 = scf.for %scan3A_111 = %scan3A_104 to %scan3A_106 step %scan3A_107 iter_args(%scan3A_112 = %scan3A_103) -> (i32)  : i32 {
          %mul3A_113 = arith.constant 16 : i32
          %mul3A_114 = arith.muli %scan3A_111, %mul3A_113 : i32
          %add3A_115 = arith.addi %mul3A_53, %mul3A_114 : i32
          %get3A_116 = arith.index_cast %add3A_115 : i32 to index
          %get3A_117 = tpu.vector_load %arg10[%get3A_116] {strides = array<i32>} : memref<20000xf32, #tpu.memory_space<vmem>>, vector<16xf32>,
          %get3A_118 = vector.shape_cast %get3A_117 : vector<16xf32> to vector<16xf32>
          %mul3A_119 = arith.constant 16 : i32
          %mul3A_120 = arith.muli %scan3A_111, %mul3A_119 : i32
          %add3A_121 = arith.constant 0 : i32
          %add3A_122 = arith.addi %mul3A_120, %add3A_121 : i32
          %slice3A = vector.extract_strided_slice %get3A_118 {offsets = [0], sizes = [1], strides = [1]} : vector<16xf32> to vector<1xf32>
          %squeeze3A = vector.extract %slice3A[0] : f32 from vector<1xf32>
          %get3A_123 = arith.index_cast %add3A_122 : i32 to index
          %get3A_124 = arith.constant 0 : index
          %get3A_125 = tpu.vector_load %arg12[%get3A_123, %get3A_124] {strides = array<i32>} : memref<80x64xf32, #tpu.memory_space<vmem>>, vector<1x16xf32>,
          %get3A_126 = vector.shape_cast %get3A_125 : vector<1x16xf32> to vector<16xf32>
          %mul3A_127 = vector.broadcast %squeeze3A : f32 to vector<16xf32>
          %mul3A_128 = arith.mulf %get3A_126, %mul3A_127 : vector<16xf32>
          %swap3A_129 = arith.index_cast %add3A_122 : i32 to index
          %swap3A_130 = arith.constant 0 : index
          %swap3A_131 = tpu.vector_load %arg12[%swap3A_129, %swap3A_130] {strides = array<i32>} : memref<80x64xf32, #tpu.memory_space<vmem>>, vector<1x16xf32>,
          %swap3A_132 = vector.shape_cast %swap3A_131 : vector<1x16xf32> to vector<16xf32>
          %swap3A_133 = vector.shape_cast %mul3A_128 : vector<16xf32> to vector<1x16xf32>
          tpu.vector_store %arg12[%swap3A_129, %swap3A_130], %swap3A_133 {strides = array<i32>} : memref<80x64xf32, #tpu.memory_space<vmem>>, vector<1x16xf32>,
          %get3A_134 = arith.index_cast %add3A_122 : i32 to index
          %get3A_135 = arith.constant 16 : index
          %get3A_136 = tpu.vector_load %arg12[%get3A_134, %get3A_135] {strides = array<i32>} : memref<80x64xf32, #tpu.memory_space<vmem>>, vector<1x16xf32>,
          %get3A_137 = vector.shape_cast %get3A_136 : vector<1x16xf32> to vector<16xf32>
          %mul3A_138 = vector.broadcast %squeeze3A : f32 to vector<16xf32>
          %mul3A_139 = arith.mulf %get3A_137, %mul3A_138 : vector<16xf32>
          %swap3A_140 = arith.index_cast %add3A_122 : i32 to index
          %swap3A_141 = arith.constant 16 : index
          %swap3A_142 = tpu.vector_load %arg12[%swap3A_140, %swap3A_141] {strides = array<i32>} : memref<80x64xf32, #tpu.memory_space<vmem>>, vector<1x16xf32>,
          %swap3A_143 = vector.shape_cast %swap3A_142 : vector<1x16xf32> to vector<16xf32>
          %swap3A_144 = vector.shape_cast %mul3A_139 : vector<16xf32> to vector<1x16xf32>
          tpu.vector_store %arg12[%swap3A_140, %swap3A_141], %swap3A_144 {strides = array<i32>} : memref<80x64xf32, #tpu.memory_space<vmem>>, vector<1x16xf32>,
          %get3A_145 = arith.index_cast %add3A_122 : i32 to index
          %get3A_146 = arith.constant 32 : index
          %get3A_147 = tpu.vector_load %arg12[%get3A_145, %get3A_146] {strides = array<i32>} : memref<80x64xf32, #tpu.memory_space<vmem>>, vector<1x16xf32>,
          %get3A_148 = vector.shape_cast %get3A_147 : vector<1x16xf32> to vector<16xf32>
          %mul3A_149 = vector.broadcast %squeeze3A : f32 to vector<16xf32>
          %mul3A_150 = arith.mulf %get3A_148, %mul3A_149 : vector<16xf32>
          %swap3A_151 = arith.index_cast %add3A_122 : i32 to index
          %swap3A_152 = arith.constant 32 : index
          %swap3A_153 = tpu.vector_load %arg12[%swap3A_151, %swap3A_152] {strides = array<i32>} : memref<80x64xf32, #tpu.memory_space<vmem>>, vector<1x16xf32>,
          %swap3A_154 = vector.shape_cast %swap3A_153 : vector<1x16xf32> to vector<16xf32>
          %swap3A_155 = vector.shape_cast %mul3A_150 : vector<16xf32> to vector<1x16xf32>
          tpu.vector_store %arg12[%swap3A_151, %swap3A_152], %swap3A_155 {strides = array<i32>} : memref<80x64xf32, #tpu.memory_space<vmem>>, vector<1x16xf32>,
          %get3A_156 = arith.index_cast %add3A_122 : i32 to index
          %get3A_157 = arith.constant 48 : index
          %get3A_158 = tpu.vector_load %arg12[%get3A_156, %get3A_157] {strides = array<i32>} : memref<80x64xf32, #tpu.memory_space<vmem>>, vector<1x16xf32>,
          %get3A_159 = vector.shape_cast %get3A_158 : vector<1x16xf32> to vector<16xf32>
          %mul3A_160 = vector.broadcast %squeeze3A : f32 to vector<16xf32>
          %mul3A_161 = arith.mulf %get3A_159, %mul3A_160 : vector<16xf32>
          %swap3A_162 = arith.index_cast %add3A_122 : i32 to index
          %swap3A_163 = arith.constant 48 : index
          %swap3A_164 = tpu.vector_load %arg12[%swap3A_162, %swap3A_163] {strides = array<i32>} : memref<80x64xf32, #tpu.memory_space<vmem>>, vector<1x16xf32>,
          %swap3A_165 = vector.shape_cast %swap3A_164 : vector<1x16xf32> to vector<16xf32>
          %swap3A_166 = vector.shape_cast %mul3A_161 : vector<16xf32> to vector<1x16xf32>
          tpu.vector_store %arg12[%swap3A_162, %swap3A_163], %swap3A_166 {strides = array<i32>} : memref<80x64xf32, #tpu.memory_space<vmem>>, vector<1x16xf32>,
          %mul3A_167 = arith.constant 16 : i32
          %mul3A_168 = arith.muli %scan3A_111, %mul3A_167 : i32
          %add3A_169 = arith.constant 1 : i32
          %add3A_170 = arith.addi %mul3A_168, %add3A_169 : i32
          %slice3A_171 = vector.extract_strided_slice %get3A_118 {offsets = [1], sizes = [1], strides = [1]} : vector<16xf32> to vector<1xf32>
          %squeeze3A_172 = vector.extract %slice3A_171[0] : f32 from vector<1xf32>
          %get3A_173 = arith.index_cast %add3A_170 : i32 to index
          %get3A_174 = arith.constant 0 : index
          %get3A_175 = tpu.vector_load %arg12[%get3A_173, %get3A_174] {strides = array<i32>} : memref<80x64xf32, #tpu.memory_space<vmem>>, vector<1x16xf32>,
          %get3A_176 = vector.shape_cast %get3A_175 : vector<1x16xf32> to vector<16xf32>
          %mul3A_177 = vector.broadcast %squeeze3A_172 : f32 to vector<16xf32>
          %mul3A_178 = arith.mulf %get3A_176, %mul3A_177 : vector<16xf32>
          %swap3A_179 = arith.index_cast %add3A_170 : i32 to index
          %swap3A_180 = arith.constant 0 : index
          %swap3A_181 = tpu.vector_load %arg12[%swap3A_179, %swap3A_180] {strides = array<i32>} : memref<80x64xf32, #tpu.memory_space<vmem>>, vector<1x16xf32>,
          %swap3A_182 = vector.shape_cast %swap3A_181 : vector<1x16xf32> to vector<16xf32>
          %swap3A_183 = vector.shape_cast %mul3A_178 : vector<16xf32> to vector<1x16xf32>
          tpu.vector_store %arg12[%swap3A_179, %swap3A_180], %swap3A_183 {strides = array<i32>} : memref<80x64xf32, #tpu.memory_space<vmem>>, vector<1x16xf32>,
          %get3A_184 = arith.index_cast %add3A_170 : i32 to index
          %get3A_185 = arith.constant 16 : index
          %get3A_186 = tpu.vector_load %arg12[%get3A_184, %get3A_185] {strides = array<i32>} : memref<80x64xf32, #tpu.memory_space<vmem>>, vector<1x16xf32>,
          %get3A_187 = vector.shape_cast %get3A_186 : vector<1x16xf32> to vector<16xf32>
          %mul3A_188 = vector.broadcast %squeeze3A_172 : f32 to vector<16xf32>
          %mul3A_189 = arith.mulf %get3A_187, %mul3A_188 : vector<16xf32>
          %swap3A_190 = arith.index_cast %add3A_170 : i32 to index
          %swap3A_191 = arith.constant 16 : index
          %swap3A_192 = tpu.vector_load %arg12[%swap3A_190, %swap3A_191] {strides = array<i32>} : memref<80x64xf32, #tpu.memory_space<vmem>>, vector<1x16xf32>,
          %swap3A_193 = vector.shape_cast %swap3A_192 : vector<1x16xf32> to vector<16xf32>
          %swap3A_194 = vector.shape_cast %mul3A_189 : vector<16xf32> to vector<1x16xf32>
          tpu.vector_store %arg12[%swap3A_190, %swap3A_191], %swap3A_194 {strides = array<i32>} : memref<80x64xf32, #tpu.memory_space<vmem>>, vector<1x16xf32>,
          %get3A_195 = arith.index_cast %add3A_170 : i32 to index
          %get3A_196 = arith.constant 32 : index
          %get3A_197 = tpu.vector_load %arg12[%get3A_195, %get3A_196] {strides = array<i32>} : memref<80x64xf32, #tpu.memory_space<vmem>>, vector<1x16xf32>,
          %get3A_198 = vector.shape_cast %get3A_197 : vector<1x16xf32> to vector<16xf32>
          %mul3A_199 = vector.broadcast %squeeze3A_172 : f32 to vector<16xf32>
          %mul3A_200 = arith.mulf %get3A_198, %mul3A_199 : vector<16xf32>
          %swap3A_201 = arith.index_cast %add3A_170 : i32 to index
          %swap3A_202 = arith.constant 32 : index
          %swap3A_203 = tpu.vector_load %arg12[%swap3A_201, %swap3A_202] {strides = array<i32>} : memref<80x64xf32, #tpu.memory_space<vmem>>, vector<1x16xf32>,
          %swap3A_204 = vector.shape_cast %swap3A_203 : vector<1x16xf32> to vector<16xf32>
          %swap3A_205 = vector.shape_cast %mul3A_200 : vector<16xf32> to vector<1x16xf32>
          tpu.vector_store %arg12[%swap3A_201, %swap3A_202], %swap3A_205 {strides = array<i32>} : memref<80x64xf32, #tpu.memory_space<vmem>>, vector<1x16xf32>,
          %get3A_206 = arith.index_cast %add3A_170 : i32 to index
          %get3A_207 = arith.constant 48 : index
          %get3A_208 = tpu.vector_load %arg12[%get3A_206, %get3A_207] {strides = array<i32>} : memref<80x64xf32, #tpu.memory_space<vmem>>, vector<1x16xf32>,
          %get3A_209 = vector.shape_cast %get3A_208 : vector<1x16xf32> to vector<16xf32>
          %mul3A_210 = vector.broadcast %squeeze3A_172 : f32 to vector<16xf32>
          %mul3A_211 = arith.mulf %get3A_209, %mul3A_210 : vector<16xf32>
          %swap3A_212 = arith.index_cast %add3A_170 : i32 to index
          %swap3A_213 = arith.constant 48 : index
          %swap3A_214 = tpu.vector_load %arg12[%swap3A_212, %swap3A_213] {strides = array<i32>} : memref<80x64xf32, #tpu.memory_space<vmem>>, vector<1x16xf32>,
          %swap3A_215 = vector.shape_cast %swap3A_214 : vector<1x16xf32> to vector<16xf32>
          %swap3A_216 = vector.shape_cast %mul3A_211 : vector<16xf32> to vector<1x16xf32>
          tpu.vector_store %arg12[%swap3A_212, %swap3A_213], %swap3A_216 {strides = array<i32>} : memref<80x64xf32, #tpu.memory_space<vmem>>, vector<1x16xf32>,
          %mul3A_217 = arith.constant 16 : i32
          %mul3A_218 = arith.muli %scan3A_111, %mul3A_217 : i32
          %add3A_219 = arith.constant 2 : i32
          %add3A_220 = arith.addi %mul3A_218, %add3A_219 : i32
          %slice3A_221 = vector.extract_strided_slice %get3A_118 {offsets = [2], sizes = [1], strides = [1]} : vector<16xf32> to vector<1xf32>
          %squeeze3A_222 = vector.extract %slice3A_221[0] : f32 from vector<1xf32>
          %get3A_223 = arith.index_cast %add3A_220 : i32 to index
          %get3A_224 = arith.constant 0 : index
          %get3A_225 = tpu.vector_load %arg12[%get3A_223, %get3A_224] {strides = array<i32>} : memref<80x64xf32, #tpu.memory_space<vmem>>, vector<1x16xf32>,
          %get3A_226 = vector.shape_cast %get3A_225 : vector<1x16xf32> to vector<16xf32>
          %mul3A_227 = vector.broadcast %squeeze3A_222 : f32 to vector<16xf32>
          %mul3A_228 = arith.mulf %get3A_226, %mul3A_227 : vector<16xf32>
          %swap3A_229 = arith.index_cast %add3A_220 : i32 to index
          %swap3A_230 = arith.constant 0 : index
          %swap3A_231 = tpu.vector_load %arg12[%swap3A_229, %swap3A_230] {strides = array<i32>} : memref<80x64xf32, #tpu.memory_space<vmem>>, vector<1x16xf32>,
          %swap3A_232 = vector.shape_cast %swap3A_231 : vector<1x16xf32> to vector<16xf32>
          %swap3A_233 = vector.shape_cast %mul3A_228 : vector<16xf32> to vector<1x16xf32>
          tpu.vector_store %arg12[%swap3A_229, %swap3A_230], %swap3A_233 {strides = array<i32>} : memref<80x64xf32, #tpu.memory_space<vmem>>, vector<1x16xf32>,
          %get3A_234 = arith.index_cast %add3A_220 : i32 to index
          %get3A_235 = arith.constant 16 : index
          %get3A_236 = tpu.vector_load %arg12[%get3A_234, %get3A_235] {strides = array<i32>} : memref<80x64xf32, #tpu.memory_space<vmem>>, vector<1x16xf32>,
          %get3A_237 = vector.shape_cast %get3A_236 : vector<1x16xf32> to vector<16xf32>
          %mul3A_238 = vector.broadcast %squeeze3A_222 : f32 to vector<16xf32>
          %mul3A_239 = arith.mulf %get3A_237, %mul3A_238 : vector<16xf32>
          %swap3A_240 = arith.index_cast %add3A_220 : i32 to index
          %swap3A_241 = arith.constant 16 : index
          %swap3A_242 = tpu.vector_load %arg12[%swap3A_240, %swap3A_241] {strides = array<i32>} : memref<80x64xf32, #tpu.memory_space<vmem>>, vector<1x16xf32>,
          %swap3A_243 = vector.shape_cast %swap3A_242 : vector<1x16xf32> to vector<16xf32>
          %swap3A_244 = vector.shape_cast %mul3A_239 : vector<16xf32> to vector<1x16xf32>
          tpu.vector_store %arg12[%swap3A_240, %swap3A_241], %swap3A_244 {strides = array<i32>} : memref<80x64xf32, #tpu.memory_space<vmem>>, vector<1x16xf32>,
          %get3A_245 = arith.index_cast %add3A_220 : i32 to index
          %get3A_246 = arith.constant 32 : index
          %get3A_247 = tpu.vector_load %arg12[%get3A_245, %get3A_246] {strides = array<i32>} : memref<80x64xf32, #tpu.memory_space<vmem>>, vector<1x16xf32>,
          %get3A_248 = vector.shape_cast %get3A_247 : vector<1x16xf32> to vector<16xf32>
          %mul3A_249 = vector.broadcast %squeeze3A_222 : f32 to vector<16xf32>
          %mul3A_250 = arith.mulf %get3A_248, %mul3A_249 : vector<16xf32>
          %swap3A_251 = arith.index_cast %add3A_220 : i32 to index
          %swap3A_252 = arith.constant 32 : index
          %swap3A_253 = tpu.vector_load %arg12[%swap3A_251, %swap3A_252] {strides = array<i32>} : memref<80x64xf32, #tpu.memory_space<vmem>>, vector<1x16xf32>,
          %swap3A_254 = vector.shape_cast %swap3A_253 : vector<1x16xf32> to vector<16xf32>
          %swap3A_255 = vector.shape_cast %mul3A_250 : vector<16xf32> to vector<1x16xf32>
          tpu.vector_store %arg12[%swap3A_251, %swap3A_252], %swap3A_255 {strides = array<i32>} : memref<80x64xf32, #tpu.memory_space<vmem>>, vector<1x16xf32>,
          %get3A_256 = arith.index_cast %add3A_220 : i32 to index
          %get3A_257 = arith.constant 48 : index
          %get3A_258 = tpu.vector_load %arg12[%get3A_256, %get3A_257] {strides = array<i32>} : memref<80x64xf32, #tpu.memory_space<vmem>>, vector<1x16xf32>,
          %get3A_259 = vector.shape_cast %get3A_258 : vector<1x16xf32> to vector<16xf32>
          %mul3A_260 = vector.broadcast %squeeze3A_222 : f32 to vector<16xf32>
          %mul3A_261 = arith.mulf %get3A_259, %mul3A_260 : vector<16xf32>
          %swap3A_262 = arith.index_cast %add3A_220 : i32 to index
          %swap3A_263 = arith.constant 48 : index
          %swap3A_264 = tpu.vector_load %arg12[%swap3A_262, %swap3A_263] {strides = array<i32>} : memref<80x64xf32, #tpu.memory_space<vmem>>, vector<1x16xf32>,
          %swap3A_265 = vector.shape_cast %swap3A_264 : vector<1x16xf32> to vector<16xf32>
          %swap3A_266 = vector.shape_cast %mul3A_261 : vector<16xf32> to vector<1x16xf32>
          tpu.vector_store %arg12[%swap3A_262, %swap3A_263], %swap3A_266 {strides = array<i32>} : memref<80x64xf32, #tpu.memory_space<vmem>>, vector<1x16xf32>,
          %mul3A_267 = arith.constant 16 : i32
          %mul3A_268 = arith.muli %scan3A_111, %mul3A_267 : i32
          %add3A_269 = arith.constant 3 : i32
          %add3A_270 = arith.addi %mul3A_268, %add3A_269 : i32
          %slice3A_271 = vector.extract_strided_slice %get3A_118 {offsets = [3], sizes = [1], strides = [1]} : vector<16xf32> to vector<1xf32>
          %squeeze3A_272 = vector.extract %slice3A_271[0] : f32 from vector<1xf32>
          %get3A_273 = arith.index_cast %add3A_270 : i32 to index
          %get3A_274 = arith.constant 0 : index
          %get3A_275 = tpu.vector_load %arg12[%get3A_273, %get3A_274] {strides = array<i32>} : memref<80x64xf32, #tpu.memory_space<vmem>>, vector<1x16xf32>,
          %get3A_276 = vector.shape_cast %get3A_275 : vector<1x16xf32> to vector<16xf32>
          %mul3A_277 = vector.broadcast %squeeze3A_272 : f32 to vector<16xf32>
          %mul3A_278 = arith.mulf %get3A_276, %mul3A_277 : vector<16xf32>
          %swap3A_279 = arith.index_cast %add3A_270 : i32 to index
          %swap3A_280 = arith.constant 0 : index
          %swap3A_281 = tpu.vector_load %arg12[%swap3A_279, %swap3A_280] {strides = array<i32>} : memref<80x64xf32, #tpu.memory_space<vmem>>, vector<1x16xf32>,
          %swap3A_282 = vector.shape_cast %swap3A_281 : vector<1x16xf32> to vector<16xf32>
          %swap3A_283 = vector.shape_cast %mul3A_278 : vector<16xf32> to vector<1x16xf32>
          tpu.vector_store %arg12[%swap3A_279, %swap3A_280], %swap3A_283 {strides = array<i32>} : memref<80x64xf32, #tpu.memory_space<vmem>>, vector<1x16xf32>,
          %get3A_284 = arith.index_cast %add3A_270 : i32 to index
          %get3A_285 = arith.constant 16 : index
          %get3A_286 = tpu.vector_load %arg12[%get3A_284, %get3A_285] {strides = array<i32>} : memref<80x64xf32, #tpu.memory_space<vmem>>, vector<1x16xf32>,
          %get3A_287 = vector.shape_cast %get3A_286 : vector<1x16xf32> to vector<16xf32>
          %mul3A_288 = vector.broadcast %squeeze3A_272 : f32 to vector<16xf32>
          %mul3A_289 = arith.mulf %get3A_287, %mul3A_288 : vector<16xf32>
          %swap3A_290 = arith.index_cast %add3A_270 : i32 to index
          %swap3A_291 = arith.constant 16 : index
          %swap3A_292 = tpu.vector_load %arg12[%swap3A_290, %swap3A_291] {strides = array<i32>} : memref<80x64xf32, #tpu.memory_space<vmem>>, vector<1x16xf32>,
          %swap3A_293 = vector.shape_cast %swap3A_292 : vector<1x16xf32> to vector<16xf32>
          %swap3A_294 = vector.shape_cast %mul3A_289 : vector<16xf32> to vector<1x16xf32>
          tpu.vector_store %arg12[%swap3A_290, %swap3A_291], %swap3A_294 {strides = array<i32>} : memref<80x64xf32, #tpu.memory_space<vmem>>, vector<1x16xf32>,
          %get3A_295 = arith.index_cast %add3A_270 : i32 to index
          %get3A_296 = arith.constant 32 : index
          %get3A_297 = tpu.vector_load %arg12[%get3A_295, %get3A_296] {strides = array<i32>} : memref<80x64xf32, #tpu.memory_space<vmem>>, vector<1x16xf32>,
          %get3A_298 = vector.shape_cast %get3A_297 : vector<1x16xf32> to vector<16xf32>
          %mul3A_299 = vector.broadcast %squeeze3A_272 : f32 to vector<16xf32>
          %mul3A_300 = arith.mulf %get3A_298, %mul3A_299 : vector<16xf32>
          %swap3A_301 = arith.index_cast %add3A_270 : i32 to index
          %swap3A_302 = arith.constant 32 : index
          %swap3A_303 = tpu.vector_load %arg12[%swap3A_301, %swap3A_302] {strides = array<i32>} : memref<80x64xf32, #tpu.memory_space<vmem>>, vector<1x16xf32>,
          %swap3A_304 = vector.shape_cast %swap3A_303 : vector<1x16xf32> to vector<16xf32>
          %swap3A_305 = vector.shape_cast %mul3A_300 : vector<16xf32> to vector<1x16xf32>
          tpu.vector_store %arg12[%swap3A_301, %swap3A_302], %swap3A_305 {strides = array<i32>} : memref<80x64xf32, #tpu.memory_space<vmem>>, vector<1x16xf32>,
          %get3A_306 = arith.index_cast %add3A_270 : i32 to index
          %get3A_307 = arith.constant 48 : index
          %get3A_308 = tpu.vector_load %arg12[%get3A_306, %get3A_307] {strides = array<i32>} : memref<80x64xf32, #tpu.memory_space<vmem>>, vector<1x16xf32>,
          %get3A_309 = vector.shape_cast %get3A_308 : vector<1x16xf32> to vector<16xf32>
          %mul3A_310 = vector.broadcast %squeeze3A_272 : f32 to vector<16xf32>
          %mul3A_311 = arith.mulf %get3A_309, %mul3A_310 : vector<16xf32>
          %swap3A_312 = arith.index_cast %add3A_270 : i32 to index
          %swap3A_313 = arith.constant 48 : index
          %swap3A_314 = tpu.vector_load %arg12[%swap3A_312, %swap3A_313] {strides = array<i32>} : memref<80x64xf32, #tpu.memory_space<vmem>>, vector<1x16xf32>,
          %swap3A_315 = vector.shape_cast %swap3A_314 : vector<1x16xf32> to vector<16xf32>
          %swap3A_316 = vector.shape_cast %mul3A_311 : vector<16xf32> to vector<1x16xf32>
          tpu.vector_store %arg12[%swap3A_312, %swap3A_313], %swap3A_316 {strides = array<i32>} : memref<80x64xf32, #tpu.memory_space<vmem>>, vector<1x16xf32>,
          %mul3A_317 = arith.constant 16 : i32
          %mul3A_318 = arith.muli %scan3A_111, %mul3A_317 : i32
          %add3A_319 = arith.constant 4 : i32
          %add3A_320 = arith.addi %mul3A_318, %add3A_319 : i32
          %slice3A_321 = vector.extract_strided_slice %get3A_118 {offsets = [4], sizes = [1], strides = [1]} : vector<16xf32> to vector<1xf32>
          %squeeze3A_322 = vector.extract %slice3A_321[0] : f32 from vector<1xf32>
          %get3A_323 = arith.index_cast %add3A_320 : i32 to index
          %get3A_324 = arith.constant 0 : index
          %get3A_325 = tpu.vector_load %arg12[%get3A_323, %get3A_324] {strides = array<i32>} : memref<80x64xf32, #tpu.memory_space<vmem>>, vector<1x16xf32>,
          %get3A_326 = vector.shape_cast %get3A_325 : vector<1x16xf32> to vector<16xf32>
          %mul3A_327 = vector.broadcast %squeeze3A_322 : f32 to vector<16xf32>
          %mul3A_328 = arith.mulf %get3A_326, %mul3A_327 : vector<16xf32>
          %swap3A_329 = arith.index_cast %add3A_320 : i32 to index
          %swap3A_330 = arith.constant 0 : index
          %swap3A_331 = tpu.vector_load %arg12[%swap3A_329, %swap3A_330] {strides = array<i32>} : memref<80x64xf32, #tpu.memory_space<vmem>>, vector<1x16xf32>,
          %swap3A_332 = vector.shape_cast %swap3A_331 : vector<1x16xf32> to vector<16xf32>
          %swap3A_333 = vector.shape_cast %mul3A_328 : vector<16xf32> to vector<1x16xf32>
          tpu.vector_store %arg12[%swap3A_329, %swap3A_330], %swap3A_333 {strides = array<i32>} : memref<80x64xf32, #tpu.memory_space<vmem>>, vector<1x16xf32>,
          %get3A_334 = arith.index_cast %add3A_320 : i32 to index
          %get3A_335 = arith.constant 16 : index
          %get3A_336 = tpu.vector_load %arg12[%get3A_334, %get3A_335] {strides = array<i32>} : memref<80x64xf32, #tpu.memory_space<vmem>>, vector<1x16xf32>,
          %get3A_337 = vector.shape_cast %get3A_336 : vector<1x16xf32> to vector<16xf32>
          %mul3A_338 = vector.broadcast %squeeze3A_322 : f32 to vector<16xf32>
          %mul3A_339 = arith.mulf %get3A_337, %mul3A_338 : vector<16xf32>
          %swap3A_340 = arith.index_cast %add3A_320 : i32 to index
          %swap3A_341 = arith.constant 16 : index
          %swap3A_342 = tpu.vector_load %arg12[%swap3A_340, %swap3A_341] {strides = array<i32>} : memref<80x64xf32, #tpu.memory_space<vmem>>, vector<1x16xf32>,
          %swap3A_343 = vector.shape_cast %swap3A_342 : vector<1x16xf32> to vector<16xf32>
          %swap3A_344 = vector.shape_cast %mul3A_339 : vector<16xf32> to vector<1x16xf32>
          tpu.vector_store %arg12[%swap3A_340, %swap3A_341], %swap3A_344 {strides = array<i32>} : memref<80x64xf32, #tpu.memory_space<vmem>>, vector<1x16xf32>,
          %get3A_345 = arith.index_cast %add3A_320 : i32 to index
          %get3A_346 = arith.constant 32 : index
          %get3A_347 = tpu.vector_load %arg12[%get3A_345, %get3A_346] {strides = array<i32>} : memref<80x64xf32, #tpu.memory_space<vmem>>, vector<1x16xf32>,
          %get3A_348 = vector.shape_cast %get3A_347 : vector<1x16xf32> to vector<16xf32>
          %mul3A_349 = vector.broadcast %squeeze3A_322 : f32 to vector<16xf32>
          %mul3A_350 = arith.mulf %get3A_348, %mul3A_349 : vector<16xf32>
          %swap3A_351 = arith.index_cast %add3A_320 : i32 to index
          %swap3A_352 = arith.constant 32 : index
          %swap3A_353 = tpu.vector_load %arg12[%swap3A_351, %swap3A_352] {strides = array<i32>} : memref<80x64xf32, #tpu.memory_space<vmem>>, vector<1x16xf32>,
          %swap3A_354 = vector.shape_cast %swap3A_353 : vector<1x16xf32> to vector<16xf32>
          %swap3A_355 = vector.shape_cast %mul3A_350 : vector<16xf32> to vector<1x16xf32>
          tpu.vector_store %arg12[%swap3A_351, %swap3A_352], %swap3A_355 {strides = array<i32>} : memref<80x64xf32, #tpu.memory_space<vmem>>, vector<1x16xf32>,
          %get3A_356 = arith.index_cast %add3A_320 : i32 to index
          %get3A_357 = arith.constant 48 : index
          %get3A_358 = tpu.vector_load %arg12[%get3A_356, %get3A_357] {strides = array<i32>} : memref<80x64xf32, #tpu.memory_space<vmem>>, vector<1x16xf32>,
          %get3A_359 = vector.shape_cast %get3A_358 : vector<1x16xf32> to vector<16xf32>
          %mul3A_360 = vector.broadcast %squeeze3A_322 : f32 to vector<16xf32>
          %mul3A_361 = arith.mulf %get3A_359, %mul3A_360 : vector<16xf32>
          %swap3A_362 = arith.index_cast %add3A_320 : i32 to index
          %swap3A_363 = arith.constant 48 : index
          %swap3A_364 = tpu.vector_load %arg12[%swap3A_362, %swap3A_363] {strides = array<i32>} : memref<80x64xf32, #tpu.memory_space<vmem>>, vector<1x16xf32>,
          %swap3A_365 = vector.shape_cast %swap3A_364 : vector<1x16xf32> to vector<16xf32>
          %swap3A_366 = vector.shape_cast %mul3A_361 : vector<16xf32> to vector<1x16xf32>
          tpu.vector_store %arg12[%swap3A_362, %swap3A_363], %swap3A_366 {strides = array<i32>} : memref<80x64xf32, #tpu.memory_space<vmem>>, vector<1x16xf32>,
          %mul3A_367 = arith.constant 16 : i32
          %mul3A_368 = arith.muli %scan3A_111, %mul3A_367 : i32
          %add3A_369 = arith.constant 5 : i32
          %add3A_370 = arith.addi %mul3A_368, %add3A_369 : i32
          %slice3A_371 = vector.extract_strided_slice %get3A_118 {offsets = [5], sizes = [1], strides = [1]} : vector<16xf32> to vector<1xf32>
          %squeeze3A_372 = vector.extract %slice3A_371[0] : f32 from vector<1xf32>
          %get3A_373 = arith.index_cast %add3A_370 : i32 to index
          %get3A_374 = arith.constant 0 : index
          %get3A_375 = tpu.vector_load %arg12[%get3A_373, %get3A_374] {strides = array<i32>} : memref<80x64xf32, #tpu.memory_space<vmem>>, vector<1x16xf32>,
          %get3A_376 = vector.shape_cast %get3A_375 : vector<1x16xf32> to vector<16xf32>
          %mul3A_377 = vector.broadcast %squeeze3A_372 : f32 to vector<16xf32>
          %mul3A_378 = arith.mulf %get3A_376, %mul3A_377 : vector<16xf32>
          %swap3A_379 = arith.index_cast %add3A_370 : i32 to index
          %swap3A_380 = arith.constant 0 : index
          %swap3A_381 = tpu.vector_load %arg12[%swap3A_379, %swap3A_380] {strides = array<i32>} : memref<80x64xf32, #tpu.memory_space<vmem>>, vector<1x16xf32>,
          %swap3A_382 = vector.shape_cast %swap3A_381 : vector<1x16xf32> to vector<16xf32>
          %swap3A_383 = vector.shape_cast %mul3A_378 : vector<16xf32> to vector<1x16xf32>
          tpu.vector_store %arg12[%swap3A_379, %swap3A_380], %swap3A_383 {strides = array<i32>} : memref<80x64xf32, #tpu.memory_space<vmem>>, vector<1x16xf32>,
          %get3A_384 = arith.index_cast %add3A_370 : i32 to index
          %get3A_385 = arith.constant 16 : index
          %get3A_386 = tpu.vector_load %arg12[%get3A_384, %get3A_385] {strides = array<i32>} : memref<80x64xf32, #tpu.memory_space<vmem>>, vector<1x16xf32>,
          %get3A_387 = vector.shape_cast %get3A_386 : vector<1x16xf32> to vector<16xf32>
          %mul3A_388 = vector.broadcast %squeeze3A_372 : f32 to vector<16xf32>
          %mul3A_389 = arith.mulf %get3A_387, %mul3A_388 : vector<16xf32>
          %swap3A_390 = arith.index_cast %add3A_370 : i32 to index
          %swap3A_391 = arith.constant 16 : index
          %swap3A_392 = tpu.vector_load %arg12[%swap3A_390, %swap3A_391] {strides = array<i32>} : memref<80x64xf32, #tpu.memory_space<vmem>>, vector<1x16xf32>,
          %swap3A_393 = vector.shape_cast %swap3A_392 : vector<1x16xf32> to vector<16xf32>
          %swap3A_394 = vector.shape_cast %mul3A_389 : vector<16xf32> to vector<1x16xf32>
          tpu.vector_store %arg12[%swap3A_390, %swap3A_391], %swap3A_394 {strides = array<i32>} : memref<80x64xf32, #tpu.memory_space<vmem>>, vector<1x16xf32>,
          %get3A_395 = arith.index_cast %add3A_370 : i32 to index
          %get3A_396 = arith.constant 32 : index
          %get3A_397 = tpu.vector_load %arg12[%get3A_395, %get3A_396] {strides = array<i32>} : memref<80x64xf32, #tpu.memory_space<vmem>>, vector<1x16xf32>,
          %get3A_398 = vector.shape_cast %get3A_397 : vector<1x16xf32> to vector<16xf32>
          %mul3A_399 = vector.broadcast %squeeze3A_372 : f32 to vector<16xf32>
          %mul3A_400 = arith.mulf %get3A_398, %mul3A_399 : vector<16xf32>
          %swap3A_401 = arith.index_cast %add3A_370 : i32 to index
          %swap3A_402 = arith.constant 32 : index
          %swap3A_403 = tpu.vector_load %arg12[%swap3A_401, %swap3A_402] {strides = array<i32>} : memref<80x64xf32, #tpu.memory_space<vmem>>, vector<1x16xf32>,
          %swap3A_404 = vector.shape_cast %swap3A_403 : vector<1x16xf32> to vector<16xf32>
          %swap3A_405 = vector.shape_cast %mul3A_400 : vector<16xf32> to vector<1x16xf32>
          tpu.vector_store %arg12[%swap3A_401, %swap3A_402], %swap3A_405 {strides = array<i32>} : memref<80x64xf32, #tpu.memory_space<vmem>>, vector<1x16xf32>,
          %get3A_406 = arith.index_cast %add3A_370 : i32 to index
          %get3A_407 = arith.constant 48 : index
          %get3A_408 = tpu.vector_load %arg12[%get3A_406, %get3A_407] {strides = array<i32>} : memref<80x64xf32, #tpu.memory_space<vmem>>, vector<1x16xf32>,
          %get3A_409 = vector.shape_cast %get3A_408 : vector<1x16xf32> to vector<16xf32>
          %mul3A_410 = vector.broadcast %squeeze3A_372 : f32 to vector<16xf32>
          %mul3A_411 = arith.mulf %get3A_409, %mul3A_410 : vector<16xf32>
          %swap3A_412 = arith.index_cast %add3A_370 : i32 to index
          %swap3A_413 = arith.constant 48 : index
          %swap3A_414 = tpu.vector_load %arg12[%swap3A_412, %swap3A_413] {strides = array<i32>} : memref<80x64xf32, #tpu.memory_space<vmem>>, vector<1x16xf32>,
          %swap3A_415 = vector.shape_cast %swap3A_414 : vector<1x16xf32> to vector<16xf32>
          %swap3A_416 = vector.shape_cast %mul3A_411 : vector<16xf32> to vector<1x16xf32>
          tpu.vector_store %arg12[%swap3A_412, %swap3A_413], %swap3A_416 {strides = array<i32>} : memref<80x64xf32, #tpu.memory_space<vmem>>, vector<1x16xf32>,
          %mul3A_417 = arith.constant 16 : i32
          %mul3A_418 = arith.muli %scan3A_111, %mul3A_417 : i32
          %add3A_419 = arith.constant 6 : i32
          %add3A_420 = arith.addi %mul3A_418, %add3A_419 : i32
          %slice3A_421 = vector.extract_strided_slice %get3A_118 {offsets = [6], sizes = [1], strides = [1]} : vector<16xf32> to vector<1xf32>
          %squeeze3A_422 = vector.extract %slice3A_421[0] : f32 from vector<1xf32>
          %get3A_423 = arith.index_cast %add3A_420 : i32 to index
          %get3A_424 = arith.constant 0 : index
          %get3A_425 = tpu.vector_load %arg12[%get3A_423, %get3A_424] {strides = array<i32>} : memref<80x64xf32, #tpu.memory_space<vmem>>, vector<1x16xf32>,
          %get3A_426 = vector.shape_cast %get3A_425 : vector<1x16xf32> to vector<16xf32>
          %mul3A_427 = vector.broadcast %squeeze3A_422 : f32 to vector<16xf32>
          %mul3A_428 = arith.mulf %get3A_426, %mul3A_427 : vector<16xf32>
          %swap3A_429 = arith.index_cast %add3A_420 : i32 to index
          %swap3A_430 = arith.constant 0 : index
          %swap3A_431 = tpu.vector_load %arg12[%swap3A_429, %swap3A_430] {strides = array<i32>} : memref<80x64xf32, #tpu.memory_space<vmem>>, vector<1x16xf32>,
          %swap3A_432 = vector.shape_cast %swap3A_431 : vector<1x16xf32> to vector<16xf32>
          %swap3A_433 = vector.shape_cast %mul3A_428 : vector<16xf32> to vector<1x16xf32>
          tpu.vector_store %arg12[%swap3A_429, %swap3A_430], %swap3A_433 {strides = array<i32>} : memref<80x64xf32, #tpu.memory_space<vmem>>, vector<1x16xf32>,
          %get3A_434 = arith.index_cast %add3A_420 : i32 to index
          %get3A_435 = arith.constant 16 : index
          %get3A_436 = tpu.vector_load %arg12[%get3A_434, %get3A_435] {strides = array<i32>} : memref<80x64xf32, #tpu.memory_space<vmem>>, vector<1x16xf32>,
          %get3A_437 = vector.shape_cast %get3A_436 : vector<1x16xf32> to vector<16xf32>
          %mul3A_438 = vector.broadcast %squeeze3A_422 : f32 to vector<16xf32>
          %mul3A_439 = arith.mulf %get3A_437, %mul3A_438 : vector<16xf32>
          %swap3A_440 = arith.index_cast %add3A_420 : i32 to index
          %swap3A_441 = arith.constant 16 : index
          %swap3A_442 = tpu.vector_load %arg12[%swap3A_440, %swap3A_441] {strides = array<i32>} : memref<80x64xf32, #tpu.memory_space<vmem>>, vector<1x16xf32>,
          %swap3A_443 = vector.shape_cast %swap3A_442 : vector<1x16xf32> to vector<16xf32>
          %swap3A_444 = vector.shape_cast %mul3A_439 : vector<16xf32> to vector<1x16xf32>
          tpu.vector_store %arg12[%swap3A_440, %swap3A_441], %swap3A_444 {strides = array<i32>} : memref<80x64xf32, #tpu.memory_space<vmem>>, vector<1x16xf32>,
          %get3A_445 = arith.index_cast %add3A_420 : i32 to index
          %get3A_446 = arith.constant 32 : index
          %get3A_447 = tpu.vector_load %arg12[%get3A_445, %get3A_446] {strides = array<i32>} : memref<80x64xf32, #tpu.memory_space<vmem>>, vector<1x16xf32>,
          %get3A_448 = vector.shape_cast %get3A_447 : vector<1x16xf32> to vector<16xf32>
          %mul3A_449 = vector.broadcast %squeeze3A_422 : f32 to vector<16xf32>
          %mul3A_450 = arith.mulf %get3A_448, %mul3A_449 : vector<16xf32>
          %swap3A_451 = arith.index_cast %add3A_420 : i32 to index
          %swap3A_452 = arith.constant 32 : index
          %swap3A_453 = tpu.vector_load %arg12[%swap3A_451, %swap3A_452] {strides = array<i32>} : memref<80x64xf32, #tpu.memory_space<vmem>>, vector<1x16xf32>,
          %swap3A_454 = vector.shape_cast %swap3A_453 : vector<1x16xf32> to vector<16xf32>
          %swap3A_455 = vector.shape_cast %mul3A_450 : vector<16xf32> to vector<1x16xf32>
          tpu.vector_store %arg12[%swap3A_451, %swap3A_452], %swap3A_455 {strides = array<i32>} : memref<80x64xf32, #tpu.memory_space<vmem>>, vector<1x16xf32>,
          %get3A_456 = arith.index_cast %add3A_420 : i32 to index
          %get3A_457 = arith.constant 48 : index
          %get3A_458 = tpu.vector_load %arg12[%get3A_456, %get3A_457] {strides = array<i32>} : memref<80x64xf32, #tpu.memory_space<vmem>>, vector<1x16xf32>,
          %get3A_459 = vector.shape_cast %get3A_458 : vector<1x16xf32> to vector<16xf32>
          %mul3A_460 = vector.broadcast %squeeze3A_422 : f32 to vector<16xf32>
          %mul3A_461 = arith.mulf %get3A_459, %mul3A_460 : vector<16xf32>
          %swap3A_462 = arith.index_cast %add3A_420 : i32 to index
          %swap3A_463 = arith.constant 48 : index
          %swap3A_464 = tpu.vector_load %arg12[%swap3A_462, %swap3A_463] {strides = array<i32>} : memref<80x64xf32, #tpu.memory_space<vmem>>, vector<1x16xf32>,
          %swap3A_465 = vector.shape_cast %swap3A_464 : vector<1x16xf32> to vector<16xf32>
          %swap3A_466 = vector.shape_cast %mul3A_461 : vector<16xf32> to vector<1x16xf32>
          tpu.vector_store %arg12[%swap3A_462, %swap3A_463], %swap3A_466 {strides = array<i32>} : memref<80x64xf32, #tpu.memory_space<vmem>>, vector<1x16xf32>,
          %mul3A_467 = arith.constant 16 : i32
          %mul3A_468 = arith.muli %scan3A_111, %mul3A_467 : i32
          %add3A_469 = arith.constant 7 : i32
          %add3A_470 = arith.addi %mul3A_468, %add3A_469 : i32
          %slice3A_471 = vector.extract_strided_slice %get3A_118 {offsets = [7], sizes = [1], strides = [1]} : vector<16xf32> to vector<1xf32>
          %squeeze3A_472 = vector.extract %slice3A_471[0] : f32 from vector<1xf32>
          %get3A_473 = arith.index_cast %add3A_470 : i32 to index
          %get3A_474 = arith.constant 0 : index
          %get3A_475 = tpu.vector_load %arg12[%get3A_473, %get3A_474] {strides = array<i32>} : memref<80x64xf32, #tpu.memory_space<vmem>>, vector<1x16xf32>,
          %get3A_476 = vector.shape_cast %get3A_475 : vector<1x16xf32> to vector<16xf32>
          %mul3A_477 = vector.broadcast %squeeze3A_472 : f32 to vector<16xf32>
          %mul3A_478 = arith.mulf %get3A_476, %mul3A_477 : vector<16xf32>
          %swap3A_479 = arith.index_cast %add3A_470 : i32 to index
          %swap3A_480 = arith.constant 0 : index
          %swap3A_481 = tpu.vector_load %arg12[%swap3A_479, %swap3A_480] {strides = array<i32>} : memref<80x64xf32, #tpu.memory_space<vmem>>, vector<1x16xf32>,
          %swap3A_482 = vector.shape_cast %swap3A_481 : vector<1x16xf32> to vector<16xf32>
          %swap3A_483 = vector.shape_cast %mul3A_478 : vector<16xf32> to vector<1x16xf32>
          tpu.vector_store %arg12[%swap3A_479, %swap3A_480], %swap3A_483 {strides = array<i32>} : memref<80x64xf32, #tpu.memory_space<vmem>>, vector<1x16xf32>,
          %get3A_484 = arith.index_cast %add3A_470 : i32 to index
          %get3A_485 = arith.constant 16 : index
          %get3A_486 = tpu.vector_load %arg12[%get3A_484, %get3A_485] {strides = array<i32>} : memref<80x64xf32, #tpu.memory_space<vmem>>, vector<1x16xf32>,
          %get3A_487 = vector.shape_cast %get3A_486 : vector<1x16xf32> to vector<16xf32>
          %mul3A_488 = vector.broadcast %squeeze3A_472 : f32 to vector<16xf32>
          %mul3A_489 = arith.mulf %get3A_487, %mul3A_488 : vector<16xf32>
          %swap3A_490 = arith.index_cast %add3A_470 : i32 to index
          %swap3A_491 = arith.constant 16 : index
          %swap3A_492 = tpu.vector_load %arg12[%swap3A_490, %swap3A_491] {strides = array<i32>} : memref<80x64xf32, #tpu.memory_space<vmem>>, vector<1x16xf32>,
          %swap3A_493 = vector.shape_cast %swap3A_492 : vector<1x16xf32> to vector<16xf32>
          %swap3A_494 = vector.shape_cast %mul3A_489 : vector<16xf32> to vector<1x16xf32>
          tpu.vector_store %arg12[%swap3A_490, %swap3A_491], %swap3A_494 {strides = array<i32>} : memref<80x64xf32, #tpu.memory_space<vmem>>, vector<1x16xf32>,
          %get3A_495 = arith.index_cast %add3A_470 : i32 to index
          %get3A_496 = arith.constant 32 : index
          %get3A_497 = tpu.vector_load %arg12[%get3A_495, %get3A_496] {strides = array<i32>} : memref<80x64xf32, #tpu.memory_space<vmem>>, vector<1x16xf32>,
          %get3A_498 = vector.shape_cast %get3A_497 : vector<1x16xf32> to vector<16xf32>
          %mul3A_499 = vector.broadcast %squeeze3A_472 : f32 to vector<16xf32>
          %mul3A_500 = arith.mulf %get3A_498, %mul3A_499 : vector<16xf32>
          %swap3A_501 = arith.index_cast %add3A_470 : i32 to index
          %swap3A_502 = arith.constant 32 : index
          %swap3A_503 = tpu.vector_load %arg12[%swap3A_501, %swap3A_502] {strides = array<i32>} : memref<80x64xf32, #tpu.memory_space<vmem>>, vector<1x16xf32>,
          %swap3A_504 = vector.shape_cast %swap3A_503 : vector<1x16xf32> to vector<16xf32>
          %swap3A_505 = vector.shape_cast %mul3A_500 : vector<16xf32> to vector<1x16xf32>
          tpu.vector_store %arg12[%swap3A_501, %swap3A_502], %swap3A_505 {strides = array<i32>} : memref<80x64xf32, #tpu.memory_space<vmem>>, vector<1x16xf32>,
          %get3A_506 = arith.index_cast %add3A_470 : i32 to index
          %get3A_507 = arith.constant 48 : index
          %get3A_508 = tpu.vector_load %arg12[%get3A_506, %get3A_507] {strides = array<i32>} : memref<80x64xf32, #tpu.memory_space<vmem>>, vector<1x16xf32>,
          %get3A_509 = vector.shape_cast %get3A_508 : vector<1x16xf32> to vector<16xf32>
          %mul3A_510 = vector.broadcast %squeeze3A_472 : f32 to vector<16xf32>
          %mul3A_511 = arith.mulf %get3A_509, %mul3A_510 : vector<16xf32>
          %swap3A_512 = arith.index_cast %add3A_470 : i32 to index
          %swap3A_513 = arith.constant 48 : index
          %swap3A_514 = tpu.vector_load %arg12[%swap3A_512, %swap3A_513] {strides = array<i32>} : memref<80x64xf32, #tpu.memory_space<vmem>>, vector<1x16xf32>,
          %swap3A_515 = vector.shape_cast %swap3A_514 : vector<1x16xf32> to vector<16xf32>
          %swap3A_516 = vector.shape_cast %mul3A_511 : vector<16xf32> to vector<1x16xf32>
          tpu.vector_store %arg12[%swap3A_512, %swap3A_513], %swap3A_516 {strides = array<i32>} : memref<80x64xf32, #tpu.memory_space<vmem>>, vector<1x16xf32>,
          %mul3A_517 = arith.constant 16 : i32
          %mul3A_518 = arith.muli %scan3A_111, %mul3A_517 : i32
          %add3A_519 = arith.constant 8 : i32
          %add3A_520 = arith.addi %mul3A_518, %add3A_519 : i32
          %slice3A_521 = vector.extract_strided_slice %get3A_118 {offsets = [8], sizes = [1], strides = [1]} : vector<16xf32> to vector<1xf32>
          %squeeze3A_522 = vector.extract %slice3A_521[0] : f32 from vector<1xf32>
          %get3A_523 = arith.index_cast %add3A_520 : i32 to index
          %get3A_524 = arith.constant 0 : index
          %get3A_525 = tpu.vector_load %arg12[%get3A_523, %get3A_524] {strides = array<i32>} : memref<80x64xf32, #tpu.memory_space<vmem>>, vector<1x16xf32>,
          %get3A_526 = vector.shape_cast %get3A_525 : vector<1x16xf32> to vector<16xf32>
          %mul3A_527 = vector.broadcast %squeeze3A_522 : f32 to vector<16xf32>
          %mul3A_528 = arith.mulf %get3A_526, %mul3A_527 : vector<16xf32>
          %swap3A_529 = arith.index_cast %add3A_520 : i32 to index
          %swap3A_530 = arith.constant 0 : index
          %swap3A_531 = tpu.vector_load %arg12[%swap3A_529, %swap3A_530] {strides = array<i32>} : memref<80x64xf32, #tpu.memory_space<vmem>>, vector<1x16xf32>,
          %swap3A_532 = vector.shape_cast %swap3A_531 : vector<1x16xf32> to vector<16xf32>
          %swap3A_533 = vector.shape_cast %mul3A_528 : vector<16xf32> to vector<1x16xf32>
          tpu.vector_store %arg12[%swap3A_529, %swap3A_530], %swap3A_533 {strides = array<i32>} : memref<80x64xf32, #tpu.memory_space<vmem>>, vector<1x16xf32>,
          %get3A_534 = arith.index_cast %add3A_520 : i32 to index
          %get3A_535 = arith.constant 16 : index
          %get3A_536 = tpu.vector_load %arg12[%get3A_534, %get3A_535] {strides = array<i32>} : memref<80x64xf32, #tpu.memory_space<vmem>>, vector<1x16xf32>,
          %get3A_537 = vector.shape_cast %get3A_536 : vector<1x16xf32> to vector<16xf32>
          %mul3A_538 = vector.broadcast %squeeze3A_522 : f32 to vector<16xf32>
          %mul3A_539 = arith.mulf %get3A_537, %mul3A_538 : vector<16xf32>
          %swap3A_540 = arith.index_cast %add3A_520 : i32 to index
          %swap3A_541 = arith.constant 16 : index
          %swap3A_542 = tpu.vector_load %arg12[%swap3A_540, %swap3A_541] {strides = array<i32>} : memref<80x64xf32, #tpu.memory_space<vmem>>, vector<1x16xf32>,
          %swap3A_543 = vector.shape_cast %swap3A_542 : vector<1x16xf32> to vector<16xf32>
          %swap3A_544 = vector.shape_cast %mul3A_539 : vector<16xf32> to vector<1x16xf32>
          tpu.vector_store %arg12[%swap3A_540, %swap3A_541], %swap3A_544 {strides = array<i32>} : memref<80x64xf32, #tpu.memory_space<vmem>>, vector<1x16xf32>,
          %get3A_545 = arith.index_cast %add3A_520 : i32 to index
          %get3A_546 = arith.constant 32 : index
          %get3A_547 = tpu.vector_load %arg12[%get3A_545, %get3A_546] {strides = array<i32>} : memref<80x64xf32, #tpu.memory_space<vmem>>, vector<1x16xf32>,
          %get3A_548 = vector.shape_cast %get3A_547 : vector<1x16xf32> to vector<16xf32>
          %mul3A_549 = vector.broadcast %squeeze3A_522 : f32 to vector<16xf32>
          %mul3A_550 = arith.mulf %get3A_548, %mul3A_549 : vector<16xf32>
          %swap3A_551 = arith.index_cast %add3A_520 : i32 to index
          %swap3A_552 = arith.constant 32 : index
          %swap3A_553 = tpu.vector_load %arg12[%swap3A_551, %swap3A_552] {strides = array<i32>} : memref<80x64xf32, #tpu.memory_space<vmem>>, vector<1x16xf32>,
          %swap3A_554 = vector.shape_cast %swap3A_553 : vector<1x16xf32> to vector<16xf32>
          %swap3A_555 = vector.shape_cast %mul3A_550 : vector<16xf32> to vector<1x16xf32>
          tpu.vector_store %arg12[%swap3A_551, %swap3A_552], %swap3A_555 {strides = array<i32>} : memref<80x64xf32, #tpu.memory_space<vmem>>, vector<1x16xf32>,
          %get3A_556 = arith.index_cast %add3A_520 : i32 to index
          %get3A_557 = arith.constant 48 : index
          %get3A_558 = tpu.vector_load %arg12[%get3A_556, %get3A_557] {strides = array<i32>} : memref<80x64xf32, #tpu.memory_space<vmem>>, vector<1x16xf32>,
          %get3A_559 = vector.shape_cast %get3A_558 : vector<1x16xf32> to vector<16xf32>
          %mul3A_560 = vector.broadcast %squeeze3A_522 : f32 to vector<16xf32>
          %mul3A_561 = arith.mulf %get3A_559, %mul3A_560 : vector<16xf32>
          %swap3A_562 = arith.index_cast %add3A_520 : i32 to index
          %swap3A_563 = arith.constant 48 : index
          %swap3A_564 = tpu.vector_load %arg12[%swap3A_562, %swap3A_563] {strides = array<i32>} : memref<80x64xf32, #tpu.memory_space<vmem>>, vector<1x16xf32>,
          %swap3A_565 = vector.shape_cast %swap3A_564 : vector<1x16xf32> to vector<16xf32>
          %swap3A_566 = vector.shape_cast %mul3A_561 : vector<16xf32> to vector<1x16xf32>
          tpu.vector_store %arg12[%swap3A_562, %swap3A_563], %swap3A_566 {strides = array<i32>} : memref<80x64xf32, #tpu.memory_space<vmem>>, vector<1x16xf32>,
          %mul3A_567 = arith.constant 16 : i32
          %mul3A_568 = arith.muli %scan3A_111, %mul3A_567 : i32
          %add3A_569 = arith.constant 9 : i32
          %add3A_570 = arith.addi %mul3A_568, %add3A_569 : i32
          %slice3A_571 = vector.extract_strided_slice %get3A_118 {offsets = [9], sizes = [1], strides = [1]} : vector<16xf32> to vector<1xf32>
          %squeeze3A_572 = vector.extract %slice3A_571[0] : f32 from vector<1xf32>
          %get3A_573 = arith.index_cast %add3A_570 : i32 to index
          %get3A_574 = arith.constant 0 : index
          %get3A_575 = tpu.vector_load %arg12[%get3A_573, %get3A_574] {strides = array<i32>} : memref<80x64xf32, #tpu.memory_space<vmem>>, vector<1x16xf32>,
          %get3A_576 = vector.shape_cast %get3A_575 : vector<1x16xf32> to vector<16xf32>
          %mul3A_577 = vector.broadcast %squeeze3A_572 : f32 to vector<16xf32>
          %mul3A_578 = arith.mulf %get3A_576, %mul3A_577 : vector<16xf32>
          %swap3A_579 = arith.index_cast %add3A_570 : i32 to index
          %swap3A_580 = arith.constant 0 : index
          %swap3A_581 = tpu.vector_load %arg12[%swap3A_579, %swap3A_580] {strides = array<i32>} : memref<80x64xf32, #tpu.memory_space<vmem>>, vector<1x16xf32>,
          %swap3A_582 = vector.shape_cast %swap3A_581 : vector<1x16xf32> to vector<16xf32>
          %swap3A_583 = vector.shape_cast %mul3A_578 : vector<16xf32> to vector<1x16xf32>
          tpu.vector_store %arg12[%swap3A_579, %swap3A_580], %swap3A_583 {strides = array<i32>} : memref<80x64xf32, #tpu.memory_space<vmem>>, vector<1x16xf32>,
          %get3A_584 = arith.index_cast %add3A_570 : i32 to index
          %get3A_585 = arith.constant 16 : index
          %get3A_586 = tpu.vector_load %arg12[%get3A_584, %get3A_585] {strides = array<i32>} : memref<80x64xf32, #tpu.memory_space<vmem>>, vector<1x16xf32>,
          %get3A_587 = vector.shape_cast %get3A_586 : vector<1x16xf32> to vector<16xf32>
          %mul3A_588 = vector.broadcast %squeeze3A_572 : f32 to vector<16xf32>
          %mul3A_589 = arith.mulf %get3A_587, %mul3A_588 : vector<16xf32>
          %swap3A_590 = arith.index_cast %add3A_570 : i32 to index
          %swap3A_591 = arith.constant 16 : index
          %swap3A_592 = tpu.vector_load %arg12[%swap3A_590, %swap3A_591] {strides = array<i32>} : memref<80x64xf32, #tpu.memory_space<vmem>>, vector<1x16xf32>,
          %swap3A_593 = vector.shape_cast %swap3A_592 : vector<1x16xf32> to vector<16xf32>
          %swap3A_594 = vector.shape_cast %mul3A_589 : vector<16xf32> to vector<1x16xf32>
          tpu.vector_store %arg12[%swap3A_590, %swap3A_591], %swap3A_594 {strides = array<i32>} : memref<80x64xf32, #tpu.memory_space<vmem>>, vector<1x16xf32>,
          %get3A_595 = arith.index_cast %add3A_570 : i32 to index
          %get3A_596 = arith.constant 32 : index
          %get3A_597 = tpu.vector_load %arg12[%get3A_595, %get3A_596] {strides = array<i32>} : memref<80x64xf32, #tpu.memory_space<vmem>>, vector<1x16xf32>,
          %get3A_598 = vector.shape_cast %get3A_597 : vector<1x16xf32> to vector<16xf32>
          %mul3A_599 = vector.broadcast %squeeze3A_572 : f32 to vector<16xf32>
          %mul3A_600 = arith.mulf %get3A_598, %mul3A_599 : vector<16xf32>
          %swap3A_601 = arith.index_cast %add3A_570 : i32 to index
          %swap3A_602 = arith.constant 32 : index
          %swap3A_603 = tpu.vector_load %arg12[%swap3A_601, %swap3A_602] {strides = array<i32>} : memref<80x64xf32, #tpu.memory_space<vmem>>, vector<1x16xf32>,
          %swap3A_604 = vector.shape_cast %swap3A_603 : vector<1x16xf32> to vector<16xf32>
          %swap3A_605 = vector.shape_cast %mul3A_600 : vector<16xf32> to vector<1x16xf32>
          tpu.vector_store %arg12[%swap3A_601, %swap3A_602], %swap3A_605 {strides = array<i32>} : memref<80x64xf32, #tpu.memory_space<vmem>>, vector<1x16xf32>,
          %get3A_606 = arith.index_cast %add3A_570 : i32 to index
          %get3A_607 = arith.constant 48 : index
          %get3A_608 = tpu.vector_load %arg12[%get3A_606, %get3A_607] {strides = array<i32>} : memref<80x64xf32, #tpu.memory_space<vmem>>, vector<1x16xf32>,
          %get3A_609 = vector.shape_cast %get3A_608 : vector<1x16xf32> to vector<16xf32>
          %mul3A_610 = vector.broadcast %squeeze3A_572 : f32 to vector<16xf32>
          %mul3A_611 = arith.mulf %get3A_609, %mul3A_610 : vector<16xf32>
          %swap3A_612 = arith.index_cast %add3A_570 : i32 to index
          %swap3A_613 = arith.constant 48 : index
          %swap3A_614 = tpu.vector_load %arg12[%swap3A_612, %swap3A_613] {strides = array<i32>} : memref<80x64xf32, #tpu.memory_space<vmem>>, vector<1x16xf32>,
          %swap3A_615 = vector.shape_cast %swap3A_614 : vector<1x16xf32> to vector<16xf32>
          %swap3A_616 = vector.shape_cast %mul3A_611 : vector<16xf32> to vector<1x16xf32>
          tpu.vector_store %arg12[%swap3A_612, %swap3A_613], %swap3A_616 {strides = array<i32>} : memref<80x64xf32, #tpu.memory_space<vmem>>, vector<1x16xf32>,
          %mul3A_617 = arith.constant 16 : i32
          %mul3A_618 = arith.muli %scan3A_111, %mul3A_617 : i32
          %add3A_619 = arith.constant 10 : i32
          %add3A_620 = arith.addi %mul3A_618, %add3A_619 : i32
          %slice3A_621 = vector.extract_strided_slice %get3A_118 {offsets = [10], sizes = [1], strides = [1]} : vector<16xf32> to vector<1xf32>
          %squeeze3A_622 = vector.extract %slice3A_621[0] : f32 from vector<1xf32>
          %get3A_623 = arith.index_cast %add3A_620 : i32 to index
          %get3A_624 = arith.constant 0 : index
          %get3A_625 = tpu.vector_load %arg12[%get3A_623, %get3A_624] {strides = array<i32>} : memref<80x64xf32, #tpu.memory_space<vmem>>, vector<1x16xf32>,
          %get3A_626 = vector.shape_cast %get3A_625 : vector<1x16xf32> to vector<16xf32>
          %mul3A_627 = vector.broadcast %squeeze3A_622 : f32 to vector<16xf32>
          %mul3A_628 = arith.mulf %get3A_626, %mul3A_627 : vector<16xf32>
          %swap3A_629 = arith.index_cast %add3A_620 : i32 to index
          %swap3A_630 = arith.constant 0 : index
          %swap3A_631 = tpu.vector_load %arg12[%swap3A_629, %swap3A_630] {strides = array<i32>} : memref<80x64xf32, #tpu.memory_space<vmem>>, vector<1x16xf32>,
          %swap3A_632 = vector.shape_cast %swap3A_631 : vector<1x16xf32> to vector<16xf32>
          %swap3A_633 = vector.shape_cast %mul3A_628 : vector<16xf32> to vector<1x16xf32>
          tpu.vector_store %arg12[%swap3A_629, %swap3A_630], %swap3A_633 {strides = array<i32>} : memref<80x64xf32, #tpu.memory_space<vmem>>, vector<1x16xf32>,
          %get3A_634 = arith.index_cast %add3A_620 : i32 to index
          %get3A_635 = arith.constant 16 : index
          %get3A_636 = tpu.vector_load %arg12[%get3A_634, %get3A_635] {strides = array<i32>} : memref<80x64xf32, #tpu.memory_space<vmem>>, vector<1x16xf32>,
          %get3A_637 = vector.shape_cast %get3A_636 : vector<1x16xf32> to vector<16xf32>
          %mul3A_638 = vector.broadcast %squeeze3A_622 : f32 to vector<16xf32>
          %mul3A_639 = arith.mulf %get3A_637, %mul3A_638 : vector<16xf32>
          %swap3A_640 = arith.index_cast %add3A_620 : i32 to index
          %swap3A_641 = arith.constant 16 : index
          %swap3A_642 = tpu.vector_load %arg12[%swap3A_640, %swap3A_641] {strides = array<i32>} : memref<80x64xf32, #tpu.memory_space<vmem>>, vector<1x16xf32>,
          %swap3A_643 = vector.shape_cast %swap3A_642 : vector<1x16xf32> to vector<16xf32>
          %swap3A_644 = vector.shape_cast %mul3A_639 : vector<16xf32> to vector<1x16xf32>
          tpu.vector_store %arg12[%swap3A_640, %swap3A_641], %swap3A_644 {strides = array<i32>} : memref<80x64xf32, #tpu.memory_space<vmem>>, vector<1x16xf32>,
          %get3A_645 = arith.index_cast %add3A_620 : i32 to index
          %get3A_646 = arith.constant 32 : index
          %get3A_647 = tpu.vector_load %arg12[%get3A_645, %get3A_646] {strides = array<i32>} : memref<80x64xf32, #tpu.memory_space<vmem>>, vector<1x16xf32>,
          %get3A_648 = vector.shape_cast %get3A_647 : vector<1x16xf32> to vector<16xf32>
          %mul3A_649 = vector.broadcast %squeeze3A_622 : f32 to vector<16xf32>
          %mul3A_650 = arith.mulf %get3A_648, %mul3A_649 : vector<16xf32>
          %swap3A_651 = arith.index_cast %add3A_620 : i32 to index
          %swap3A_652 = arith.constant 32 : index
          %swap3A_653 = tpu.vector_load %arg12[%swap3A_651, %swap3A_652] {strides = array<i32>} : memref<80x64xf32, #tpu.memory_space<vmem>>, vector<1x16xf32>,
          %swap3A_654 = vector.shape_cast %swap3A_653 : vector<1x16xf32> to vector<16xf32>
          %swap3A_655 = vector.shape_cast %mul3A_650 : vector<16xf32> to vector<1x16xf32>
          tpu.vector_store %arg12[%swap3A_651, %swap3A_652], %swap3A_655 {strides = array<i32>} : memref<80x64xf32, #tpu.memory_space<vmem>>, vector<1x16xf32>,
          %get3A_656 = arith.index_cast %add3A_620 : i32 to index
          %get3A_657 = arith.constant 48 : index
          %get3A_658 = tpu.vector_load %arg12[%get3A_656, %get3A_657] {strides = array<i32>} : memref<80x64xf32, #tpu.memory_space<vmem>>, vector<1x16xf32>,
          %get3A_659 = vector.shape_cast %get3A_658 : vector<1x16xf32> to vector<16xf32>
          %mul3A_660 = vector.broadcast %squeeze3A_622 : f32 to vector<16xf32>
          %mul3A_661 = arith.mulf %get3A_659, %mul3A_660 : vector<16xf32>
          %swap3A_662 = arith.index_cast %add3A_620 : i32 to index
          %swap3A_663 = arith.constant 48 : index
          %swap3A_664 = tpu.vector_load %arg12[%swap3A_662, %swap3A_663] {strides = array<i32>} : memref<80x64xf32, #tpu.memory_space<vmem>>, vector<1x16xf32>,
          %swap3A_665 = vector.shape_cast %swap3A_664 : vector<1x16xf32> to vector<16xf32>
          %swap3A_666 = vector.shape_cast %mul3A_661 : vector<16xf32> to vector<1x16xf32>
          tpu.vector_store %arg12[%swap3A_662, %swap3A_663], %swap3A_666 {strides = array<i32>} : memref<80x64xf32, #tpu.memory_space<vmem>>, vector<1x16xf32>,
          %mul3A_667 = arith.constant 16 : i32
          %mul3A_668 = arith.muli %scan3A_111, %mul3A_667 : i32
          %add3A_669 = arith.constant 11 : i32
          %add3A_670 = arith.addi %mul3A_668, %add3A_669 : i32
          %slice3A_671 = vector.extract_strided_slice %get3A_118 {offsets = [11], sizes = [1], strides = [1]} : vector<16xf32> to vector<1xf32>
          %squeeze3A_672 = vector.extract %slice3A_671[0] : f32 from vector<1xf32>
          %get3A_673 = arith.index_cast %add3A_670 : i32 to index
          %get3A_674 = arith.constant 0 : index
          %get3A_675 = tpu.vector_load %arg12[%get3A_673, %get3A_674] {strides = array<i32>} : memref<80x64xf32, #tpu.memory_space<vmem>>, vector<1x16xf32>,
          %get3A_676 = vector.shape_cast %get3A_675 : vector<1x16xf32> to vector<16xf32>
          %mul3A_677 = vector.broadcast %squeeze3A_672 : f32 to vector<16xf32>
          %mul3A_678 = arith.mulf %get3A_676, %mul3A_677 : vector<16xf32>
          %swap3A_679 = arith.index_cast %add3A_670 : i32 to index
          %swap3A_680 = arith.constant 0 : index
          %swap3A_681 = tpu.vector_load %arg12[%swap3A_679, %swap3A_680] {strides = array<i32>} : memref<80x64xf32, #tpu.memory_space<vmem>>, vector<1x16xf32>,
          %swap3A_682 = vector.shape_cast %swap3A_681 : vector<1x16xf32> to vector<16xf32>
          %swap3A_683 = vector.shape_cast %mul3A_678 : vector<16xf32> to vector<1x16xf32>
          tpu.vector_store %arg12[%swap3A_679, %swap3A_680], %swap3A_683 {strides = array<i32>} : memref<80x64xf32, #tpu.memory_space<vmem>>, vector<1x16xf32>,
          %get3A_684 = arith.index_cast %add3A_670 : i32 to index
          %get3A_685 = arith.constant 16 : index
          %get3A_686 = tpu.vector_load %arg12[%get3A_684, %get3A_685] {strides = array<i32>} : memref<80x64xf32, #tpu.memory_space<vmem>>, vector<1x16xf32>,
          %get3A_687 = vector.shape_cast %get3A_686 : vector<1x16xf32> to vector<16xf32>
          %mul3A_688 = vector.broadcast %squeeze3A_672 : f32 to vector<16xf32>
          %mul3A_689 = arith.mulf %get3A_687, %mul3A_688 : vector<16xf32>
          %swap3A_690 = arith.index_cast %add3A_670 : i32 to index
          %swap3A_691 = arith.constant 16 : index
          %swap3A_692 = tpu.vector_load %arg12[%swap3A_690, %swap3A_691] {strides = array<i32>} : memref<80x64xf32, #tpu.memory_space<vmem>>, vector<1x16xf32>,
          %swap3A_693 = vector.shape_cast %swap3A_692 : vector<1x16xf32> to vector<16xf32>
          %swap3A_694 = vector.shape_cast %mul3A_689 : vector<16xf32> to vector<1x16xf32>
          tpu.vector_store %arg12[%swap3A_690, %swap3A_691], %swap3A_694 {strides = array<i32>} : memref<80x64xf32, #tpu.memory_space<vmem>>, vector<1x16xf32>,
          %get3A_695 = arith.index_cast %add3A_670 : i32 to index
          %get3A_696 = arith.constant 32 : index
          %get3A_697 = tpu.vector_load %arg12[%get3A_695, %get3A_696] {strides = array<i32>} : memref<80x64xf32, #tpu.memory_space<vmem>>, vector<1x16xf32>,
          %get3A_698 = vector.shape_cast %get3A_697 : vector<1x16xf32> to vector<16xf32>
          %mul3A_699 = vector.broadcast %squeeze3A_672 : f32 to vector<16xf32>
          %mul3A_700 = arith.mulf %get3A_698, %mul3A_699 : vector<16xf32>
          %swap3A_701 = arith.index_cast %add3A_670 : i32 to index
          %swap3A_702 = arith.constant 32 : index
          %swap3A_703 = tpu.vector_load %arg12[%swap3A_701, %swap3A_702] {strides = array<i32>} : memref<80x64xf32, #tpu.memory_space<vmem>>, vector<1x16xf32>,
          %swap3A_704 = vector.shape_cast %swap3A_703 : vector<1x16xf32> to vector<16xf32>
          %swap3A_705 = vector.shape_cast %mul3A_700 : vector<16xf32> to vector<1x16xf32>
          tpu.vector_store %arg12[%swap3A_701, %swap3A_702], %swap3A_705 {strides = array<i32>} : memref<80x64xf32, #tpu.memory_space<vmem>>, vector<1x16xf32>,
          %get3A_706 = arith.index_cast %add3A_670 : i32 to index
          %get3A_707 = arith.constant 48 : index
          %get3A_708 = tpu.vector_load %arg12[%get3A_706, %get3A_707] {strides = array<i32>} : memref<80x64xf32, #tpu.memory_space<vmem>>, vector<1x16xf32>,
          %get3A_709 = vector.shape_cast %get3A_708 : vector<1x16xf32> to vector<16xf32>
          %mul3A_710 = vector.broadcast %squeeze3A_672 : f32 to vector<16xf32>
          %mul3A_711 = arith.mulf %get3A_709, %mul3A_710 : vector<16xf32>
          %swap3A_712 = arith.index_cast %add3A_670 : i32 to index
          %swap3A_713 = arith.constant 48 : index
          %swap3A_714 = tpu.vector_load %arg12[%swap3A_712, %swap3A_713] {strides = array<i32>} : memref<80x64xf32, #tpu.memory_space<vmem>>, vector<1x16xf32>,
          %swap3A_715 = vector.shape_cast %swap3A_714 : vector<1x16xf32> to vector<16xf32>
          %swap3A_716 = vector.shape_cast %mul3A_711 : vector<16xf32> to vector<1x16xf32>
          tpu.vector_store %arg12[%swap3A_712, %swap3A_713], %swap3A_716 {strides = array<i32>} : memref<80x64xf32, #tpu.memory_space<vmem>>, vector<1x16xf32>,
          %mul3A_717 = arith.constant 16 : i32
          %mul3A_718 = arith.muli %scan3A_111, %mul3A_717 : i32
          %add3A_719 = arith.constant 12 : i32
          %add3A_720 = arith.addi %mul3A_718, %add3A_719 : i32
          %slice3A_721 = vector.extract_strided_slice %get3A_118 {offsets = [12], sizes = [1], strides = [1]} : vector<16xf32> to vector<1xf32>
          %squeeze3A_722 = vector.extract %slice3A_721[0] : f32 from vector<1xf32>
          %get3A_723 = arith.index_cast %add3A_720 : i32 to index
          %get3A_724 = arith.constant 0 : index
          %get3A_725 = tpu.vector_load %arg12[%get3A_723, %get3A_724] {strides = array<i32>} : memref<80x64xf32, #tpu.memory_space<vmem>>, vector<1x16xf32>,
          %get3A_726 = vector.shape_cast %get3A_725 : vector<1x16xf32> to vector<16xf32>
          %mul3A_727 = vector.broadcast %squeeze3A_722 : f32 to vector<16xf32>
          %mul3A_728 = arith.mulf %get3A_726, %mul3A_727 : vector<16xf32>
          %swap3A_729 = arith.index_cast %add3A_720 : i32 to index
          %swap3A_730 = arith.constant 0 : index
          %swap3A_731 = tpu.vector_load %arg12[%swap3A_729, %swap3A_730] {strides = array<i32>} : memref<80x64xf32, #tpu.memory_space<vmem>>, vector<1x16xf32>,
          %swap3A_732 = vector.shape_cast %swap3A_731 : vector<1x16xf32> to vector<16xf32>
          %swap3A_733 = vector.shape_cast %mul3A_728 : vector<16xf32> to vector<1x16xf32>
          tpu.vector_store %arg12[%swap3A_729, %swap3A_730], %swap3A_733 {strides = array<i32>} : memref<80x64xf32, #tpu.memory_space<vmem>>, vector<1x16xf32>,
          %get3A_734 = arith.index_cast %add3A_720 : i32 to index
          %get3A_735 = arith.constant 16 : index
          %get3A_736 = tpu.vector_load %arg12[%get3A_734, %get3A_735] {strides = array<i32>} : memref<80x64xf32, #tpu.memory_space<vmem>>, vector<1x16xf32>,
          %get3A_737 = vector.shape_cast %get3A_736 : vector<1x16xf32> to vector<16xf32>
          %mul3A_738 = vector.broadcast %squeeze3A_722 : f32 to vector<16xf32>
          %mul3A_739 = arith.mulf %get3A_737, %mul3A_738 : vector<16xf32>
          %swap3A_740 = arith.index_cast %add3A_720 : i32 to index
          %swap3A_741 = arith.constant 16 : index
          %swap3A_742 = tpu.vector_load %arg12[%swap3A_740, %swap3A_741] {strides = array<i32>} : memref<80x64xf32, #tpu.memory_space<vmem>>, vector<1x16xf32>,
          %swap3A_743 = vector.shape_cast %swap3A_742 : vector<1x16xf32> to vector<16xf32>
          %swap3A_744 = vector.shape_cast %mul3A_739 : vector<16xf32> to vector<1x16xf32>
          tpu.vector_store %arg12[%swap3A_740, %swap3A_741], %swap3A_744 {strides = array<i32>} : memref<80x64xf32, #tpu.memory_space<vmem>>, vector<1x16xf32>,
          %get3A_745 = arith.index_cast %add3A_720 : i32 to index
          %get3A_746 = arith.constant 32 : index
          %get3A_747 = tpu.vector_load %arg12[%get3A_745, %get3A_746] {strides = array<i32>} : memref<80x64xf32, #tpu.memory_space<vmem>>, vector<1x16xf32>,
          %get3A_748 = vector.shape_cast %get3A_747 : vector<1x16xf32> to vector<16xf32>
          %mul3A_749 = vector.broadcast %squeeze3A_722 : f32 to vector<16xf32>
          %mul3A_750 = arith.mulf %get3A_748, %mul3A_749 : vector<16xf32>
          %swap3A_751 = arith.index_cast %add3A_720 : i32 to index
          %swap3A_752 = arith.constant 32 : index
          %swap3A_753 = tpu.vector_load %arg12[%swap3A_751, %swap3A_752] {strides = array<i32>} : memref<80x64xf32, #tpu.memory_space<vmem>>, vector<1x16xf32>,
          %swap3A_754 = vector.shape_cast %swap3A_753 : vector<1x16xf32> to vector<16xf32>
          %swap3A_755 = vector.shape_cast %mul3A_750 : vector<16xf32> to vector<1x16xf32>
          tpu.vector_store %arg12[%swap3A_751, %swap3A_752], %swap3A_755 {strides = array<i32>} : memref<80x64xf32, #tpu.memory_space<vmem>>, vector<1x16xf32>,
          %get3A_756 = arith.index_cast %add3A_720 : i32 to index
          %get3A_757 = arith.constant 48 : index
          %get3A_758 = tpu.vector_load %arg12[%get3A_756, %get3A_757] {strides = array<i32>} : memref<80x64xf32, #tpu.memory_space<vmem>>, vector<1x16xf32>,
          %get3A_759 = vector.shape_cast %get3A_758 : vector<1x16xf32> to vector<16xf32>
          %mul3A_760 = vector.broadcast %squeeze3A_722 : f32 to vector<16xf32>
          %mul3A_761 = arith.mulf %get3A_759, %mul3A_760 : vector<16xf32>
          %swap3A_762 = arith.index_cast %add3A_720 : i32 to index
          %swap3A_763 = arith.constant 48 : index
          %swap3A_764 = tpu.vector_load %arg12[%swap3A_762, %swap3A_763] {strides = array<i32>} : memref<80x64xf32, #tpu.memory_space<vmem>>, vector<1x16xf32>,
          %swap3A_765 = vector.shape_cast %swap3A_764 : vector<1x16xf32> to vector<16xf32>
          %swap3A_766 = vector.shape_cast %mul3A_761 : vector<16xf32> to vector<1x16xf32>
          tpu.vector_store %arg12[%swap3A_762, %swap3A_763], %swap3A_766 {strides = array<i32>} : memref<80x64xf32, #tpu.memory_space<vmem>>, vector<1x16xf32>,
          %mul3A_767 = arith.constant 16 : i32
          %mul3A_768 = arith.muli %scan3A_111, %mul3A_767 : i32
          %add3A_769 = arith.constant 13 : i32
          %add3A_770 = arith.addi %mul3A_768, %add3A_769 : i32
          %slice3A_771 = vector.extract_strided_slice %get3A_118 {offsets = [13], sizes = [1], strides = [1]} : vector<16xf32> to vector<1xf32>
          %squeeze3A_772 = vector.extract %slice3A_771[0] : f32 from vector<1xf32>
          %get3A_773 = arith.index_cast %add3A_770 : i32 to index
          %get3A_774 = arith.constant 0 : index
          %get3A_775 = tpu.vector_load %arg12[%get3A_773, %get3A_774] {strides = array<i32>} : memref<80x64xf32, #tpu.memory_space<vmem>>, vector<1x16xf32>,
          %get3A_776 = vector.shape_cast %get3A_775 : vector<1x16xf32> to vector<16xf32>
          %mul3A_777 = vector.broadcast %squeeze3A_772 : f32 to vector<16xf32>
          %mul3A_778 = arith.mulf %get3A_776, %mul3A_777 : vector<16xf32>
          %swap3A_779 = arith.index_cast %add3A_770 : i32 to index
          %swap3A_780 = arith.constant 0 : index
          %swap3A_781 = tpu.vector_load %arg12[%swap3A_779, %swap3A_780] {strides = array<i32>} : memref<80x64xf32, #tpu.memory_space<vmem>>, vector<1x16xf32>,
          %swap3A_782 = vector.shape_cast %swap3A_781 : vector<1x16xf32> to vector<16xf32>
          %swap3A_783 = vector.shape_cast %mul3A_778 : vector<16xf32> to vector<1x16xf32>
          tpu.vector_store %arg12[%swap3A_779, %swap3A_780], %swap3A_783 {strides = array<i32>} : memref<80x64xf32, #tpu.memory_space<vmem>>, vector<1x16xf32>,
          %get3A_784 = arith.index_cast %add3A_770 : i32 to index
          %get3A_785 = arith.constant 16 : index
          %get3A_786 = tpu.vector_load %arg12[%get3A_784, %get3A_785] {strides = array<i32>} : memref<80x64xf32, #tpu.memory_space<vmem>>, vector<1x16xf32>,
          %get3A_787 = vector.shape_cast %get3A_786 : vector<1x16xf32> to vector<16xf32>
          %mul3A_788 = vector.broadcast %squeeze3A_772 : f32 to vector<16xf32>
          %mul3A_789 = arith.mulf %get3A_787, %mul3A_788 : vector<16xf32>
          %swap3A_790 = arith.index_cast %add3A_770 : i32 to index
          %swap3A_791 = arith.constant 16 : index
          %swap3A_792 = tpu.vector_load %arg12[%swap3A_790, %swap3A_791] {strides = array<i32>} : memref<80x64xf32, #tpu.memory_space<vmem>>, vector<1x16xf32>,
          %swap3A_793 = vector.shape_cast %swap3A_792 : vector<1x16xf32> to vector<16xf32>
          %swap3A_794 = vector.shape_cast %mul3A_789 : vector<16xf32> to vector<1x16xf32>
          tpu.vector_store %arg12[%swap3A_790, %swap3A_791], %swap3A_794 {strides = array<i32>} : memref<80x64xf32, #tpu.memory_space<vmem>>, vector<1x16xf32>,
          %get3A_795 = arith.index_cast %add3A_770 : i32 to index
          %get3A_796 = arith.constant 32 : index
          %get3A_797 = tpu.vector_load %arg12[%get3A_795, %get3A_796] {strides = array<i32>} : memref<80x64xf32, #tpu.memory_space<vmem>>, vector<1x16xf32>,
          %get3A_798 = vector.shape_cast %get3A_797 : vector<1x16xf32> to vector<16xf32>
          %mul3A_799 = vector.broadcast %squeeze3A_772 : f32 to vector<16xf32>
          %mul3A_800 = arith.mulf %get3A_798, %mul3A_799 : vector<16xf32>
          %swap3A_801 = arith.index_cast %add3A_770 : i32 to index
          %swap3A_802 = arith.constant 32 : index
          %swap3A_803 = tpu.vector_load %arg12[%swap3A_801, %swap3A_802] {strides = array<i32>} : memref<80x64xf32, #tpu.memory_space<vmem>>, vector<1x16xf32>,
          %swap3A_804 = vector.shape_cast %swap3A_803 : vector<1x16xf32> to vector<16xf32>
          %swap3A_805 = vector.shape_cast %mul3A_800 : vector<16xf32> to vector<1x16xf32>
          tpu.vector_store %arg12[%swap3A_801, %swap3A_802], %swap3A_805 {strides = array<i32>} : memref<80x64xf32, #tpu.memory_space<vmem>>, vector<1x16xf32>,
          %get3A_806 = arith.index_cast %add3A_770 : i32 to index
          %get3A_807 = arith.constant 48 : index
          %get3A_808 = tpu.vector_load %arg12[%get3A_806, %get3A_807] {strides = array<i32>} : memref<80x64xf32, #tpu.memory_space<vmem>>, vector<1x16xf32>,
          %get3A_809 = vector.shape_cast %get3A_808 : vector<1x16xf32> to vector<16xf32>
          %mul3A_810 = vector.broadcast %squeeze3A_772 : f32 to vector<16xf32>
          %mul3A_811 = arith.mulf %get3A_809, %mul3A_810 : vector<16xf32>
          %swap3A_812 = arith.index_cast %add3A_770 : i32 to index
          %swap3A_813 = arith.constant 48 : index
          %swap3A_814 = tpu.vector_load %arg12[%swap3A_812, %swap3A_813] {strides = array<i32>} : memref<80x64xf32, #tpu.memory_space<vmem>>, vector<1x16xf32>,
          %swap3A_815 = vector.shape_cast %swap3A_814 : vector<1x16xf32> to vector<16xf32>
          %swap3A_816 = vector.shape_cast %mul3A_811 : vector<16xf32> to vector<1x16xf32>
          tpu.vector_store %arg12[%swap3A_812, %swap3A_813], %swap3A_816 {strides = array<i32>} : memref<80x64xf32, #tpu.memory_space<vmem>>, vector<1x16xf32>,
          %mul3A_817 = arith.constant 16 : i32
          %mul3A_818 = arith.muli %scan3A_111, %mul3A_817 : i32
          %add3A_819 = arith.constant 14 : i32
          %add3A_820 = arith.addi %mul3A_818, %add3A_819 : i32
          %slice3A_821 = vector.extract_strided_slice %get3A_118 {offsets = [14], sizes = [1], strides = [1]} : vector<16xf32> to vector<1xf32>
          %squeeze3A_822 = vector.extract %slice3A_821[0] : f32 from vector<1xf32>
          %get3A_823 = arith.index_cast %add3A_820 : i32 to index
          %get3A_824 = arith.constant 0 : index
          %get3A_825 = tpu.vector_load %arg12[%get3A_823, %get3A_824] {strides = array<i32>} : memref<80x64xf32, #tpu.memory_space<vmem>>, vector<1x16xf32>,
          %get3A_826 = vector.shape_cast %get3A_825 : vector<1x16xf32> to vector<16xf32>
          %mul3A_827 = vector.broadcast %squeeze3A_822 : f32 to vector<16xf32>
          %mul3A_828 = arith.mulf %get3A_826, %mul3A_827 : vector<16xf32>
          %swap3A_829 = arith.index_cast %add3A_820 : i32 to index
          %swap3A_830 = arith.constant 0 : index
          %swap3A_831 = tpu.vector_load %arg12[%swap3A_829, %swap3A_830] {strides = array<i32>} : memref<80x64xf32, #tpu.memory_space<vmem>>, vector<1x16xf32>,
          %swap3A_832 = vector.shape_cast %swap3A_831 : vector<1x16xf32> to vector<16xf32>
          %swap3A_833 = vector.shape_cast %mul3A_828 : vector<16xf32> to vector<1x16xf32>
          tpu.vector_store %arg12[%swap3A_829, %swap3A_830], %swap3A_833 {strides = array<i32>} : memref<80x64xf32, #tpu.memory_space<vmem>>, vector<1x16xf32>,
          %get3A_834 = arith.index_cast %add3A_820 : i32 to index
          %get3A_835 = arith.constant 16 : index
          %get3A_836 = tpu.vector_load %arg12[%get3A_834, %get3A_835] {strides = array<i32>} : memref<80x64xf32, #tpu.memory_space<vmem>>, vector<1x16xf32>,
          %get3A_837 = vector.shape_cast %get3A_836 : vector<1x16xf32> to vector<16xf32>
          %mul3A_838 = vector.broadcast %squeeze3A_822 : f32 to vector<16xf32>
          %mul3A_839 = arith.mulf %get3A_837, %mul3A_838 : vector<16xf32>
          %swap3A_840 = arith.index_cast %add3A_820 : i32 to index
          %swap3A_841 = arith.constant 16 : index
          %swap3A_842 = tpu.vector_load %arg12[%swap3A_840, %swap3A_841] {strides = array<i32>} : memref<80x64xf32, #tpu.memory_space<vmem>>, vector<1x16xf32>,
          %swap3A_843 = vector.shape_cast %swap3A_842 : vector<1x16xf32> to vector<16xf32>
          %swap3A_844 = vector.shape_cast %mul3A_839 : vector<16xf32> to vector<1x16xf32>
          tpu.vector_store %arg12[%swap3A_840, %swap3A_841], %swap3A_844 {strides = array<i32>} : memref<80x64xf32, #tpu.memory_space<vmem>>, vector<1x16xf32>,
          %get3A_845 = arith.index_cast %add3A_820 : i32 to index
          %get3A_846 = arith.constant 32 : index
          %get3A_847 = tpu.vector_load %arg12[%get3A_845, %get3A_846] {strides = array<i32>} : memref<80x64xf32, #tpu.memory_space<vmem>>, vector<1x16xf32>,
          %get3A_848 = vector.shape_cast %get3A_847 : vector<1x16xf32> to vector<16xf32>
          %mul3A_849 = vector.broadcast %squeeze3A_822 : f32 to vector<16xf32>
          %mul3A_850 = arith.mulf %get3A_848, %mul3A_849 : vector<16xf32>
          %swap3A_851 = arith.index_cast %add3A_820 : i32 to index
          %swap3A_852 = arith.constant 32 : index
          %swap3A_853 = tpu.vector_load %arg12[%swap3A_851, %swap3A_852] {strides = array<i32>} : memref<80x64xf32, #tpu.memory_space<vmem>>, vector<1x16xf32>,
          %swap3A_854 = vector.shape_cast %swap3A_853 : vector<1x16xf32> to vector<16xf32>
          %swap3A_855 = vector.shape_cast %mul3A_850 : vector<16xf32> to vector<1x16xf32>
          tpu.vector_store %arg12[%swap3A_851, %swap3A_852], %swap3A_855 {strides = array<i32>} : memref<80x64xf32, #tpu.memory_space<vmem>>, vector<1x16xf32>,
          %get3A_856 = arith.index_cast %add3A_820 : i32 to index
          %get3A_857 = arith.constant 48 : index
          %get3A_858 = tpu.vector_load %arg12[%get3A_856, %get3A_857] {strides = array<i32>} : memref<80x64xf32, #tpu.memory_space<vmem>>, vector<1x16xf32>,
          %get3A_859 = vector.shape_cast %get3A_858 : vector<1x16xf32> to vector<16xf32>
          %mul3A_860 = vector.broadcast %squeeze3A_822 : f32 to vector<16xf32>
          %mul3A_861 = arith.mulf %get3A_859, %mul3A_860 : vector<16xf32>
          %swap3A_862 = arith.index_cast %add3A_820 : i32 to index
          %swap3A_863 = arith.constant 48 : index
          %swap3A_864 = tpu.vector_load %arg12[%swap3A_862, %swap3A_863] {strides = array<i32>} : memref<80x64xf32, #tpu.memory_space<vmem>>, vector<1x16xf32>,
          %swap3A_865 = vector.shape_cast %swap3A_864 : vector<1x16xf32> to vector<16xf32>
          %swap3A_866 = vector.shape_cast %mul3A_861 : vector<16xf32> to vector<1x16xf32>
          tpu.vector_store %arg12[%swap3A_862, %swap3A_863], %swap3A_866 {strides = array<i32>} : memref<80x64xf32, #tpu.memory_space<vmem>>, vector<1x16xf32>,
          %mul3A_867 = arith.constant 16 : i32
          %mul3A_868 = arith.muli %scan3A_111, %mul3A_867 : i32
          %add3A_869 = arith.constant 15 : i32
          %add3A_870 = arith.addi %mul3A_868, %add3A_869 : i32
          %slice3A_871 = vector.extract_strided_slice %get3A_118 {offsets = [15], sizes = [1], strides = [1]} : vector<16xf32> to vector<1xf32>
          %squeeze3A_872 = vector.extract %slice3A_871[0] : f32 from vector<1xf32>
          %get3A_873 = arith.index_cast %add3A_870 : i32 to index
          %get3A_874 = arith.constant 0 : index
          %get3A_875 = tpu.vector_load %arg12[%get3A_873, %get3A_874] {strides = array<i32>} : memref<80x64xf32, #tpu.memory_space<vmem>>, vector<1x16xf32>,
          %get3A_876 = vector.shape_cast %get3A_875 : vector<1x16xf32> to vector<16xf32>
          %mul3A_877 = vector.broadcast %squeeze3A_872 : f32 to vector<16xf32>
          %mul3A_878 = arith.mulf %get3A_876, %mul3A_877 : vector<16xf32>
          %swap3A_879 = arith.index_cast %add3A_870 : i32 to index
          %swap3A_880 = arith.constant 0 : index
          %swap3A_881 = tpu.vector_load %arg12[%swap3A_879, %swap3A_880] {strides = array<i32>} : memref<80x64xf32, #tpu.memory_space<vmem>>, vector<1x16xf32>,
          %swap3A_882 = vector.shape_cast %swap3A_881 : vector<1x16xf32> to vector<16xf32>
          %swap3A_883 = vector.shape_cast %mul3A_878 : vector<16xf32> to vector<1x16xf32>
          tpu.vector_store %arg12[%swap3A_879, %swap3A_880], %swap3A_883 {strides = array<i32>} : memref<80x64xf32, #tpu.memory_space<vmem>>, vector<1x16xf32>,
          %get3A_884 = arith.index_cast %add3A_870 : i32 to index
          %get3A_885 = arith.constant 16 : index
          %get3A_886 = tpu.vector_load %arg12[%get3A_884, %get3A_885] {strides = array<i32>} : memref<80x64xf32, #tpu.memory_space<vmem>>, vector<1x16xf32>,
          %get3A_887 = vector.shape_cast %get3A_886 : vector<1x16xf32> to vector<16xf32>
          %mul3A_888 = vector.broadcast %squeeze3A_872 : f32 to vector<16xf32>
          %mul3A_889 = arith.mulf %get3A_887, %mul3A_888 : vector<16xf32>
          %swap3A_890 = arith.index_cast %add3A_870 : i32 to index
          %swap3A_891 = arith.constant 16 : index
          %swap3A_892 = tpu.vector_load %arg12[%swap3A_890, %swap3A_891] {strides = array<i32>} : memref<80x64xf32, #tpu.memory_space<vmem>>, vector<1x16xf32>,
          %swap3A_893 = vector.shape_cast %swap3A_892 : vector<1x16xf32> to vector<16xf32>
          %swap3A_894 = vector.shape_cast %mul3A_889 : vector<16xf32> to vector<1x16xf32>
          tpu.vector_store %arg12[%swap3A_890, %swap3A_891], %swap3A_894 {strides = array<i32>} : memref<80x64xf32, #tpu.memory_space<vmem>>, vector<1x16xf32>,
          %get3A_895 = arith.index_cast %add3A_870 : i32 to index
          %get3A_896 = arith.constant 32 : index
          %get3A_897 = tpu.vector_load %arg12[%get3A_895, %get3A_896] {strides = array<i32>} : memref<80x64xf32, #tpu.memory_space<vmem>>, vector<1x16xf32>,
          %get3A_898 = vector.shape_cast %get3A_897 : vector<1x16xf32> to vector<16xf32>
          %mul3A_899 = vector.broadcast %squeeze3A_872 : f32 to vector<16xf32>
          %mul3A_900 = arith.mulf %get3A_898, %mul3A_899 : vector<16xf32>
          %swap3A_901 = arith.index_cast %add3A_870 : i32 to index
          %swap3A_902 = arith.constant 32 : index
          %swap3A_903 = tpu.vector_load %arg12[%swap3A_901, %swap3A_902] {strides = array<i32>} : memref<80x64xf32, #tpu.memory_space<vmem>>, vector<1x16xf32>,
          %swap3A_904 = vector.shape_cast %swap3A_903 : vector<1x16xf32> to vector<16xf32>
          %swap3A_905 = vector.shape_cast %mul3A_900 : vector<16xf32> to vector<1x16xf32>
          tpu.vector_store %arg12[%swap3A_901, %swap3A_902], %swap3A_905 {strides = array<i32>} : memref<80x64xf32, #tpu.memory_space<vmem>>, vector<1x16xf32>,
          %get3A_906 = arith.index_cast %add3A_870 : i32 to index
          %get3A_907 = arith.constant 48 : index
          %get3A_908 = tpu.vector_load %arg12[%get3A_906, %get3A_907] {strides = array<i32>} : memref<80x64xf32, #tpu.memory_space<vmem>>, vector<1x16xf32>,
          %get3A_909 = vector.shape_cast %get3A_908 : vector<1x16xf32> to vector<16xf32>
          %mul3A_910 = vector.broadcast %squeeze3A_872 : f32 to vector<16xf32>
          %mul3A_911 = arith.mulf %get3A_909, %mul3A_910 : vector<16xf32>
          %swap3A_912 = arith.index_cast %add3A_870 : i32 to index
          %swap3A_913 = arith.constant 48 : index
          %swap3A_914 = tpu.vector_load %arg12[%swap3A_912, %swap3A_913] {strides = array<i32>} : memref<80x64xf32, #tpu.memory_space<vmem>>, vector<1x16xf32>,
          %swap3A_915 = vector.shape_cast %swap3A_914 : vector<1x16xf32> to vector<16xf32>
          %swap3A_916 = vector.shape_cast %mul3A_911 : vector<16xf32> to vector<1x16xf32>
          tpu.vector_store %arg12[%swap3A_912, %swap3A_913], %swap3A_916 {strides = array<i32>} : memref<80x64xf32, #tpu.memory_space<vmem>>, vector<1x16xf32>,
          %scan3A_917 = arith.constant 0 : i32
          scf.yield %scan3A_917 : i32
        }
        %scan3A_109 = arith.constant 5 : i32
        "tpu.region"() ({
          %run_scoped3A = tpu.sem_alloc : memref<!tpu.dma_semaphore, #tpu.memory_space<semaphore_mem>>
          %dma_start3A_111 = arith.constant 0 : i32
          %dma_start3A_112 = arith.constant 0 : i32
          %dma_start3A_113 = tpu.memref_slice %arg14[%dma_start3A_111, %dma_start3A_112] : memref<10000x64xf32, #tpu.memory_space<vmem_shared>> -> memref<10000x64xf32, #tpu.memory_space<vmem_shared>>
          tpu.enqueue_indirect_dma source(%arg12 : memref<80x64xf32, #tpu.memory_space<vmem>>) target(%dma_start3A_113 : memref<10000x64xf32, #tpu.memory_space<vmem_shared>>) offsets(%arg11 : memref<80xi32, #tpu.memory_space<vmem>>) semaphore(%run_scoped3A : memref<!tpu.dma_semaphore, #tpu.memory_space<semaphore_mem>>) {add = true}
          %dma_wait3A_114 = arith.constant 0 : i32
          %dma_wait3A_115 = arith.constant 0 : i32
          %dma_wait3A_116 = tpu.memref_slice %arg14[%dma_wait3A_114, %dma_wait3A_115] : memref<10000x64xf32, #tpu.memory_space<vmem_shared>> -> memref<10000x64xf32, #tpu.memory_space<vmem_shared>>
          tpu.wait_indirect_dma semaphore(%run_scoped3A : memref<!tpu.dma_semaphore, #tpu.memory_space<semaphore_mem>>) src(%arg12 : memref<80x64xf32, #tpu.memory_space<vmem>>) dst(%dma_wait3A_116 : memref<10000x64xf32, #tpu.memory_space<vmem_shared>>)
          tpu.yield
        }) : () -> ()
        %scan3A_110 = arith.constant 0 : i32
        scf.yield %scan3A_110 : i32
      }
      %scan3A_49 = arith.constant 250 : i32
    } else {
    }
    %eq3A_26 = arith.constant 1 : i32
    %eq3A_27 = arith.cmpi eq, %arg0, %eq3A_26 : i32
    %convert_element_type3A_28 = arith.extui %eq3A_27 : i1 to i32
    %cond3A_29 = arith.constant 0 : i32
    %cond3A_30 = arith.cmpi ne, %convert_element_type3A_28, %cond3A_29 : i32
    scf.if %cond3A_30 {
      %scan3A_43 = arith.constant 0 : i32
      %scan3A_44 = arith.constant 0 : i32
      %scan3A_45 = arith.constant 250 : i32
      %scan3A_46 = arith.addi %scan3A_44, %scan3A_45 : i32
      %scan3A_47 = arith.constant 1 : i32
      %scan3A_48 = scf.for %scan3A_50 = %scan3A_44 to %scan3A_46 step %scan3A_47 iter_args(%scan3A_51 = %scan3A_43) -> (i32)  : i32 {
        %mul3A_52 = arith.constant 80 : i32
        %mul3A_53 = arith.muli %scan3A_50, %mul3A_52 : i32
        %dma_start3A = tpu.memref_slice %arg8[%mul3A_53] : memref<20000xi32, #tpu.memory_space<vmem>> -> memref<80xi32, #tpu.memory_space<vmem>>
        %dma_start3A_54 = arith.constant 0 : i32
        %dma_start3A_55 = arith.constant 0 : i32
        %dma_start3A_56 = tpu.memref_slice %arg6[%dma_start3A_54, %dma_start3A_55] : memref<10000x64xf32, #tpu.memory_space<hbm>> -> memref<10000x64xf32, #tpu.memory_space<hbm>>
        tpu.enqueue_indirect_dma source(%dma_start3A_56 : memref<10000x64xf32, #tpu.memory_space<hbm>>) target(%arg12 : memref<80x64xf32, #tpu.memory_space<vmem>>) offsets(%dma_start3A : memref<80xi32, #tpu.memory_space<vmem>>) semaphore(%arg15 : memref<!tpu.dma_semaphore, #tpu.memory_space<semaphore_mem>>)
        %dma_wait3A = tpu.memref_slice %arg8[%mul3A_53] : memref<20000xi32, #tpu.memory_space<vmem>> -> memref<80xi32, #tpu.memory_space<vmem>>
        %dma_wait3A_57 = arith.constant 0 : i32
        %dma_wait3A_58 = arith.constant 0 : i32
        %dma_wait3A_59 = tpu.memref_slice %arg6[%dma_wait3A_57, %dma_wait3A_58] : memref<10000x64xf32, #tpu.memory_space<hbm>> -> memref<10000x64xf32, #tpu.memory_space<hbm>>
        tpu.wait_indirect_dma semaphore(%arg15 : memref<!tpu.dma_semaphore, #tpu.memory_space<semaphore_mem>>) src(%dma_wait3A_59 : memref<10000x64xf32, #tpu.memory_space<hbm>>) dst(%arg12 : memref<80x64xf32, #tpu.memory_space<vmem>>)
        %add3A_60 = arith.constant 0 : i32
        %add3A_61 = arith.addi %mul3A_53, %add3A_60 : i32
        %get3A = arith.index_cast %add3A_61 : i32 to index
        %get3A_62 = tpu.vector_load %arg9[%get3A] {strides = array<i32>} : memref<20000xi32, #tpu.memory_space<vmem>>, vector<16xi32>,
        %get3A_63 = vector.shape_cast %get3A_62 : vector<16xi32> to vector<16xi32>
        %swap3A = arith.constant 0 : index
        %swap3A_64 = tpu.vector_load %arg11[%swap3A] {strides = array<i32>} : memref<80xi32, #tpu.memory_space<vmem>>, vector<16xi32>,
        %swap3A_65 = vector.shape_cast %swap3A_64 : vector<16xi32> to vector<16xi32>
        %swap3A_66 = vector.shape_cast %get3A_63 : vector<16xi32> to vector<16xi32>
        tpu.vector_store %arg11[%swap3A], %swap3A_66 {strides = array<i32>} : memref<80xi32, #tpu.memory_space<vmem>>, vector<16xi32>,
        %add3A_67 = arith.constant 16 : i32
        %add3A_68 = arith.addi %mul3A_53, %add3A_67 : i32
        %get3A_69 = arith.index_cast %add3A_68 : i32 to index
        %get3A_70 = tpu.vector_load %arg9[%get3A_69] {strides = array<i32>} : memref<20000xi32, #tpu.memory_space<vmem>>, vector<16xi32>,
        %get3A_71 = vector.shape_cast %get3A_70 : vector<16xi32> to vector<16xi32>
        %swap3A_72 = arith.constant 16 : index
        %swap3A_73 = tpu.vector_load %arg11[%swap3A_72] {strides = array<i32>} : memref<80xi32, #tpu.memory_space<vmem>>, vector<16xi32>,
        %swap3A_74 = vector.shape_cast %swap3A_73 : vector<16xi32> to vector<16xi32>
        %swap3A_75 = vector.shape_cast %get3A_71 : vector<16xi32> to vector<16xi32>
        tpu.vector_store %arg11[%swap3A_72], %swap3A_75 {strides = array<i32>} : memref<80xi32, #tpu.memory_space<vmem>>, vector<16xi32>,
        %add3A_76 = arith.constant 32 : i32
        %add3A_77 = arith.addi %mul3A_53, %add3A_76 : i32
        %get3A_78 = arith.index_cast %add3A_77 : i32 to index
        %get3A_79 = tpu.vector_load %arg9[%get3A_78] {strides = array<i32>} : memref<20000xi32, #tpu.memory_space<vmem>>, vector<16xi32>,
        %get3A_80 = vector.shape_cast %get3A_79 : vector<16xi32> to vector<16xi32>
        %swap3A_81 = arith.constant 32 : index
        %swap3A_82 = tpu.vector_load %arg11[%swap3A_81] {strides = array<i32>} : memref<80xi32, #tpu.memory_space<vmem>>, vector<16xi32>,
        %swap3A_83 = vector.shape_cast %swap3A_82 : vector<16xi32> to vector<16xi32>
        %swap3A_84 = vector.shape_cast %get3A_80 : vector<16xi32> to vector<16xi32>
        tpu.vector_store %arg11[%swap3A_81], %swap3A_84 {strides = array<i32>} : memref<80xi32, #tpu.memory_space<vmem>>, vector<16xi32>,
        %add3A_85 = arith.constant 48 : i32
        %add3A_86 = arith.addi %mul3A_53, %add3A_85 : i32
        %get3A_87 = arith.index_cast %add3A_86 : i32 to index
        %get3A_88 = tpu.vector_load %arg9[%get3A_87] {strides = array<i32>} : memref<20000xi32, #tpu.memory_space<vmem>>, vector<16xi32>,
        %get3A_89 = vector.shape_cast %get3A_88 : vector<16xi32> to vector<16xi32>
        %swap3A_90 = arith.constant 48 : index
        %swap3A_91 = tpu.vector_load %arg11[%swap3A_90] {strides = array<i32>} : memref<80xi32, #tpu.memory_space<vmem>>, vector<16xi32>,
        %swap3A_92 = vector.shape_cast %swap3A_91 : vector<16xi32> to vector<16xi32>
        %swap3A_93 = vector.shape_cast %get3A_89 : vector<16xi32> to vector<16xi32>
        tpu.vector_store %arg11[%swap3A_90], %swap3A_93 {strides = array<i32>} : memref<80xi32, #tpu.memory_space<vmem>>, vector<16xi32>,
        %add3A_94 = arith.constant 64 : i32
        %add3A_95 = arith.addi %mul3A_53, %add3A_94 : i32
        %get3A_96 = arith.index_cast %add3A_95 : i32 to index
        %get3A_97 = tpu.vector_load %arg9[%get3A_96] {strides = array<i32>} : memref<20000xi32, #tpu.memory_space<vmem>>, vector<16xi32>,
        %get3A_98 = vector.shape_cast %get3A_97 : vector<16xi32> to vector<16xi32>
        %swap3A_99 = arith.constant 64 : index
        %swap3A_100 = tpu.vector_load %arg11[%swap3A_99] {strides = array<i32>} : memref<80xi32, #tpu.memory_space<vmem>>, vector<16xi32>,
        %swap3A_101 = vector.shape_cast %swap3A_100 : vector<16xi32> to vector<16xi32>
        %swap3A_102 = vector.shape_cast %get3A_98 : vector<16xi32> to vector<16xi32>
        tpu.vector_store %arg11[%swap3A_99], %swap3A_102 {strides = array<i32>} : memref<80xi32, #tpu.memory_space<vmem>>, vector<16xi32>,
        %scan3A_103 = arith.constant 0 : i32
        %scan3A_104 = arith.constant 0 : i32
        %scan3A_105 = arith.constant 5 : i32
        %scan3A_106 = arith.addi %scan3A_104, %scan3A_105 : i32
        %scan3A_107 = arith.constant 1 : i32
        %scan3A_108 = scf.for %scan3A_111 = %scan3A_104 to %scan3A_106 step %scan3A_107 iter_args(%scan3A_112 = %scan3A_103) -> (i32)  : i32 {
          %mul3A_113 = arith.constant 16 : i32
          %mul3A_114 = arith.muli %scan3A_111, %mul3A_113 : i32
          %add3A_115 = arith.addi %mul3A_53, %mul3A_114 : i32
          %get3A_116 = arith.index_cast %add3A_115 : i32 to index
          %get3A_117 = tpu.vector_load %arg10[%get3A_116] {strides = array<i32>} : memref<20000xf32, #tpu.memory_space<vmem>>, vector<16xf32>,
          %get3A_118 = vector.shape_cast %get3A_117 : vector<16xf32> to vector<16xf32>
          %mul3A_119 = arith.constant 16 : i32
          %mul3A_120 = arith.muli %scan3A_111, %mul3A_119 : i32
          %add3A_121 = arith.constant 0 : i32
          %add3A_122 = arith.addi %mul3A_120, %add3A_121 : i32
          %slice3A = vector.extract_strided_slice %get3A_118 {offsets = [0], sizes = [1], strides = [1]} : vector<16xf32> to vector<1xf32>
          %squeeze3A = vector.extract %slice3A[0] : f32 from vector<1xf32>
          %get3A_123 = arith.index_cast %add3A_122 : i32 to index
          %get3A_124 = arith.constant 0 : index
          %get3A_125 = tpu.vector_load %arg12[%get3A_123, %get3A_124] {strides = array<i32>} : memref<80x64xf32, #tpu.memory_space<vmem>>, vector<1x16xf32>,
          %get3A_126 = vector.shape_cast %get3A_125 : vector<1x16xf32> to vector<16xf32>
          %mul3A_127 = vector.broadcast %squeeze3A : f32 to vector<16xf32>
          %mul3A_128 = arith.mulf %get3A_126, %mul3A_127 : vector<16xf32>
          %swap3A_129 = arith.index_cast %add3A_122 : i32 to index
          %swap3A_130 = arith.constant 0 : index
          %swap3A_131 = tpu.vector_load %arg12[%swap3A_129, %swap3A_130] {strides = array<i32>} : memref<80x64xf32, #tpu.memory_space<vmem>>, vector<1x16xf32>,
          %swap3A_132 = vector.shape_cast %swap3A_131 : vector<1x16xf32> to vector<16xf32>
          %swap3A_133 = vector.shape_cast %mul3A_128 : vector<16xf32> to vector<1x16xf32>
          tpu.vector_store %arg12[%swap3A_129, %swap3A_130], %swap3A_133 {strides = array<i32>} : memref<80x64xf32, #tpu.memory_space<vmem>>, vector<1x16xf32>,
          %get3A_134 = arith.index_cast %add3A_122 : i32 to index
          %get3A_135 = arith.constant 16 : index
          %get3A_136 = tpu.vector_load %arg12[%get3A_134, %get3A_135] {strides = array<i32>} : memref<80x64xf32, #tpu.memory_space<vmem>>, vector<1x16xf32>,
          %get3A_137 = vector.shape_cast %get3A_136 : vector<1x16xf32> to vector<16xf32>
          %mul3A_138 = vector.broadcast %squeeze3A : f32 to vector<16xf32>
          %mul3A_139 = arith.mulf %get3A_137, %mul3A_138 : vector<16xf32>
          %swap3A_140 = arith.index_cast %add3A_122 : i32 to index
          %swap3A_141 = arith.constant 16 : index
          %swap3A_142 = tpu.vector_load %arg12[%swap3A_140, %swap3A_141] {strides = array<i32>} : memref<80x64xf32, #tpu.memory_space<vmem>>, vector<1x16xf32>,
          %swap3A_143 = vector.shape_cast %swap3A_142 : vector<1x16xf32> to vector<16xf32>
          %swap3A_144 = vector.shape_cast %mul3A_139 : vector<16xf32> to vector<1x16xf32>
          tpu.vector_store %arg12[%swap3A_140, %swap3A_141], %swap3A_144 {strides = array<i32>} : memref<80x64xf32, #tpu.memory_space<vmem>>, vector<1x16xf32>,
          %get3A_145 = arith.index_cast %add3A_122 : i32 to index
          %get3A_146 = arith.constant 32 : index
          %get3A_147 = tpu.vector_load %arg12[%get3A_145, %get3A_146] {strides = array<i32>} : memref<80x64xf32, #tpu.memory_space<vmem>>, vector<1x16xf32>,
          %get3A_148 = vector.shape_cast %get3A_147 : vector<1x16xf32> to vector<16xf32>
          %mul3A_149 = vector.broadcast %squeeze3A : f32 to vector<16xf32>
          %mul3A_150 = arith.mulf %get3A_148, %mul3A_149 : vector<16xf32>
          %swap3A_151 = arith.index_cast %add3A_122 : i32 to index
          %swap3A_152 = arith.constant 32 : index
          %swap3A_153 = tpu.vector_load %arg12[%swap3A_151, %swap3A_152] {strides = array<i32>} : memref<80x64xf32, #tpu.memory_space<vmem>>, vector<1x16xf32>,
          %swap3A_154 = vector.shape_cast %swap3A_153 : vector<1x16xf32> to vector<16xf32>
          %swap3A_155 = vector.shape_cast %mul3A_150 : vector<16xf32> to vector<1x16xf32>
          tpu.vector_store %arg12[%swap3A_151, %swap3A_152], %swap3A_155 {strides = array<i32>} : memref<80x64xf32, #tpu.memory_space<vmem>>, vector<1x16xf32>,
          %get3A_156 = arith.index_cast %add3A_122 : i32 to index
          %get3A_157 = arith.constant 48 : index
          %get3A_158 = tpu.vector_load %arg12[%get3A_156, %get3A_157] {strides = array<i32>} : memref<80x64xf32, #tpu.memory_space<vmem>>, vector<1x16xf32>,
          %get3A_159 = vector.shape_cast %get3A_158 : vector<1x16xf32> to vector<16xf32>
          %mul3A_160 = vector.broadcast %squeeze3A : f32 to vector<16xf32>
          %mul3A_161 = arith.mulf %get3A_159, %mul3A_160 : vector<16xf32>
          %swap3A_162 = arith.index_cast %add3A_122 : i32 to index
          %swap3A_163 = arith.constant 48 : index
          %swap3A_164 = tpu.vector_load %arg12[%swap3A_162, %swap3A_163] {strides = array<i32>} : memref<80x64xf32, #tpu.memory_space<vmem>>, vector<1x16xf32>,
          %swap3A_165 = vector.shape_cast %swap3A_164 : vector<1x16xf32> to vector<16xf32>
          %swap3A_166 = vector.shape_cast %mul3A_161 : vector<16xf32> to vector<1x16xf32>
          tpu.vector_store %arg12[%swap3A_162, %swap3A_163], %swap3A_166 {strides = array<i32>} : memref<80x64xf32, #tpu.memory_space<vmem>>, vector<1x16xf32>,
          %mul3A_167 = arith.constant 16 : i32
          %mul3A_168 = arith.muli %scan3A_111, %mul3A_167 : i32
          %add3A_169 = arith.constant 1 : i32
          %add3A_170 = arith.addi %mul3A_168, %add3A_169 : i32
          %slice3A_171 = vector.extract_strided_slice %get3A_118 {offsets = [1], sizes = [1], strides = [1]} : vector<16xf32> to vector<1xf32>
          %squeeze3A_172 = vector.extract %slice3A_171[0] : f32 from vector<1xf32>
          %get3A_173 = arith.index_cast %add3A_170 : i32 to index
          %get3A_174 = arith.constant 0 : index
          %get3A_175 = tpu.vector_load %arg12[%get3A_173, %get3A_174] {strides = array<i32>} : memref<80x64xf32, #tpu.memory_space<vmem>>, vector<1x16xf32>,
          %get3A_176 = vector.shape_cast %get3A_175 : vector<1x16xf32> to vector<16xf32>
          %mul3A_177 = vector.broadcast %squeeze3A_172 : f32 to vector<16xf32>
          %mul3A_178 = arith.mulf %get3A_176, %mul3A_177 : vector<16xf32>
          %swap3A_179 = arith.index_cast %add3A_170 : i32 to index
          %swap3A_180 = arith.constant 0 : index
          %swap3A_181 = tpu.vector_load %arg12[%swap3A_179, %swap3A_180] {strides = array<i32>} : memref<80x64xf32, #tpu.memory_space<vmem>>, vector<1x16xf32>,
          %swap3A_182 = vector.shape_cast %swap3A_181 : vector<1x16xf32> to vector<16xf32>
          %swap3A_183 = vector.shape_cast %mul3A_178 : vector<16xf32> to vector<1x16xf32>
          tpu.vector_store %arg12[%swap3A_179, %swap3A_180], %swap3A_183 {strides = array<i32>} : memref<80x64xf32, #tpu.memory_space<vmem>>, vector<1x16xf32>,
          %get3A_184 = arith.index_cast %add3A_170 : i32 to index
          %get3A_185 = arith.constant 16 : index
          %get3A_186 = tpu.vector_load %arg12[%get3A_184, %get3A_185] {strides = array<i32>} : memref<80x64xf32, #tpu.memory_space<vmem>>, vector<1x16xf32>,
          %get3A_187 = vector.shape_cast %get3A_186 : vector<1x16xf32> to vector<16xf32>
          %mul3A_188 = vector.broadcast %squeeze3A_172 : f32 to vector<16xf32>
          %mul3A_189 = arith.mulf %get3A_187, %mul3A_188 : vector<16xf32>
          %swap3A_190 = arith.index_cast %add3A_170 : i32 to index
          %swap3A_191 = arith.constant 16 : index
          %swap3A_192 = tpu.vector_load %arg12[%swap3A_190, %swap3A_191] {strides = array<i32>} : memref<80x64xf32, #tpu.memory_space<vmem>>, vector<1x16xf32>,
          %swap3A_193 = vector.shape_cast %swap3A_192 : vector<1x16xf32> to vector<16xf32>
          %swap3A_194 = vector.shape_cast %mul3A_189 : vector<16xf32> to vector<1x16xf32>
          tpu.vector_store %arg12[%swap3A_190, %swap3A_191], %swap3A_194 {strides = array<i32>} : memref<80x64xf32, #tpu.memory_space<vmem>>, vector<1x16xf32>,
          %get3A_195 = arith.index_cast %add3A_170 : i32 to index
          %get3A_196 = arith.constant 32 : index
          %get3A_197 = tpu.vector_load %arg12[%get3A_195, %get3A_196] {strides = array<i32>} : memref<80x64xf32, #tpu.memory_space<vmem>>, vector<1x16xf32>,
          %get3A_198 = vector.shape_cast %get3A_197 : vector<1x16xf32> to vector<16xf32>
          %mul3A_199 = vector.broadcast %squeeze3A_172 : f32 to vector<16xf32>
          %mul3A_200 = arith.mulf %get3A_198, %mul3A_199 : vector<16xf32>
          %swap3A_201 = arith.index_cast %add3A_170 : i32 to index
          %swap3A_202 = arith.constant 32 : index
          %swap3A_203 = tpu.vector_load %arg12[%swap3A_201, %swap3A_202] {strides = array<i32>} : memref<80x64xf32, #tpu.memory_space<vmem>>, vector<1x16xf32>,
          %swap3A_204 = vector.shape_cast %swap3A_203 : vector<1x16xf32> to vector<16xf32>
          %swap3A_205 = vector.shape_cast %mul3A_200 : vector<16xf32> to vector<1x16xf32>
          tpu.vector_store %arg12[%swap3A_201, %swap3A_202], %swap3A_205 {strides = array<i32>} : memref<80x64xf32, #tpu.memory_space<vmem>>, vector<1x16xf32>,
          %get3A_206 = arith.index_cast %add3A_170 : i32 to index
          %get3A_207 = arith.constant 48 : index
          %get3A_208 = tpu.vector_load %arg12[%get3A_206, %get3A_207] {strides = array<i32>} : memref<80x64xf32, #tpu.memory_space<vmem>>, vector<1x16xf32>,
          %get3A_209 = vector.shape_cast %get3A_208 : vector<1x16xf32> to vector<16xf32>
          %mul3A_210 = vector.broadcast %squeeze3A_172 : f32 to vector<16xf32>
          %mul3A_211 = arith.mulf %get3A_209, %mul3A_210 : vector<16xf32>
          %swap3A_212 = arith.index_cast %add3A_170 : i32 to index
          %swap3A_213 = arith.constant 48 : index
          %swap3A_214 = tpu.vector_load %arg12[%swap3A_212, %swap3A_213] {strides = array<i32>} : memref<80x64xf32, #tpu.memory_space<vmem>>, vector<1x16xf32>,
          %swap3A_215 = vector.shape_cast %swap3A_214 : vector<1x16xf32> to vector<16xf32>
          %swap3A_216 = vector.shape_cast %mul3A_211 : vector<16xf32> to vector<1x16xf32>
          tpu.vector_store %arg12[%swap3A_212, %swap3A_213], %swap3A_216 {strides = array<i32>} : memref<80x64xf32, #tpu.memory_space<vmem>>, vector<1x16xf32>,
          %mul3A_217 = arith.constant 16 : i32
          %mul3A_218 = arith.muli %scan3A_111, %mul3A_217 : i32
          %add3A_219 = arith.constant 2 : i32
          %add3A_220 = arith.addi %mul3A_218, %add3A_219 : i32
          %slice3A_221 = vector.extract_strided_slice %get3A_118 {offsets = [2], sizes = [1], strides = [1]} : vector<16xf32> to vector<1xf32>
          %squeeze3A_222 = vector.extract %slice3A_221[0] : f32 from vector<1xf32>
          %get3A_223 = arith.index_cast %add3A_220 : i32 to index
          %get3A_224 = arith.constant 0 : index
          %get3A_225 = tpu.vector_load %arg12[%get3A_223, %get3A_224] {strides = array<i32>} : memref<80x64xf32, #tpu.memory_space<vmem>>, vector<1x16xf32>,
          %get3A_226 = vector.shape_cast %get3A_225 : vector<1x16xf32> to vector<16xf32>
          %mul3A_227 = vector.broadcast %squeeze3A_222 : f32 to vector<16xf32>
          %mul3A_228 = arith.mulf %get3A_226, %mul3A_227 : vector<16xf32>
          %swap3A_229 = arith.index_cast %add3A_220 : i32 to index
          %swap3A_230 = arith.constant 0 : index
          %swap3A_231 = tpu.vector_load %arg12[%swap3A_229, %swap3A_230] {strides = array<i32>} : memref<80x64xf32, #tpu.memory_space<vmem>>, vector<1x16xf32>,
          %swap3A_232 = vector.shape_cast %swap3A_231 : vector<1x16xf32> to vector<16xf32>
          %swap3A_233 = vector.shape_cast %mul3A_228 : vector<16xf32> to vector<1x16xf32>
          tpu.vector_store %arg12[%swap3A_229, %swap3A_230], %swap3A_233 {strides = array<i32>} : memref<80x64xf32, #tpu.memory_space<vmem>>, vector<1x16xf32>,
          %get3A_234 = arith.index_cast %add3A_220 : i32 to index
          %get3A_235 = arith.constant 16 : index
          %get3A_236 = tpu.vector_load %arg12[%get3A_234, %get3A_235] {strides = array<i32>} : memref<80x64xf32, #tpu.memory_space<vmem>>, vector<1x16xf32>,
          %get3A_237 = vector.shape_cast %get3A_236 : vector<1x16xf32> to vector<16xf32>
          %mul3A_238 = vector.broadcast %squeeze3A_222 : f32 to vector<16xf32>
          %mul3A_239 = arith.mulf %get3A_237, %mul3A_238 : vector<16xf32>
          %swap3A_240 = arith.index_cast %add3A_220 : i32 to index
          %swap3A_241 = arith.constant 16 : index
          %swap3A_242 = tpu.vector_load %arg12[%swap3A_240, %swap3A_241] {strides = array<i32>} : memref<80x64xf32, #tpu.memory_space<vmem>>, vector<1x16xf32>,
          %swap3A_243 = vector.shape_cast %swap3A_242 : vector<1x16xf32> to vector<16xf32>
          %swap3A_244 = vector.shape_cast %mul3A_239 : vector<16xf32> to vector<1x16xf32>
          tpu.vector_store %arg12[%swap3A_240, %swap3A_241], %swap3A_244 {strides = array<i32>} : memref<80x64xf32, #tpu.memory_space<vmem>>, vector<1x16xf32>,
          %get3A_245 = arith.index_cast %add3A_220 : i32 to index
          %get3A_246 = arith.constant 32 : index
          %get3A_247 = tpu.vector_load %arg12[%get3A_245, %get3A_246] {strides = array<i32>} : memref<80x64xf32, #tpu.memory_space<vmem>>, vector<1x16xf32>,
          %get3A_248 = vector.shape_cast %get3A_247 : vector<1x16xf32> to vector<16xf32>
          %mul3A_249 = vector.broadcast %squeeze3A_222 : f32 to vector<16xf32>
          %mul3A_250 = arith.mulf %get3A_248, %mul3A_249 : vector<16xf32>
          %swap3A_251 = arith.index_cast %add3A_220 : i32 to index
          %swap3A_252 = arith.constant 32 : index
          %swap3A_253 = tpu.vector_load %arg12[%swap3A_251, %swap3A_252] {strides = array<i32>} : memref<80x64xf32, #tpu.memory_space<vmem>>, vector<1x16xf32>,
          %swap3A_254 = vector.shape_cast %swap3A_253 : vector<1x16xf32> to vector<16xf32>
          %swap3A_255 = vector.shape_cast %mul3A_250 : vector<16xf32> to vector<1x16xf32>
          tpu.vector_store %arg12[%swap3A_251, %swap3A_252], %swap3A_255 {strides = array<i32>} : memref<80x64xf32, #tpu.memory_space<vmem>>, vector<1x16xf32>,
          %get3A_256 = arith.index_cast %add3A_220 : i32 to index
          %get3A_257 = arith.constant 48 : index
          %get3A_258 = tpu.vector_load %arg12[%get3A_256, %get3A_257] {strides = array<i32>} : memref<80x64xf32, #tpu.memory_space<vmem>>, vector<1x16xf32>,
          %get3A_259 = vector.shape_cast %get3A_258 : vector<1x16xf32> to vector<16xf32>
          %mul3A_260 = vector.broadcast %squeeze3A_222 : f32 to vector<16xf32>
          %mul3A_261 = arith.mulf %get3A_259, %mul3A_260 : vector<16xf32>
          %swap3A_262 = arith.index_cast %add3A_220 : i32 to index
          %swap3A_263 = arith.constant 48 : index
          %swap3A_264 = tpu.vector_load %arg12[%swap3A_262, %swap3A_263] {strides = array<i32>} : memref<80x64xf32, #tpu.memory_space<vmem>>, vector<1x16xf32>,
          %swap3A_265 = vector.shape_cast %swap3A_264 : vector<1x16xf32> to vector<16xf32>
          %swap3A_266 = vector.shape_cast %mul3A_261 : vector<16xf32> to vector<1x16xf32>
          tpu.vector_store %arg12[%swap3A_262, %swap3A_263], %swap3A_266 {strides = array<i32>} : memref<80x64xf32, #tpu.memory_space<vmem>>, vector<1x16xf32>,
          %mul3A_267 = arith.constant 16 : i32
          %mul3A_268 = arith.muli %scan3A_111, %mul3A_267 : i32
          %add3A_269 = arith.constant 3 : i32
          %add3A_270 = arith.addi %mul3A_268, %add3A_269 : i32
          %slice3A_271 = vector.extract_strided_slice %get3A_118 {offsets = [3], sizes = [1], strides = [1]} : vector<16xf32> to vector<1xf32>
          %squeeze3A_272 = vector.extract %slice3A_271[0] : f32 from vector<1xf32>
          %get3A_273 = arith.index_cast %add3A_270 : i32 to index
          %get3A_274 = arith.constant 0 : index
          %get3A_275 = tpu.vector_load %arg12[%get3A_273, %get3A_274] {strides = array<i32>} : memref<80x64xf32, #tpu.memory_space<vmem>>, vector<1x16xf32>,
          %get3A_276 = vector.shape_cast %get3A_275 : vector<1x16xf32> to vector<16xf32>
          %mul3A_277 = vector.broadcast %squeeze3A_272 : f32 to vector<16xf32>
          %mul3A_278 = arith.mulf %get3A_276, %mul3A_277 : vector<16xf32>
          %swap3A_279 = arith.index_cast %add3A_270 : i32 to index
          %swap3A_280 = arith.constant 0 : index
          %swap3A_281 = tpu.vector_load %arg12[%swap3A_279, %swap3A_280] {strides = array<i32>} : memref<80x64xf32, #tpu.memory_space<vmem>>, vector<1x16xf32>,
          %swap3A_282 = vector.shape_cast %swap3A_281 : vector<1x16xf32> to vector<16xf32>
          %swap3A_283 = vector.shape_cast %mul3A_278 : vector<16xf32> to vector<1x16xf32>
          tpu.vector_store %arg12[%swap3A_279, %swap3A_280], %swap3A_283 {strides = array<i32>} : memref<80x64xf32, #tpu.memory_space<vmem>>, vector<1x16xf32>,
          %get3A_284 = arith.index_cast %add3A_270 : i32 to index
          %get3A_285 = arith.constant 16 : index
          %get3A_286 = tpu.vector_load %arg12[%get3A_284, %get3A_285] {strides = array<i32>} : memref<80x64xf32, #tpu.memory_space<vmem>>, vector<1x16xf32>,
          %get3A_287 = vector.shape_cast %get3A_286 : vector<1x16xf32> to vector<16xf32>
          %mul3A_288 = vector.broadcast %squeeze3A_272 : f32 to vector<16xf32>
          %mul3A_289 = arith.mulf %get3A_287, %mul3A_288 : vector<16xf32>
          %swap3A_290 = arith.index_cast %add3A_270 : i32 to index
          %swap3A_291 = arith.constant 16 : index
          %swap3A_292 = tpu.vector_load %arg12[%swap3A_290, %swap3A_291] {strides = array<i32>} : memref<80x64xf32, #tpu.memory_space<vmem>>, vector<1x16xf32>,
          %swap3A_293 = vector.shape_cast %swap3A_292 : vector<1x16xf32> to vector<16xf32>
          %swap3A_294 = vector.shape_cast %mul3A_289 : vector<16xf32> to vector<1x16xf32>
          tpu.vector_store %arg12[%swap3A_290, %swap3A_291], %swap3A_294 {strides = array<i32>} : memref<80x64xf32, #tpu.memory_space<vmem>>, vector<1x16xf32>,
          %get3A_295 = arith.index_cast %add3A_270 : i32 to index
          %get3A_296 = arith.constant 32 : index
          %get3A_297 = tpu.vector_load %arg12[%get3A_295, %get3A_296] {strides = array<i32>} : memref<80x64xf32, #tpu.memory_space<vmem>>, vector<1x16xf32>,
          %get3A_298 = vector.shape_cast %get3A_297 : vector<1x16xf32> to vector<16xf32>
          %mul3A_299 = vector.broadcast %squeeze3A_272 : f32 to vector<16xf32>
          %mul3A_300 = arith.mulf %get3A_298, %mul3A_299 : vector<16xf32>
          %swap3A_301 = arith.index_cast %add3A_270 : i32 to index
          %swap3A_302 = arith.constant 32 : index
          %swap3A_303 = tpu.vector_load %arg12[%swap3A_301, %swap3A_302] {strides = array<i32>} : memref<80x64xf32, #tpu.memory_space<vmem>>, vector<1x16xf32>,
          %swap3A_304 = vector.shape_cast %swap3A_303 : vector<1x16xf32> to vector<16xf32>
          %swap3A_305 = vector.shape_cast %mul3A_300 : vector<16xf32> to vector<1x16xf32>
          tpu.vector_store %arg12[%swap3A_301, %swap3A_302], %swap3A_305 {strides = array<i32>} : memref<80x64xf32, #tpu.memory_space<vmem>>, vector<1x16xf32>,
          %get3A_306 = arith.index_cast %add3A_270 : i32 to index
          %get3A_307 = arith.constant 48 : index
          %get3A_308 = tpu.vector_load %arg12[%get3A_306, %get3A_307] {strides = array<i32>} : memref<80x64xf32, #tpu.memory_space<vmem>>, vector<1x16xf32>,
          %get3A_309 = vector.shape_cast %get3A_308 : vector<1x16xf32> to vector<16xf32>
          %mul3A_310 = vector.broadcast %squeeze3A_272 : f32 to vector<16xf32>
          %mul3A_311 = arith.mulf %get3A_309, %mul3A_310 : vector<16xf32>
          %swap3A_312 = arith.index_cast %add3A_270 : i32 to index
          %swap3A_313 = arith.constant 48 : index
          %swap3A_314 = tpu.vector_load %arg12[%swap3A_312, %swap3A_313] {strides = array<i32>} : memref<80x64xf32, #tpu.memory_space<vmem>>, vector<1x16xf32>,
          %swap3A_315 = vector.shape_cast %swap3A_314 : vector<1x16xf32> to vector<16xf32>
          %swap3A_316 = vector.shape_cast %mul3A_311 : vector<16xf32> to vector<1x16xf32>
          tpu.vector_store %arg12[%swap3A_312, %swap3A_313], %swap3A_316 {strides = array<i32>} : memref<80x64xf32, #tpu.memory_space<vmem>>, vector<1x16xf32>,
          %mul3A_317 = arith.constant 16 : i32
          %mul3A_318 = arith.muli %scan3A_111, %mul3A_317 : i32
          %add3A_319 = arith.constant 4 : i32
          %add3A_320 = arith.addi %mul3A_318, %add3A_319 : i32
          %slice3A_321 = vector.extract_strided_slice %get3A_118 {offsets = [4], sizes = [1], strides = [1]} : vector<16xf32> to vector<1xf32>
          %squeeze3A_322 = vector.extract %slice3A_321[0] : f32 from vector<1xf32>
          %get3A_323 = arith.index_cast %add3A_320 : i32 to index
          %get3A_324 = arith.constant 0 : index
          %get3A_325 = tpu.vector_load %arg12[%get3A_323, %get3A_324] {strides = array<i32>} : memref<80x64xf32, #tpu.memory_space<vmem>>, vector<1x16xf32>,
          %get3A_326 = vector.shape_cast %get3A_325 : vector<1x16xf32> to vector<16xf32>
          %mul3A_327 = vector.broadcast %squeeze3A_322 : f32 to vector<16xf32>
          %mul3A_328 = arith.mulf %get3A_326, %mul3A_327 : vector<16xf32>
          %swap3A_329 = arith.index_cast %add3A_320 : i32 to index
          %swap3A_330 = arith.constant 0 : index
          %swap3A_331 = tpu.vector_load %arg12[%swap3A_329, %swap3A_330] {strides = array<i32>} : memref<80x64xf32, #tpu.memory_space<vmem>>, vector<1x16xf32>,
          %swap3A_332 = vector.shape_cast %swap3A_331 : vector<1x16xf32> to vector<16xf32>
          %swap3A_333 = vector.shape_cast %mul3A_328 : vector<16xf32> to vector<1x16xf32>
          tpu.vector_store %arg12[%swap3A_329, %swap3A_330], %swap3A_333 {strides = array<i32>} : memref<80x64xf32, #tpu.memory_space<vmem>>, vector<1x16xf32>,
          %get3A_334 = arith.index_cast %add3A_320 : i32 to index
          %get3A_335 = arith.constant 16 : index
          %get3A_336 = tpu.vector_load %arg12[%get3A_334, %get3A_335] {strides = array<i32>} : memref<80x64xf32, #tpu.memory_space<vmem>>, vector<1x16xf32>,
          %get3A_337 = vector.shape_cast %get3A_336 : vector<1x16xf32> to vector<16xf32>
          %mul3A_338 = vector.broadcast %squeeze3A_322 : f32 to vector<16xf32>
          %mul3A_339 = arith.mulf %get3A_337, %mul3A_338 : vector<16xf32>
          %swap3A_340 = arith.index_cast %add3A_320 : i32 to index
          %swap3A_341 = arith.constant 16 : index
          %swap3A_342 = tpu.vector_load %arg12[%swap3A_340, %swap3A_341] {strides = array<i32>} : memref<80x64xf32, #tpu.memory_space<vmem>>, vector<1x16xf32>,
          %swap3A_343 = vector.shape_cast %swap3A_342 : vector<1x16xf32> to vector<16xf32>
          %swap3A_344 = vector.shape_cast %mul3A_339 : vector<16xf32> to vector<1x16xf32>
          tpu.vector_store %arg12[%swap3A_340, %swap3A_341], %swap3A_344 {strides = array<i32>} : memref<80x64xf32, #tpu.memory_space<vmem>>, vector<1x16xf32>,
          %get3A_345 = arith.index_cast %add3A_320 : i32 to index
          %get3A_346 = arith.constant 32 : index
          %get3A_347 = tpu.vector_load %arg12[%get3A_345, %get3A_346] {strides = array<i32>} : memref<80x64xf32, #tpu.memory_space<vmem>>, vector<1x16xf32>,
          %get3A_348 = vector.shape_cast %get3A_347 : vector<1x16xf32> to vector<16xf32>
          %mul3A_349 = vector.broadcast %squeeze3A_322 : f32 to vector<16xf32>
          %mul3A_350 = arith.mulf %get3A_348, %mul3A_349 : vector<16xf32>
          %swap3A_351 = arith.index_cast %add3A_320 : i32 to index
          %swap3A_352 = arith.constant 32 : index
          %swap3A_353 = tpu.vector_load %arg12[%swap3A_351, %swap3A_352] {strides = array<i32>} : memref<80x64xf32, #tpu.memory_space<vmem>>, vector<1x16xf32>,
          %swap3A_354 = vector.shape_cast %swap3A_353 : vector<1x16xf32> to vector<16xf32>
          %swap3A_355 = vector.shape_cast %mul3A_350 : vector<16xf32> to vector<1x16xf32>
          tpu.vector_store %arg12[%swap3A_351, %swap3A_352], %swap3A_355 {strides = array<i32>} : memref<80x64xf32, #tpu.memory_space<vmem>>, vector<1x16xf32>,
          %get3A_356 = arith.index_cast %add3A_320 : i32 to index
          %get3A_357 = arith.constant 48 : index
          %get3A_358 = tpu.vector_load %arg12[%get3A_356, %get3A_357] {strides = array<i32>} : memref<80x64xf32, #tpu.memory_space<vmem>>, vector<1x16xf32>,
          %get3A_359 = vector.shape_cast %get3A_358 : vector<1x16xf32> to vector<16xf32>
          %mul3A_360 = vector.broadcast %squeeze3A_322 : f32 to vector<16xf32>
          %mul3A_361 = arith.mulf %get3A_359, %mul3A_360 : vector<16xf32>
          %swap3A_362 = arith.index_cast %add3A_320 : i32 to index
          %swap3A_363 = arith.constant 48 : index
          %swap3A_364 = tpu.vector_load %arg12[%swap3A_362, %swap3A_363] {strides = array<i32>} : memref<80x64xf32, #tpu.memory_space<vmem>>, vector<1x16xf32>,
          %swap3A_365 = vector.shape_cast %swap3A_364 : vector<1x16xf32> to vector<16xf32>
          %swap3A_366 = vector.shape_cast %mul3A_361 : vector<16xf32> to vector<1x16xf32>
          tpu.vector_store %arg12[%swap3A_362, %swap3A_363], %swap3A_366 {strides = array<i32>} : memref<80x64xf32, #tpu.memory_space<vmem>>, vector<1x16xf32>,
          %mul3A_367 = arith.constant 16 : i32
          %mul3A_368 = arith.muli %scan3A_111, %mul3A_367 : i32
          %add3A_369 = arith.constant 5 : i32
          %add3A_370 = arith.addi %mul3A_368, %add3A_369 : i32
          %slice3A_371 = vector.extract_strided_slice %get3A_118 {offsets = [5], sizes = [1], strides = [1]} : vector<16xf32> to vector<1xf32>
          %squeeze3A_372 = vector.extract %slice3A_371[0] : f32 from vector<1xf32>
          %get3A_373 = arith.index_cast %add3A_370 : i32 to index
          %get3A_374 = arith.constant 0 : index
          %get3A_375 = tpu.vector_load %arg12[%get3A_373, %get3A_374] {strides = array<i32>} : memref<80x64xf32, #tpu.memory_space<vmem>>, vector<1x16xf32>,
          %get3A_376 = vector.shape_cast %get3A_375 : vector<1x16xf32> to vector<16xf32>
          %mul3A_377 = vector.broadcast %squeeze3A_372 : f32 to vector<16xf32>
          %mul3A_378 = arith.mulf %get3A_376, %mul3A_377 : vector<16xf32>
          %swap3A_379 = arith.index_cast %add3A_370 : i32 to index
          %swap3A_380 = arith.constant 0 : index
          %swap3A_381 = tpu.vector_load %arg12[%swap3A_379, %swap3A_380] {strides = array<i32>} : memref<80x64xf32, #tpu.memory_space<vmem>>, vector<1x16xf32>,
          %swap3A_382 = vector.shape_cast %swap3A_381 : vector<1x16xf32> to vector<16xf32>
          %swap3A_383 = vector.shape_cast %mul3A_378 : vector<16xf32> to vector<1x16xf32>
          tpu.vector_store %arg12[%swap3A_379, %swap3A_380], %swap3A_383 {strides = array<i32>} : memref<80x64xf32, #tpu.memory_space<vmem>>, vector<1x16xf32>,
          %get3A_384 = arith.index_cast %add3A_370 : i32 to index
          %get3A_385 = arith.constant 16 : index
          %get3A_386 = tpu.vector_load %arg12[%get3A_384, %get3A_385] {strides = array<i32>} : memref<80x64xf32, #tpu.memory_space<vmem>>, vector<1x16xf32>,
          %get3A_387 = vector.shape_cast %get3A_386 : vector<1x16xf32> to vector<16xf32>
          %mul3A_388 = vector.broadcast %squeeze3A_372 : f32 to vector<16xf32>
          %mul3A_389 = arith.mulf %get3A_387, %mul3A_388 : vector<16xf32>
          %swap3A_390 = arith.index_cast %add3A_370 : i32 to index
          %swap3A_391 = arith.constant 16 : index
          %swap3A_392 = tpu.vector_load %arg12[%swap3A_390, %swap3A_391] {strides = array<i32>} : memref<80x64xf32, #tpu.memory_space<vmem>>, vector<1x16xf32>,
          %swap3A_393 = vector.shape_cast %swap3A_392 : vector<1x16xf32> to vector<16xf32>
          %swap3A_394 = vector.shape_cast %mul3A_389 : vector<16xf32> to vector<1x16xf32>
          tpu.vector_store %arg12[%swap3A_390, %swap3A_391], %swap3A_394 {strides = array<i32>} : memref<80x64xf32, #tpu.memory_space<vmem>>, vector<1x16xf32>,
          %get3A_395 = arith.index_cast %add3A_370 : i32 to index
          %get3A_396 = arith.constant 32 : index
          %get3A_397 = tpu.vector_load %arg12[%get3A_395, %get3A_396] {strides = array<i32>} : memref<80x64xf32, #tpu.memory_space<vmem>>, vector<1x16xf32>,
          %get3A_398 = vector.shape_cast %get3A_397 : vector<1x16xf32> to vector<16xf32>
          %mul3A_399 = vector.broadcast %squeeze3A_372 : f32 to vector<16xf32>
          %mul3A_400 = arith.mulf %get3A_398, %mul3A_399 : vector<16xf32>
          %swap3A_401 = arith.index_cast %add3A_370 : i32 to index
          %swap3A_402 = arith.constant 32 : index
          %swap3A_403 = tpu.vector_load %arg12[%swap3A_401, %swap3A_402] {strides = array<i32>} : memref<80x64xf32, #tpu.memory_space<vmem>>, vector<1x16xf32>,
          %swap3A_404 = vector.shape_cast %swap3A_403 : vector<1x16xf32> to vector<16xf32>
          %swap3A_405 = vector.shape_cast %mul3A_400 : vector<16xf32> to vector<1x16xf32>
          tpu.vector_store %arg12[%swap3A_401, %swap3A_402], %swap3A_405 {strides = array<i32>} : memref<80x64xf32, #tpu.memory_space<vmem>>, vector<1x16xf32>,
          %get3A_406 = arith.index_cast %add3A_370 : i32 to index
          %get3A_407 = arith.constant 48 : index
          %get3A_408 = tpu.vector_load %arg12[%get3A_406, %get3A_407] {strides = array<i32>} : memref<80x64xf32, #tpu.memory_space<vmem>>, vector<1x16xf32>,
          %get3A_409 = vector.shape_cast %get3A_408 : vector<1x16xf32> to vector<16xf32>
          %mul3A_410 = vector.broadcast %squeeze3A_372 : f32 to vector<16xf32>
          %mul3A_411 = arith.mulf %get3A_409, %mul3A_410 : vector<16xf32>
          %swap3A_412 = arith.index_cast %add3A_370 : i32 to index
          %swap3A_413 = arith.constant 48 : index
          %swap3A_414 = tpu.vector_load %arg12[%swap3A_412, %swap3A_413] {strides = array<i32>} : memref<80x64xf32, #tpu.memory_space<vmem>>, vector<1x16xf32>,
          %swap3A_415 = vector.shape_cast %swap3A_414 : vector<1x16xf32> to vector<16xf32>
          %swap3A_416 = vector.shape_cast %mul3A_411 : vector<16xf32> to vector<1x16xf32>
          tpu.vector_store %arg12[%swap3A_412, %swap3A_413], %swap3A_416 {strides = array<i32>} : memref<80x64xf32, #tpu.memory_space<vmem>>, vector<1x16xf32>,
          %mul3A_417 = arith.constant 16 : i32
          %mul3A_418 = arith.muli %scan3A_111, %mul3A_417 : i32
          %add3A_419 = arith.constant 6 : i32
          %add3A_420 = arith.addi %mul3A_418, %add3A_419 : i32
          %slice3A_421 = vector.extract_strided_slice %get3A_118 {offsets = [6], sizes = [1], strides = [1]} : vector<16xf32> to vector<1xf32>
          %squeeze3A_422 = vector.extract %slice3A_421[0] : f32 from vector<1xf32>
          %get3A_423 = arith.index_cast %add3A_420 : i32 to index
          %get3A_424 = arith.constant 0 : index
          %get3A_425 = tpu.vector_load %arg12[%get3A_423, %get3A_424] {strides = array<i32>} : memref<80x64xf32, #tpu.memory_space<vmem>>, vector<1x16xf32>,
          %get3A_426 = vector.shape_cast %get3A_425 : vector<1x16xf32> to vector<16xf32>
          %mul3A_427 = vector.broadcast %squeeze3A_422 : f32 to vector<16xf32>
          %mul3A_428 = arith.mulf %get3A_426, %mul3A_427 : vector<16xf32>
          %swap3A_429 = arith.index_cast %add3A_420 : i32 to index
          %swap3A_430 = arith.constant 0 : index
          %swap3A_431 = tpu.vector_load %arg12[%swap3A_429, %swap3A_430] {strides = array<i32>} : memref<80x64xf32, #tpu.memory_space<vmem>>, vector<1x16xf32>,
          %swap3A_432 = vector.shape_cast %swap3A_431 : vector<1x16xf32> to vector<16xf32>
          %swap3A_433 = vector.shape_cast %mul3A_428 : vector<16xf32> to vector<1x16xf32>
          tpu.vector_store %arg12[%swap3A_429, %swap3A_430], %swap3A_433 {strides = array<i32>} : memref<80x64xf32, #tpu.memory_space<vmem>>, vector<1x16xf32>,
          %get3A_434 = arith.index_cast %add3A_420 : i32 to index
          %get3A_435 = arith.constant 16 : index
          %get3A_436 = tpu.vector_load %arg12[%get3A_434, %get3A_435] {strides = array<i32>} : memref<80x64xf32, #tpu.memory_space<vmem>>, vector<1x16xf32>,
          %get3A_437 = vector.shape_cast %get3A_436 : vector<1x16xf32> to vector<16xf32>
          %mul3A_438 = vector.broadcast %squeeze3A_422 : f32 to vector<16xf32>
          %mul3A_439 = arith.mulf %get3A_437, %mul3A_438 : vector<16xf32>
          %swap3A_440 = arith.index_cast %add3A_420 : i32 to index
          %swap3A_441 = arith.constant 16 : index
          %swap3A_442 = tpu.vector_load %arg12[%swap3A_440, %swap3A_441] {strides = array<i32>} : memref<80x64xf32, #tpu.memory_space<vmem>>, vector<1x16xf32>,
          %swap3A_443 = vector.shape_cast %swap3A_442 : vector<1x16xf32> to vector<16xf32>
          %swap3A_444 = vector.shape_cast %mul3A_439 : vector<16xf32> to vector<1x16xf32>
          tpu.vector_store %arg12[%swap3A_440, %swap3A_441], %swap3A_444 {strides = array<i32>} : memref<80x64xf32, #tpu.memory_space<vmem>>, vector<1x16xf32>,
          %get3A_445 = arith.index_cast %add3A_420 : i32 to index
          %get3A_446 = arith.constant 32 : index
          %get3A_447 = tpu.vector_load %arg12[%get3A_445, %get3A_446] {strides = array<i32>} : memref<80x64xf32, #tpu.memory_space<vmem>>, vector<1x16xf32>,
          %get3A_448 = vector.shape_cast %get3A_447 : vector<1x16xf32> to vector<16xf32>
          %mul3A_449 = vector.broadcast %squeeze3A_422 : f32 to vector<16xf32>
          %mul3A_450 = arith.mulf %get3A_448, %mul3A_449 : vector<16xf32>
          %swap3A_451 = arith.index_cast %add3A_420 : i32 to index
          %swap3A_452 = arith.constant 32 : index
          %swap3A_453 = tpu.vector_load %arg12[%swap3A_451, %swap3A_452] {strides = array<i32>} : memref<80x64xf32, #tpu.memory_space<vmem>>, vector<1x16xf32>,
          %swap3A_454 = vector.shape_cast %swap3A_453 : vector<1x16xf32> to vector<16xf32>
          %swap3A_455 = vector.shape_cast %mul3A_450 : vector<16xf32> to vector<1x16xf32>
          tpu.vector_store %arg12[%swap3A_451, %swap3A_452], %swap3A_455 {strides = array<i32>} : memref<80x64xf32, #tpu.memory_space<vmem>>, vector<1x16xf32>,
          %get3A_456 = arith.index_cast %add3A_420 : i32 to index
          %get3A_457 = arith.constant 48 : index
          %get3A_458 = tpu.vector_load %arg12[%get3A_456, %get3A_457] {strides = array<i32>} : memref<80x64xf32, #tpu.memory_space<vmem>>, vector<1x16xf32>,
          %get3A_459 = vector.shape_cast %get3A_458 : vector<1x16xf32> to vector<16xf32>
          %mul3A_460 = vector.broadcast %squeeze3A_422 : f32 to vector<16xf32>
          %mul3A_461 = arith.mulf %get3A_459, %mul3A_460 : vector<16xf32>
          %swap3A_462 = arith.index_cast %add3A_420 : i32 to index
          %swap3A_463 = arith.constant 48 : index
          %swap3A_464 = tpu.vector_load %arg12[%swap3A_462, %swap3A_463] {strides = array<i32>} : memref<80x64xf32, #tpu.memory_space<vmem>>, vector<1x16xf32>,
          %swap3A_465 = vector.shape_cast %swap3A_464 : vector<1x16xf32> to vector<16xf32>
          %swap3A_466 = vector.shape_cast %mul3A_461 : vector<16xf32> to vector<1x16xf32>
          tpu.vector_store %arg12[%swap3A_462, %swap3A_463], %swap3A_466 {strides = array<i32>} : memref<80x64xf32, #tpu.memory_space<vmem>>, vector<1x16xf32>,
          %mul3A_467 = arith.constant 16 : i32
          %mul3A_468 = arith.muli %scan3A_111, %mul3A_467 : i32
          %add3A_469 = arith.constant 7 : i32
          %add3A_470 = arith.addi %mul3A_468, %add3A_469 : i32
          %slice3A_471 = vector.extract_strided_slice %get3A_118 {offsets = [7], sizes = [1], strides = [1]} : vector<16xf32> to vector<1xf32>
          %squeeze3A_472 = vector.extract %slice3A_471[0] : f32 from vector<1xf32>
          %get3A_473 = arith.index_cast %add3A_470 : i32 to index
          %get3A_474 = arith.constant 0 : index
          %get3A_475 = tpu.vector_load %arg12[%get3A_473, %get3A_474] {strides = array<i32>} : memref<80x64xf32, #tpu.memory_space<vmem>>, vector<1x16xf32>,
          %get3A_476 = vector.shape_cast %get3A_475 : vector<1x16xf32> to vector<16xf32>
          %mul3A_477 = vector.broadcast %squeeze3A_472 : f32 to vector<16xf32>
          %mul3A_478 = arith.mulf %get3A_476, %mul3A_477 : vector<16xf32>
          %swap3A_479 = arith.index_cast %add3A_470 : i32 to index
          %swap3A_480 = arith.constant 0 : index
          %swap3A_481 = tpu.vector_load %arg12[%swap3A_479, %swap3A_480] {strides = array<i32>} : memref<80x64xf32, #tpu.memory_space<vmem>>, vector<1x16xf32>,
          %swap3A_482 = vector.shape_cast %swap3A_481 : vector<1x16xf32> to vector<16xf32>
          %swap3A_483 = vector.shape_cast %mul3A_478 : vector<16xf32> to vector<1x16xf32>
          tpu.vector_store %arg12[%swap3A_479, %swap3A_480], %swap3A_483 {strides = array<i32>} : memref<80x64xf32, #tpu.memory_space<vmem>>, vector<1x16xf32>,
          %get3A_484 = arith.index_cast %add3A_470 : i32 to index
          %get3A_485 = arith.constant 16 : index
          %get3A_486 = tpu.vector_load %arg12[%get3A_484, %get3A_485] {strides = array<i32>} : memref<80x64xf32, #tpu.memory_space<vmem>>, vector<1x16xf32>,
          %get3A_487 = vector.shape_cast %get3A_486 : vector<1x16xf32> to vector<16xf32>
          %mul3A_488 = vector.broadcast %squeeze3A_472 : f32 to vector<16xf32>
          %mul3A_489 = arith.mulf %get3A_487, %mul3A_488 : vector<16xf32>
          %swap3A_490 = arith.index_cast %add3A_470 : i32 to index
          %swap3A_491 = arith.constant 16 : index
          %swap3A_492 = tpu.vector_load %arg12[%swap3A_490, %swap3A_491] {strides = array<i32>} : memref<80x64xf32, #tpu.memory_space<vmem>>, vector<1x16xf32>,
          %swap3A_493 = vector.shape_cast %swap3A_492 : vector<1x16xf32> to vector<16xf32>
          %swap3A_494 = vector.shape_cast %mul3A_489 : vector<16xf32> to vector<1x16xf32>
          tpu.vector_store %arg12[%swap3A_490, %swap3A_491], %swap3A_494 {strides = array<i32>} : memref<80x64xf32, #tpu.memory_space<vmem>>, vector<1x16xf32>,
          %get3A_495 = arith.index_cast %add3A_470 : i32 to index
          %get3A_496 = arith.constant 32 : index
          %get3A_497 = tpu.vector_load %arg12[%get3A_495, %get3A_496] {strides = array<i32>} : memref<80x64xf32, #tpu.memory_space<vmem>>, vector<1x16xf32>,
          %get3A_498 = vector.shape_cast %get3A_497 : vector<1x16xf32> to vector<16xf32>
          %mul3A_499 = vector.broadcast %squeeze3A_472 : f32 to vector<16xf32>
          %mul3A_500 = arith.mulf %get3A_498, %mul3A_499 : vector<16xf32>
          %swap3A_501 = arith.index_cast %add3A_470 : i32 to index
          %swap3A_502 = arith.constant 32 : index
          %swap3A_503 = tpu.vector_load %arg12[%swap3A_501, %swap3A_502] {strides = array<i32>} : memref<80x64xf32, #tpu.memory_space<vmem>>, vector<1x16xf32>,
          %swap3A_504 = vector.shape_cast %swap3A_503 : vector<1x16xf32> to vector<16xf32>
          %swap3A_505 = vector.shape_cast %mul3A_500 : vector<16xf32> to vector<1x16xf32>
          tpu.vector_store %arg12[%swap3A_501, %swap3A_502], %swap3A_505 {strides = array<i32>} : memref<80x64xf32, #tpu.memory_space<vmem>>, vector<1x16xf32>,
          %get3A_506 = arith.index_cast %add3A_470 : i32 to index
          %get3A_507 = arith.constant 48 : index
          %get3A_508 = tpu.vector_load %arg12[%get3A_506, %get3A_507] {strides = array<i32>} : memref<80x64xf32, #tpu.memory_space<vmem>>, vector<1x16xf32>,
          %get3A_509 = vector.shape_cast %get3A_508 : vector<1x16xf32> to vector<16xf32>
          %mul3A_510 = vector.broadcast %squeeze3A_472 : f32 to vector<16xf32>
          %mul3A_511 = arith.mulf %get3A_509, %mul3A_510 : vector<16xf32>
          %swap3A_512 = arith.index_cast %add3A_470 : i32 to index
          %swap3A_513 = arith.constant 48 : index
          %swap3A_514 = tpu.vector_load %arg12[%swap3A_512, %swap3A_513] {strides = array<i32>} : memref<80x64xf32, #tpu.memory_space<vmem>>, vector<1x16xf32>,
          %swap3A_515 = vector.shape_cast %swap3A_514 : vector<1x16xf32> to vector<16xf32>
          %swap3A_516 = vector.shape_cast %mul3A_511 : vector<16xf32> to vector<1x16xf32>
          tpu.vector_store %arg12[%swap3A_512, %swap3A_513], %swap3A_516 {strides = array<i32>} : memref<80x64xf32, #tpu.memory_space<vmem>>, vector<1x16xf32>,
          %mul3A_517 = arith.constant 16 : i32
          %mul3A_518 = arith.muli %scan3A_111, %mul3A_517 : i32
          %add3A_519 = arith.constant 8 : i32
          %add3A_520 = arith.addi %mul3A_518, %add3A_519 : i32
          %slice3A_521 = vector.extract_strided_slice %get3A_118 {offsets = [8], sizes = [1], strides = [1]} : vector<16xf32> to vector<1xf32>
          %squeeze3A_522 = vector.extract %slice3A_521[0] : f32 from vector<1xf32>
          %get3A_523 = arith.index_cast %add3A_520 : i32 to index
          %get3A_524 = arith.constant 0 : index
          %get3A_525 = tpu.vector_load %arg12[%get3A_523, %get3A_524] {strides = array<i32>} : memref<80x64xf32, #tpu.memory_space<vmem>>, vector<1x16xf32>,
          %get3A_526 = vector.shape_cast %get3A_525 : vector<1x16xf32> to vector<16xf32>
          %mul3A_527 = vector.broadcast %squeeze3A_522 : f32 to vector<16xf32>
          %mul3A_528 = arith.mulf %get3A_526, %mul3A_527 : vector<16xf32>
          %swap3A_529 = arith.index_cast %add3A_520 : i32 to index
          %swap3A_530 = arith.constant 0 : index
          %swap3A_531 = tpu.vector_load %arg12[%swap3A_529, %swap3A_530] {strides = array<i32>} : memref<80x64xf32, #tpu.memory_space<vmem>>, vector<1x16xf32>,
          %swap3A_532 = vector.shape_cast %swap3A_531 : vector<1x16xf32> to vector<16xf32>
          %swap3A_533 = vector.shape_cast %mul3A_528 : vector<16xf32> to vector<1x16xf32>
          tpu.vector_store %arg12[%swap3A_529, %swap3A_530], %swap3A_533 {strides = array<i32>} : memref<80x64xf32, #tpu.memory_space<vmem>>, vector<1x16xf32>,
          %get3A_534 = arith.index_cast %add3A_520 : i32 to index
          %get3A_535 = arith.constant 16 : index
          %get3A_536 = tpu.vector_load %arg12[%get3A_534, %get3A_535] {strides = array<i32>} : memref<80x64xf32, #tpu.memory_space<vmem>>, vector<1x16xf32>,
          %get3A_537 = vector.shape_cast %get3A_536 : vector<1x16xf32> to vector<16xf32>
          %mul3A_538 = vector.broadcast %squeeze3A_522 : f32 to vector<16xf32>
          %mul3A_539 = arith.mulf %get3A_537, %mul3A_538 : vector<16xf32>
          %swap3A_540 = arith.index_cast %add3A_520 : i32 to index
          %swap3A_541 = arith.constant 16 : index
          %swap3A_542 = tpu.vector_load %arg12[%swap3A_540, %swap3A_541] {strides = array<i32>} : memref<80x64xf32, #tpu.memory_space<vmem>>, vector<1x16xf32>,
          %swap3A_543 = vector.shape_cast %swap3A_542 : vector<1x16xf32> to vector<16xf32>
          %swap3A_544 = vector.shape_cast %mul3A_539 : vector<16xf32> to vector<1x16xf32>
          tpu.vector_store %arg12[%swap3A_540, %swap3A_541], %swap3A_544 {strides = array<i32>} : memref<80x64xf32, #tpu.memory_space<vmem>>, vector<1x16xf32>,
          %get3A_545 = arith.index_cast %add3A_520 : i32 to index
          %get3A_546 = arith.constant 32 : index
          %get3A_547 = tpu.vector_load %arg12[%get3A_545, %get3A_546] {strides = array<i32>} : memref<80x64xf32, #tpu.memory_space<vmem>>, vector<1x16xf32>,
          %get3A_548 = vector.shape_cast %get3A_547 : vector<1x16xf32> to vector<16xf32>
          %mul3A_549 = vector.broadcast %squeeze3A_522 : f32 to vector<16xf32>
          %mul3A_550 = arith.mulf %get3A_548, %mul3A_549 : vector<16xf32>
          %swap3A_551 = arith.index_cast %add3A_520 : i32 to index
          %swap3A_552 = arith.constant 32 : index
          %swap3A_553 = tpu.vector_load %arg12[%swap3A_551, %swap3A_552] {strides = array<i32>} : memref<80x64xf32, #tpu.memory_space<vmem>>, vector<1x16xf32>,
          %swap3A_554 = vector.shape_cast %swap3A_553 : vector<1x16xf32> to vector<16xf32>
          %swap3A_555 = vector.shape_cast %mul3A_550 : vector<16xf32> to vector<1x16xf32>
          tpu.vector_store %arg12[%swap3A_551, %swap3A_552], %swap3A_555 {strides = array<i32>} : memref<80x64xf32, #tpu.memory_space<vmem>>, vector<1x16xf32>,
          %get3A_556 = arith.index_cast %add3A_520 : i32 to index
          %get3A_557 = arith.constant 48 : index
          %get3A_558 = tpu.vector_load %arg12[%get3A_556, %get3A_557] {strides = array<i32>} : memref<80x64xf32, #tpu.memory_space<vmem>>, vector<1x16xf32>,
          %get3A_559 = vector.shape_cast %get3A_558 : vector<1x16xf32> to vector<16xf32>
          %mul3A_560 = vector.broadcast %squeeze3A_522 : f32 to vector<16xf32>
          %mul3A_561 = arith.mulf %get3A_559, %mul3A_560 : vector<16xf32>
          %swap3A_562 = arith.index_cast %add3A_520 : i32 to index
          %swap3A_563 = arith.constant 48 : index
          %swap3A_564 = tpu.vector_load %arg12[%swap3A_562, %swap3A_563] {strides = array<i32>} : memref<80x64xf32, #tpu.memory_space<vmem>>, vector<1x16xf32>,
          %swap3A_565 = vector.shape_cast %swap3A_564 : vector<1x16xf32> to vector<16xf32>
          %swap3A_566 = vector.shape_cast %mul3A_561 : vector<16xf32> to vector<1x16xf32>
          tpu.vector_store %arg12[%swap3A_562, %swap3A_563], %swap3A_566 {strides = array<i32>} : memref<80x64xf32, #tpu.memory_space<vmem>>, vector<1x16xf32>,
          %mul3A_567 = arith.constant 16 : i32
          %mul3A_568 = arith.muli %scan3A_111, %mul3A_567 : i32
          %add3A_569 = arith.constant 9 : i32
          %add3A_570 = arith.addi %mul3A_568, %add3A_569 : i32
          %slice3A_571 = vector.extract_strided_slice %get3A_118 {offsets = [9], sizes = [1], strides = [1]} : vector<16xf32> to vector<1xf32>
          %squeeze3A_572 = vector.extract %slice3A_571[0] : f32 from vector<1xf32>
          %get3A_573 = arith.index_cast %add3A_570 : i32 to index
          %get3A_574 = arith.constant 0 : index
          %get3A_575 = tpu.vector_load %arg12[%get3A_573, %get3A_574] {strides = array<i32>} : memref<80x64xf32, #tpu.memory_space<vmem>>, vector<1x16xf32>,
          %get3A_576 = vector.shape_cast %get3A_575 : vector<1x16xf32> to vector<16xf32>
          %mul3A_577 = vector.broadcast %squeeze3A_572 : f32 to vector<16xf32>
          %mul3A_578 = arith.mulf %get3A_576, %mul3A_577 : vector<16xf32>
          %swap3A_579 = arith.index_cast %add3A_570 : i32 to index
          %swap3A_580 = arith.constant 0 : index
          %swap3A_581 = tpu.vector_load %arg12[%swap3A_579, %swap3A_580] {strides = array<i32>} : memref<80x64xf32, #tpu.memory_space<vmem>>, vector<1x16xf32>,
          %swap3A_582 = vector.shape_cast %swap3A_581 : vector<1x16xf32> to vector<16xf32>
          %swap3A_583 = vector.shape_cast %mul3A_578 : vector<16xf32> to vector<1x16xf32>
          tpu.vector_store %arg12[%swap3A_579, %swap3A_580], %swap3A_583 {strides = array<i32>} : memref<80x64xf32, #tpu.memory_space<vmem>>, vector<1x16xf32>,
          %get3A_584 = arith.index_cast %add3A_570 : i32 to index
          %get3A_585 = arith.constant 16 : index
          %get3A_586 = tpu.vector_load %arg12[%get3A_584, %get3A_585] {strides = array<i32>} : memref<80x64xf32, #tpu.memory_space<vmem>>, vector<1x16xf32>,
          %get3A_587 = vector.shape_cast %get3A_586 : vector<1x16xf32> to vector<16xf32>
          %mul3A_588 = vector.broadcast %squeeze3A_572 : f32 to vector<16xf32>
          %mul3A_589 = arith.mulf %get3A_587, %mul3A_588 : vector<16xf32>
          %swap3A_590 = arith.index_cast %add3A_570 : i32 to index
          %swap3A_591 = arith.constant 16 : index
          %swap3A_592 = tpu.vector_load %arg12[%swap3A_590, %swap3A_591] {strides = array<i32>} : memref<80x64xf32, #tpu.memory_space<vmem>>, vector<1x16xf32>,
          %swap3A_593 = vector.shape_cast %swap3A_592 : vector<1x16xf32> to vector<16xf32>
          %swap3A_594 = vector.shape_cast %mul3A_589 : vector<16xf32> to vector<1x16xf32>
          tpu.vector_store %arg12[%swap3A_590, %swap3A_591], %swap3A_594 {strides = array<i32>} : memref<80x64xf32, #tpu.memory_space<vmem>>, vector<1x16xf32>,
          %get3A_595 = arith.index_cast %add3A_570 : i32 to index
          %get3A_596 = arith.constant 32 : index
          %get3A_597 = tpu.vector_load %arg12[%get3A_595, %get3A_596] {strides = array<i32>} : memref<80x64xf32, #tpu.memory_space<vmem>>, vector<1x16xf32>,
          %get3A_598 = vector.shape_cast %get3A_597 : vector<1x16xf32> to vector<16xf32>
          %mul3A_599 = vector.broadcast %squeeze3A_572 : f32 to vector<16xf32>
          %mul3A_600 = arith.mulf %get3A_598, %mul3A_599 : vector<16xf32>
          %swap3A_601 = arith.index_cast %add3A_570 : i32 to index
          %swap3A_602 = arith.constant 32 : index
          %swap3A_603 = tpu.vector_load %arg12[%swap3A_601, %swap3A_602] {strides = array<i32>} : memref<80x64xf32, #tpu.memory_space<vmem>>, vector<1x16xf32>,
          %swap3A_604 = vector.shape_cast %swap3A_603 : vector<1x16xf32> to vector<16xf32>
          %swap3A_605 = vector.shape_cast %mul3A_600 : vector<16xf32> to vector<1x16xf32>
          tpu.vector_store %arg12[%swap3A_601, %swap3A_602], %swap3A_605 {strides = array<i32>} : memref<80x64xf32, #tpu.memory_space<vmem>>, vector<1x16xf32>,
          %get3A_606 = arith.index_cast %add3A_570 : i32 to index
          %get3A_607 = arith.constant 48 : index
          %get3A_608 = tpu.vector_load %arg12[%get3A_606, %get3A_607] {strides = array<i32>} : memref<80x64xf32, #tpu.memory_space<vmem>>, vector<1x16xf32>,
          %get3A_609 = vector.shape_cast %get3A_608 : vector<1x16xf32> to vector<16xf32>
          %mul3A_610 = vector.broadcast %squeeze3A_572 : f32 to vector<16xf32>
          %mul3A_611 = arith.mulf %get3A_609, %mul3A_610 : vector<16xf32>
          %swap3A_612 = arith.index_cast %add3A_570 : i32 to index
          %swap3A_613 = arith.constant 48 : index
          %swap3A_614 = tpu.vector_load %arg12[%swap3A_612, %swap3A_613] {strides = array<i32>} : memref<80x64xf32, #tpu.memory_space<vmem>>, vector<1x16xf32>,
          %swap3A_615 = vector.shape_cast %swap3A_614 : vector<1x16xf32> to vector<16xf32>
          %swap3A_616 = vector.shape_cast %mul3A_611 : vector<16xf32> to vector<1x16xf32>
          tpu.vector_store %arg12[%swap3A_612, %swap3A_613], %swap3A_616 {strides = array<i32>} : memref<80x64xf32, #tpu.memory_space<vmem>>, vector<1x16xf32>,
          %mul3A_617 = arith.constant 16 : i32
          %mul3A_618 = arith.muli %scan3A_111, %mul3A_617 : i32
          %add3A_619 = arith.constant 10 : i32
          %add3A_620 = arith.addi %mul3A_618, %add3A_619 : i32
          %slice3A_621 = vector.extract_strided_slice %get3A_118 {offsets = [10], sizes = [1], strides = [1]} : vector<16xf32> to vector<1xf32>
          %squeeze3A_622 = vector.extract %slice3A_621[0] : f32 from vector<1xf32>
          %get3A_623 = arith.index_cast %add3A_620 : i32 to index
          %get3A_624 = arith.constant 0 : index
          %get3A_625 = tpu.vector_load %arg12[%get3A_623, %get3A_624] {strides = array<i32>} : memref<80x64xf32, #tpu.memory_space<vmem>>, vector<1x16xf32>,
          %get3A_626 = vector.shape_cast %get3A_625 : vector<1x16xf32> to vector<16xf32>
          %mul3A_627 = vector.broadcast %squeeze3A_622 : f32 to vector<16xf32>
          %mul3A_628 = arith.mulf %get3A_626, %mul3A_627 : vector<16xf32>
          %swap3A_629 = arith.index_cast %add3A_620 : i32 to index
          %swap3A_630 = arith.constant 0 : index
          %swap3A_631 = tpu.vector_load %arg12[%swap3A_629, %swap3A_630] {strides = array<i32>} : memref<80x64xf32, #tpu.memory_space<vmem>>, vector<1x16xf32>,
          %swap3A_632 = vector.shape_cast %swap3A_631 : vector<1x16xf32> to vector<16xf32>
          %swap3A_633 = vector.shape_cast %mul3A_628 : vector<16xf32> to vector<1x16xf32>
          tpu.vector_store %arg12[%swap3A_629, %swap3A_630], %swap3A_633 {strides = array<i32>} : memref<80x64xf32, #tpu.memory_space<vmem>>, vector<1x16xf32>,
          %get3A_634 = arith.index_cast %add3A_620 : i32 to index
          %get3A_635 = arith.constant 16 : index
          %get3A_636 = tpu.vector_load %arg12[%get3A_634, %get3A_635] {strides = array<i32>} : memref<80x64xf32, #tpu.memory_space<vmem>>, vector<1x16xf32>,
          %get3A_637 = vector.shape_cast %get3A_636 : vector<1x16xf32> to vector<16xf32>
          %mul3A_638 = vector.broadcast %squeeze3A_622 : f32 to vector<16xf32>
          %mul3A_639 = arith.mulf %get3A_637, %mul3A_638 : vector<16xf32>
          %swap3A_640 = arith.index_cast %add3A_620 : i32 to index
          %swap3A_641 = arith.constant 16 : index
          %swap3A_642 = tpu.vector_load %arg12[%swap3A_640, %swap3A_641] {strides = array<i32>} : memref<80x64xf32, #tpu.memory_space<vmem>>, vector<1x16xf32>,
          %swap3A_643 = vector.shape_cast %swap3A_642 : vector<1x16xf32> to vector<16xf32>
          %swap3A_644 = vector.shape_cast %mul3A_639 : vector<16xf32> to vector<1x16xf32>
          tpu.vector_store %arg12[%swap3A_640, %swap3A_641], %swap3A_644 {strides = array<i32>} : memref<80x64xf32, #tpu.memory_space<vmem>>, vector<1x16xf32>,
          %get3A_645 = arith.index_cast %add3A_620 : i32 to index
          %get3A_646 = arith.constant 32 : index
          %get3A_647 = tpu.vector_load %arg12[%get3A_645, %get3A_646] {strides = array<i32>} : memref<80x64xf32, #tpu.memory_space<vmem>>, vector<1x16xf32>,
          %get3A_648 = vector.shape_cast %get3A_647 : vector<1x16xf32> to vector<16xf32>
          %mul3A_649 = vector.broadcast %squeeze3A_622 : f32 to vector<16xf32>
          %mul3A_650 = arith.mulf %get3A_648, %mul3A_649 : vector<16xf32>
          %swap3A_651 = arith.index_cast %add3A_620 : i32 to index
          %swap3A_652 = arith.constant 32 : index
          %swap3A_653 = tpu.vector_load %arg12[%swap3A_651, %swap3A_652] {strides = array<i32>} : memref<80x64xf32, #tpu.memory_space<vmem>>, vector<1x16xf32>,
          %swap3A_654 = vector.shape_cast %swap3A_653 : vector<1x16xf32> to vector<16xf32>
          %swap3A_655 = vector.shape_cast %mul3A_650 : vector<16xf32> to vector<1x16xf32>
          tpu.vector_store %arg12[%swap3A_651, %swap3A_652], %swap3A_655 {strides = array<i32>} : memref<80x64xf32, #tpu.memory_space<vmem>>, vector<1x16xf32>,
          %get3A_656 = arith.index_cast %add3A_620 : i32 to index
          %get3A_657 = arith.constant 48 : index
          %get3A_658 = tpu.vector_load %arg12[%get3A_656, %get3A_657] {strides = array<i32>} : memref<80x64xf32, #tpu.memory_space<vmem>>, vector<1x16xf32>,
          %get3A_659 = vector.shape_cast %get3A_658 : vector<1x16xf32> to vector<16xf32>
          %mul3A_660 = vector.broadcast %squeeze3A_622 : f32 to vector<16xf32>
          %mul3A_661 = arith.mulf %get3A_659, %mul3A_660 : vector<16xf32>
          %swap3A_662 = arith.index_cast %add3A_620 : i32 to index
          %swap3A_663 = arith.constant 48 : index
          %swap3A_664 = tpu.vector_load %arg12[%swap3A_662, %swap3A_663] {strides = array<i32>} : memref<80x64xf32, #tpu.memory_space<vmem>>, vector<1x16xf32>,
          %swap3A_665 = vector.shape_cast %swap3A_664 : vector<1x16xf32> to vector<16xf32>
          %swap3A_666 = vector.shape_cast %mul3A_661 : vector<16xf32> to vector<1x16xf32>
          tpu.vector_store %arg12[%swap3A_662, %swap3A_663], %swap3A_666 {strides = array<i32>} : memref<80x64xf32, #tpu.memory_space<vmem>>, vector<1x16xf32>,
          %mul3A_667 = arith.constant 16 : i32
          %mul3A_668 = arith.muli %scan3A_111, %mul3A_667 : i32
          %add3A_669 = arith.constant 11 : i32
          %add3A_670 = arith.addi %mul3A_668, %add3A_669 : i32
          %slice3A_671 = vector.extract_strided_slice %get3A_118 {offsets = [11], sizes = [1], strides = [1]} : vector<16xf32> to vector<1xf32>
          %squeeze3A_672 = vector.extract %slice3A_671[0] : f32 from vector<1xf32>
          %get3A_673 = arith.index_cast %add3A_670 : i32 to index
          %get3A_674 = arith.constant 0 : index
          %get3A_675 = tpu.vector_load %arg12[%get3A_673, %get3A_674] {strides = array<i32>} : memref<80x64xf32, #tpu.memory_space<vmem>>, vector<1x16xf32>,
          %get3A_676 = vector.shape_cast %get3A_675 : vector<1x16xf32> to vector<16xf32>
          %mul3A_677 = vector.broadcast %squeeze3A_672 : f32 to vector<16xf32>
          %mul3A_678 = arith.mulf %get3A_676, %mul3A_677 : vector<16xf32>
          %swap3A_679 = arith.index_cast %add3A_670 : i32 to index
          %swap3A_680 = arith.constant 0 : index
          %swap3A_681 = tpu.vector_load %arg12[%swap3A_679, %swap3A_680] {strides = array<i32>} : memref<80x64xf32, #tpu.memory_space<vmem>>, vector<1x16xf32>,
          %swap3A_682 = vector.shape_cast %swap3A_681 : vector<1x16xf32> to vector<16xf32>
          %swap3A_683 = vector.shape_cast %mul3A_678 : vector<16xf32> to vector<1x16xf32>
          tpu.vector_store %arg12[%swap3A_679, %swap3A_680], %swap3A_683 {strides = array<i32>} : memref<80x64xf32, #tpu.memory_space<vmem>>, vector<1x16xf32>,
          %get3A_684 = arith.index_cast %add3A_670 : i32 to index
          %get3A_685 = arith.constant 16 : index
          %get3A_686 = tpu.vector_load %arg12[%get3A_684, %get3A_685] {strides = array<i32>} : memref<80x64xf32, #tpu.memory_space<vmem>>, vector<1x16xf32>,
          %get3A_687 = vector.shape_cast %get3A_686 : vector<1x16xf32> to vector<16xf32>
          %mul3A_688 = vector.broadcast %squeeze3A_672 : f32 to vector<16xf32>
          %mul3A_689 = arith.mulf %get3A_687, %mul3A_688 : vector<16xf32>
          %swap3A_690 = arith.index_cast %add3A_670 : i32 to index
          %swap3A_691 = arith.constant 16 : index
          %swap3A_692 = tpu.vector_load %arg12[%swap3A_690, %swap3A_691] {strides = array<i32>} : memref<80x64xf32, #tpu.memory_space<vmem>>, vector<1x16xf32>,
          %swap3A_693 = vector.shape_cast %swap3A_692 : vector<1x16xf32> to vector<16xf32>
          %swap3A_694 = vector.shape_cast %mul3A_689 : vector<16xf32> to vector<1x16xf32>
          tpu.vector_store %arg12[%swap3A_690, %swap3A_691], %swap3A_694 {strides = array<i32>} : memref<80x64xf32, #tpu.memory_space<vmem>>, vector<1x16xf32>,
          %get3A_695 = arith.index_cast %add3A_670 : i32 to index
          %get3A_696 = arith.constant 32 : index
          %get3A_697 = tpu.vector_load %arg12[%get3A_695, %get3A_696] {strides = array<i32>} : memref<80x64xf32, #tpu.memory_space<vmem>>, vector<1x16xf32>,
          %get3A_698 = vector.shape_cast %get3A_697 : vector<1x16xf32> to vector<16xf32>
          %mul3A_699 = vector.broadcast %squeeze3A_672 : f32 to vector<16xf32>
          %mul3A_700 = arith.mulf %get3A_698, %mul3A_699 : vector<16xf32>
          %swap3A_701 = arith.index_cast %add3A_670 : i32 to index
          %swap3A_702 = arith.constant 32 : index
          %swap3A_703 = tpu.vector_load %arg12[%swap3A_701, %swap3A_702] {strides = array<i32>} : memref<80x64xf32, #tpu.memory_space<vmem>>, vector<1x16xf32>,
          %swap3A_704 = vector.shape_cast %swap3A_703 : vector<1x16xf32> to vector<16xf32>
          %swap3A_705 = vector.shape_cast %mul3A_700 : vector<16xf32> to vector<1x16xf32>
          tpu.vector_store %arg12[%swap3A_701, %swap3A_702], %swap3A_705 {strides = array<i32>} : memref<80x64xf32, #tpu.memory_space<vmem>>, vector<1x16xf32>,
          %get3A_706 = arith.index_cast %add3A_670 : i32 to index
          %get3A_707 = arith.constant 48 : index
          %get3A_708 = tpu.vector_load %arg12[%get3A_706, %get3A_707] {strides = array<i32>} : memref<80x64xf32, #tpu.memory_space<vmem>>, vector<1x16xf32>,
          %get3A_709 = vector.shape_cast %get3A_708 : vector<1x16xf32> to vector<16xf32>
          %mul3A_710 = vector.broadcast %squeeze3A_672 : f32 to vector<16xf32>
          %mul3A_711 = arith.mulf %get3A_709, %mul3A_710 : vector<16xf32>
          %swap3A_712 = arith.index_cast %add3A_670 : i32 to index
          %swap3A_713 = arith.constant 48 : index
          %swap3A_714 = tpu.vector_load %arg12[%swap3A_712, %swap3A_713] {strides = array<i32>} : memref<80x64xf32, #tpu.memory_space<vmem>>, vector<1x16xf32>,
          %swap3A_715 = vector.shape_cast %swap3A_714 : vector<1x16xf32> to vector<16xf32>
          %swap3A_716 = vector.shape_cast %mul3A_711 : vector<16xf32> to vector<1x16xf32>
          tpu.vector_store %arg12[%swap3A_712, %swap3A_713], %swap3A_716 {strides = array<i32>} : memref<80x64xf32, #tpu.memory_space<vmem>>, vector<1x16xf32>,
          %mul3A_717 = arith.constant 16 : i32
          %mul3A_718 = arith.muli %scan3A_111, %mul3A_717 : i32
          %add3A_719 = arith.constant 12 : i32
          %add3A_720 = arith.addi %mul3A_718, %add3A_719 : i32
          %slice3A_721 = vector.extract_strided_slice %get3A_118 {offsets = [12], sizes = [1], strides = [1]} : vector<16xf32> to vector<1xf32>
          %squeeze3A_722 = vector.extract %slice3A_721[0] : f32 from vector<1xf32>
          %get3A_723 = arith.index_cast %add3A_720 : i32 to index
          %get3A_724 = arith.constant 0 : index
          %get3A_725 = tpu.vector_load %arg12[%get3A_723, %get3A_724] {strides = array<i32>} : memref<80x64xf32, #tpu.memory_space<vmem>>, vector<1x16xf32>,
          %get3A_726 = vector.shape_cast %get3A_725 : vector<1x16xf32> to vector<16xf32>
          %mul3A_727 = vector.broadcast %squeeze3A_722 : f32 to vector<16xf32>
          %mul3A_728 = arith.mulf %get3A_726, %mul3A_727 : vector<16xf32>
          %swap3A_729 = arith.index_cast %add3A_720 : i32 to index
          %swap3A_730 = arith.constant 0 : index
          %swap3A_731 = tpu.vector_load %arg12[%swap3A_729, %swap3A_730] {strides = array<i32>} : memref<80x64xf32, #tpu.memory_space<vmem>>, vector<1x16xf32>,
          %swap3A_732 = vector.shape_cast %swap3A_731 : vector<1x16xf32> to vector<16xf32>
          %swap3A_733 = vector.shape_cast %mul3A_728 : vector<16xf32> to vector<1x16xf32>
          tpu.vector_store %arg12[%swap3A_729, %swap3A_730], %swap3A_733 {strides = array<i32>} : memref<80x64xf32, #tpu.memory_space<vmem>>, vector<1x16xf32>,
          %get3A_734 = arith.index_cast %add3A_720 : i32 to index
          %get3A_735 = arith.constant 16 : index
          %get3A_736 = tpu.vector_load %arg12[%get3A_734, %get3A_735] {strides = array<i32>} : memref<80x64xf32, #tpu.memory_space<vmem>>, vector<1x16xf32>,
          %get3A_737 = vector.shape_cast %get3A_736 : vector<1x16xf32> to vector<16xf32>
          %mul3A_738 = vector.broadcast %squeeze3A_722 : f32 to vector<16xf32>
          %mul3A_739 = arith.mulf %get3A_737, %mul3A_738 : vector<16xf32>
          %swap3A_740 = arith.index_cast %add3A_720 : i32 to index
          %swap3A_741 = arith.constant 16 : index
          %swap3A_742 = tpu.vector_load %arg12[%swap3A_740, %swap3A_741] {strides = array<i32>} : memref<80x64xf32, #tpu.memory_space<vmem>>, vector<1x16xf32>,
          %swap3A_743 = vector.shape_cast %swap3A_742 : vector<1x16xf32> to vector<16xf32>
          %swap3A_744 = vector.shape_cast %mul3A_739 : vector<16xf32> to vector<1x16xf32>
          tpu.vector_store %arg12[%swap3A_740, %swap3A_741], %swap3A_744 {strides = array<i32>} : memref<80x64xf32, #tpu.memory_space<vmem>>, vector<1x16xf32>,
          %get3A_745 = arith.index_cast %add3A_720 : i32 to index
          %get3A_746 = arith.constant 32 : index
          %get3A_747 = tpu.vector_load %arg12[%get3A_745, %get3A_746] {strides = array<i32>} : memref<80x64xf32, #tpu.memory_space<vmem>>, vector<1x16xf32>,
          %get3A_748 = vector.shape_cast %get3A_747 : vector<1x16xf32> to vector<16xf32>
          %mul3A_749 = vector.broadcast %squeeze3A_722 : f32 to vector<16xf32>
          %mul3A_750 = arith.mulf %get3A_748, %mul3A_749 : vector<16xf32>
          %swap3A_751 = arith.index_cast %add3A_720 : i32 to index
          %swap3A_752 = arith.constant 32 : index
          %swap3A_753 = tpu.vector_load %arg12[%swap3A_751, %swap3A_752] {strides = array<i32>} : memref<80x64xf32, #tpu.memory_space<vmem>>, vector<1x16xf32>,
          %swap3A_754 = vector.shape_cast %swap3A_753 : vector<1x16xf32> to vector<16xf32>
          %swap3A_755 = vector.shape_cast %mul3A_750 : vector<16xf32> to vector<1x16xf32>
          tpu.vector_store %arg12[%swap3A_751, %swap3A_752], %swap3A_755 {strides = array<i32>} : memref<80x64xf32, #tpu.memory_space<vmem>>, vector<1x16xf32>,
          %get3A_756 = arith.index_cast %add3A_720 : i32 to index
          %get3A_757 = arith.constant 48 : index
          %get3A_758 = tpu.vector_load %arg12[%get3A_756, %get3A_757] {strides = array<i32>} : memref<80x64xf32, #tpu.memory_space<vmem>>, vector<1x16xf32>,
          %get3A_759 = vector.shape_cast %get3A_758 : vector<1x16xf32> to vector<16xf32>
          %mul3A_760 = vector.broadcast %squeeze3A_722 : f32 to vector<16xf32>
          %mul3A_761 = arith.mulf %get3A_759, %mul3A_760 : vector<16xf32>
          %swap3A_762 = arith.index_cast %add3A_720 : i32 to index
          %swap3A_763 = arith.constant 48 : index
          %swap3A_764 = tpu.vector_load %arg12[%swap3A_762, %swap3A_763] {strides = array<i32>} : memref<80x64xf32, #tpu.memory_space<vmem>>, vector<1x16xf32>,
          %swap3A_765 = vector.shape_cast %swap3A_764 : vector<1x16xf32> to vector<16xf32>
          %swap3A_766 = vector.shape_cast %mul3A_761 : vector<16xf32> to vector<1x16xf32>
          tpu.vector_store %arg12[%swap3A_762, %swap3A_763], %swap3A_766 {strides = array<i32>} : memref<80x64xf32, #tpu.memory_space<vmem>>, vector<1x16xf32>,
          %mul3A_767 = arith.constant 16 : i32
          %mul3A_768 = arith.muli %scan3A_111, %mul3A_767 : i32
          %add3A_769 = arith.constant 13 : i32
          %add3A_770 = arith.addi %mul3A_768, %add3A_769 : i32
          %slice3A_771 = vector.extract_strided_slice %get3A_118 {offsets = [13], sizes = [1], strides = [1]} : vector<16xf32> to vector<1xf32>
          %squeeze3A_772 = vector.extract %slice3A_771[0] : f32 from vector<1xf32>
          %get3A_773 = arith.index_cast %add3A_770 : i32 to index
          %get3A_774 = arith.constant 0 : index
          %get3A_775 = tpu.vector_load %arg12[%get3A_773, %get3A_774] {strides = array<i32>} : memref<80x64xf32, #tpu.memory_space<vmem>>, vector<1x16xf32>,
          %get3A_776 = vector.shape_cast %get3A_775 : vector<1x16xf32> to vector<16xf32>
          %mul3A_777 = vector.broadcast %squeeze3A_772 : f32 to vector<16xf32>
          %mul3A_778 = arith.mulf %get3A_776, %mul3A_777 : vector<16xf32>
          %swap3A_779 = arith.index_cast %add3A_770 : i32 to index
          %swap3A_780 = arith.constant 0 : index
          %swap3A_781 = tpu.vector_load %arg12[%swap3A_779, %swap3A_780] {strides = array<i32>} : memref<80x64xf32, #tpu.memory_space<vmem>>, vector<1x16xf32>,
          %swap3A_782 = vector.shape_cast %swap3A_781 : vector<1x16xf32> to vector<16xf32>
          %swap3A_783 = vector.shape_cast %mul3A_778 : vector<16xf32> to vector<1x16xf32>
          tpu.vector_store %arg12[%swap3A_779, %swap3A_780], %swap3A_783 {strides = array<i32>} : memref<80x64xf32, #tpu.memory_space<vmem>>, vector<1x16xf32>,
          %get3A_784 = arith.index_cast %add3A_770 : i32 to index
          %get3A_785 = arith.constant 16 : index
          %get3A_786 = tpu.vector_load %arg12[%get3A_784, %get3A_785] {strides = array<i32>} : memref<80x64xf32, #tpu.memory_space<vmem>>, vector<1x16xf32>,
          %get3A_787 = vector.shape_cast %get3A_786 : vector<1x16xf32> to vector<16xf32>
          %mul3A_788 = vector.broadcast %squeeze3A_772 : f32 to vector<16xf32>
          %mul3A_789 = arith.mulf %get3A_787, %mul3A_788 : vector<16xf32>
          %swap3A_790 = arith.index_cast %add3A_770 : i32 to index
          %swap3A_791 = arith.constant 16 : index
          %swap3A_792 = tpu.vector_load %arg12[%swap3A_790, %swap3A_791] {strides = array<i32>} : memref<80x64xf32, #tpu.memory_space<vmem>>, vector<1x16xf32>,
          %swap3A_793 = vector.shape_cast %swap3A_792 : vector<1x16xf32> to vector<16xf32>
          %swap3A_794 = vector.shape_cast %mul3A_789 : vector<16xf32> to vector<1x16xf32>
          tpu.vector_store %arg12[%swap3A_790, %swap3A_791], %swap3A_794 {strides = array<i32>} : memref<80x64xf32, #tpu.memory_space<vmem>>, vector<1x16xf32>,
          %get3A_795 = arith.index_cast %add3A_770 : i32 to index
          %get3A_796 = arith.constant 32 : index
          %get3A_797 = tpu.vector_load %arg12[%get3A_795, %get3A_796] {strides = array<i32>} : memref<80x64xf32, #tpu.memory_space<vmem>>, vector<1x16xf32>,
          %get3A_798 = vector.shape_cast %get3A_797 : vector<1x16xf32> to vector<16xf32>
          %mul3A_799 = vector.broadcast %squeeze3A_772 : f32 to vector<16xf32>
          %mul3A_800 = arith.mulf %get3A_798, %mul3A_799 : vector<16xf32>
          %swap3A_801 = arith.index_cast %add3A_770 : i32 to index
          %swap3A_802 = arith.constant 32 : index
          %swap3A_803 = tpu.vector_load %arg12[%swap3A_801, %swap3A_802] {strides = array<i32>} : memref<80x64xf32, #tpu.memory_space<vmem>>, vector<1x16xf32>,
          %swap3A_804 = vector.shape_cast %swap3A_803 : vector<1x16xf32> to vector<16xf32>
          %swap3A_805 = vector.shape_cast %mul3A_800 : vector<16xf32> to vector<1x16xf32>
          tpu.vector_store %arg12[%swap3A_801, %swap3A_802], %swap3A_805 {strides = array<i32>} : memref<80x64xf32, #tpu.memory_space<vmem>>, vector<1x16xf32>,
          %get3A_806 = arith.index_cast %add3A_770 : i32 to index
          %get3A_807 = arith.constant 48 : index
          %get3A_808 = tpu.vector_load %arg12[%get3A_806, %get3A_807] {strides = array<i32>} : memref<80x64xf32, #tpu.memory_space<vmem>>, vector<1x16xf32>,
          %get3A_809 = vector.shape_cast %get3A_808 : vector<1x16xf32> to vector<16xf32>
          %mul3A_810 = vector.broadcast %squeeze3A_772 : f32 to vector<16xf32>
          %mul3A_811 = arith.mulf %get3A_809, %mul3A_810 : vector<16xf32>
          %swap3A_812 = arith.index_cast %add3A_770 : i32 to index
          %swap3A_813 = arith.constant 48 : index
          %swap3A_814 = tpu.vector_load %arg12[%swap3A_812, %swap3A_813] {strides = array<i32>} : memref<80x64xf32, #tpu.memory_space<vmem>>, vector<1x16xf32>,
          %swap3A_815 = vector.shape_cast %swap3A_814 : vector<1x16xf32> to vector<16xf32>
          %swap3A_816 = vector.shape_cast %mul3A_811 : vector<16xf32> to vector<1x16xf32>
          tpu.vector_store %arg12[%swap3A_812, %swap3A_813], %swap3A_816 {strides = array<i32>} : memref<80x64xf32, #tpu.memory_space<vmem>>, vector<1x16xf32>,
          %mul3A_817 = arith.constant 16 : i32
          %mul3A_818 = arith.muli %scan3A_111, %mul3A_817 : i32
          %add3A_819 = arith.constant 14 : i32
          %add3A_820 = arith.addi %mul3A_818, %add3A_819 : i32
          %slice3A_821 = vector.extract_strided_slice %get3A_118 {offsets = [14], sizes = [1], strides = [1]} : vector<16xf32> to vector<1xf32>
          %squeeze3A_822 = vector.extract %slice3A_821[0] : f32 from vector<1xf32>
          %get3A_823 = arith.index_cast %add3A_820 : i32 to index
          %get3A_824 = arith.constant 0 : index
          %get3A_825 = tpu.vector_load %arg12[%get3A_823, %get3A_824] {strides = array<i32>} : memref<80x64xf32, #tpu.memory_space<vmem>>, vector<1x16xf32>,
          %get3A_826 = vector.shape_cast %get3A_825 : vector<1x16xf32> to vector<16xf32>
          %mul3A_827 = vector.broadcast %squeeze3A_822 : f32 to vector<16xf32>
          %mul3A_828 = arith.mulf %get3A_826, %mul3A_827 : vector<16xf32>
          %swap3A_829 = arith.index_cast %add3A_820 : i32 to index
          %swap3A_830 = arith.constant 0 : index
          %swap3A_831 = tpu.vector_load %arg12[%swap3A_829, %swap3A_830] {strides = array<i32>} : memref<80x64xf32, #tpu.memory_space<vmem>>, vector<1x16xf32>,
          %swap3A_832 = vector.shape_cast %swap3A_831 : vector<1x16xf32> to vector<16xf32>
          %swap3A_833 = vector.shape_cast %mul3A_828 : vector<16xf32> to vector<1x16xf32>
          tpu.vector_store %arg12[%swap3A_829, %swap3A_830], %swap3A_833 {strides = array<i32>} : memref<80x64xf32, #tpu.memory_space<vmem>>, vector<1x16xf32>,
          %get3A_834 = arith.index_cast %add3A_820 : i32 to index
          %get3A_835 = arith.constant 16 : index
          %get3A_836 = tpu.vector_load %arg12[%get3A_834, %get3A_835] {strides = array<i32>} : memref<80x64xf32, #tpu.memory_space<vmem>>, vector<1x16xf32>,
          %get3A_837 = vector.shape_cast %get3A_836 : vector<1x16xf32> to vector<16xf32>
          %mul3A_838 = vector.broadcast %squeeze3A_822 : f32 to vector<16xf32>
          %mul3A_839 = arith.mulf %get3A_837, %mul3A_838 : vector<16xf32>
          %swap3A_840 = arith.index_cast %add3A_820 : i32 to index
          %swap3A_841 = arith.constant 16 : index
          %swap3A_842 = tpu.vector_load %arg12[%swap3A_840, %swap3A_841] {strides = array<i32>} : memref<80x64xf32, #tpu.memory_space<vmem>>, vector<1x16xf32>,
          %swap3A_843 = vector.shape_cast %swap3A_842 : vector<1x16xf32> to vector<16xf32>
          %swap3A_844 = vector.shape_cast %mul3A_839 : vector<16xf32> to vector<1x16xf32>
          tpu.vector_store %arg12[%swap3A_840, %swap3A_841], %swap3A_844 {strides = array<i32>} : memref<80x64xf32, #tpu.memory_space<vmem>>, vector<1x16xf32>,
          %get3A_845 = arith.index_cast %add3A_820 : i32 to index
          %get3A_846 = arith.constant 32 : index
          %get3A_847 = tpu.vector_load %arg12[%get3A_845, %get3A_846] {strides = array<i32>} : memref<80x64xf32, #tpu.memory_space<vmem>>, vector<1x16xf32>,
          %get3A_848 = vector.shape_cast %get3A_847 : vector<1x16xf32> to vector<16xf32>
          %mul3A_849 = vector.broadcast %squeeze3A_822 : f32 to vector<16xf32>
          %mul3A_850 = arith.mulf %get3A_848, %mul3A_849 : vector<16xf32>
          %swap3A_851 = arith.index_cast %add3A_820 : i32 to index
          %swap3A_852 = arith.constant 32 : index
          %swap3A_853 = tpu.vector_load %arg12[%swap3A_851, %swap3A_852] {strides = array<i32>} : memref<80x64xf32, #tpu.memory_space<vmem>>, vector<1x16xf32>,
          %swap3A_854 = vector.shape_cast %swap3A_853 : vector<1x16xf32> to vector<16xf32>
          %swap3A_855 = vector.shape_cast %mul3A_850 : vector<16xf32> to vector<1x16xf32>
          tpu.vector_store %arg12[%swap3A_851, %swap3A_852], %swap3A_855 {strides = array<i32>} : memref<80x64xf32, #tpu.memory_space<vmem>>, vector<1x16xf32>,
          %get3A_856 = arith.index_cast %add3A_820 : i32 to index
          %get3A_857 = arith.constant 48 : index
          %get3A_858 = tpu.vector_load %arg12[%get3A_856, %get3A_857] {strides = array<i32>} : memref<80x64xf32, #tpu.memory_space<vmem>>, vector<1x16xf32>,
          %get3A_859 = vector.shape_cast %get3A_858 : vector<1x16xf32> to vector<16xf32>
          %mul3A_860 = vector.broadcast %squeeze3A_822 : f32 to vector<16xf32>
          %mul3A_861 = arith.mulf %get3A_859, %mul3A_860 : vector<16xf32>
          %swap3A_862 = arith.index_cast %add3A_820 : i32 to index
          %swap3A_863 = arith.constant 48 : index
          %swap3A_864 = tpu.vector_load %arg12[%swap3A_862, %swap3A_863] {strides = array<i32>} : memref<80x64xf32, #tpu.memory_space<vmem>>, vector<1x16xf32>,
          %swap3A_865 = vector.shape_cast %swap3A_864 : vector<1x16xf32> to vector<16xf32>
          %swap3A_866 = vector.shape_cast %mul3A_861 : vector<16xf32> to vector<1x16xf32>
          tpu.vector_store %arg12[%swap3A_862, %swap3A_863], %swap3A_866 {strides = array<i32>} : memref<80x64xf32, #tpu.memory_space<vmem>>, vector<1x16xf32>,
          %mul3A_867 = arith.constant 16 : i32
          %mul3A_868 = arith.muli %scan3A_111, %mul3A_867 : i32
          %add3A_869 = arith.constant 15 : i32
          %add3A_870 = arith.addi %mul3A_868, %add3A_869 : i32
          %slice3A_871 = vector.extract_strided_slice %get3A_118 {offsets = [15], sizes = [1], strides = [1]} : vector<16xf32> to vector<1xf32>
          %squeeze3A_872 = vector.extract %slice3A_871[0] : f32 from vector<1xf32>
          %get3A_873 = arith.index_cast %add3A_870 : i32 to index
          %get3A_874 = arith.constant 0 : index
          %get3A_875 = tpu.vector_load %arg12[%get3A_873, %get3A_874] {strides = array<i32>} : memref<80x64xf32, #tpu.memory_space<vmem>>, vector<1x16xf32>,
          %get3A_876 = vector.shape_cast %get3A_875 : vector<1x16xf32> to vector<16xf32>
          %mul3A_877 = vector.broadcast %squeeze3A_872 : f32 to vector<16xf32>
          %mul3A_878 = arith.mulf %get3A_876, %mul3A_877 : vector<16xf32>
          %swap3A_879 = arith.index_cast %add3A_870 : i32 to index
          %swap3A_880 = arith.constant 0 : index
          %swap3A_881 = tpu.vector_load %arg12[%swap3A_879, %swap3A_880] {strides = array<i32>} : memref<80x64xf32, #tpu.memory_space<vmem>>, vector<1x16xf32>,
          %swap3A_882 = vector.shape_cast %swap3A_881 : vector<1x16xf32> to vector<16xf32>
          %swap3A_883 = vector.shape_cast %mul3A_878 : vector<16xf32> to vector<1x16xf32>
          tpu.vector_store %arg12[%swap3A_879, %swap3A_880], %swap3A_883 {strides = array<i32>} : memref<80x64xf32, #tpu.memory_space<vmem>>, vector<1x16xf32>,
          %get3A_884 = arith.index_cast %add3A_870 : i32 to index
          %get3A_885 = arith.constant 16 : index
          %get3A_886 = tpu.vector_load %arg12[%get3A_884, %get3A_885] {strides = array<i32>} : memref<80x64xf32, #tpu.memory_space<vmem>>, vector<1x16xf32>,
          %get3A_887 = vector.shape_cast %get3A_886 : vector<1x16xf32> to vector<16xf32>
          %mul3A_888 = vector.broadcast %squeeze3A_872 : f32 to vector<16xf32>
          %mul3A_889 = arith.mulf %get3A_887, %mul3A_888 : vector<16xf32>
          %swap3A_890 = arith.index_cast %add3A_870 : i32 to index
          %swap3A_891 = arith.constant 16 : index
          %swap3A_892 = tpu.vector_load %arg12[%swap3A_890, %swap3A_891] {strides = array<i32>} : memref<80x64xf32, #tpu.memory_space<vmem>>, vector<1x16xf32>,
          %swap3A_893 = vector.shape_cast %swap3A_892 : vector<1x16xf32> to vector<16xf32>
          %swap3A_894 = vector.shape_cast %mul3A_889 : vector<16xf32> to vector<1x16xf32>
          tpu.vector_store %arg12[%swap3A_890, %swap3A_891], %swap3A_894 {strides = array<i32>} : memref<80x64xf32, #tpu.memory_space<vmem>>, vector<1x16xf32>,
          %get3A_895 = arith.index_cast %add3A_870 : i32 to index
          %get3A_896 = arith.constant 32 : index
          %get3A_897 = tpu.vector_load %arg12[%get3A_895, %get3A_896] {strides = array<i32>} : memref<80x64xf32, #tpu.memory_space<vmem>>, vector<1x16xf32>,
          %get3A_898 = vector.shape_cast %get3A_897 : vector<1x16xf32> to vector<16xf32>
          %mul3A_899 = vector.broadcast %squeeze3A_872 : f32 to vector<16xf32>
          %mul3A_900 = arith.mulf %get3A_898, %mul3A_899 : vector<16xf32>
          %swap3A_901 = arith.index_cast %add3A_870 : i32 to index
          %swap3A_902 = arith.constant 32 : index
          %swap3A_903 = tpu.vector_load %arg12[%swap3A_901, %swap3A_902] {strides = array<i32>} : memref<80x64xf32, #tpu.memory_space<vmem>>, vector<1x16xf32>,
          %swap3A_904 = vector.shape_cast %swap3A_903 : vector<1x16xf32> to vector<16xf32>
          %swap3A_905 = vector.shape_cast %mul3A_900 : vector<16xf32> to vector<1x16xf32>
          tpu.vector_store %arg12[%swap3A_901, %swap3A_902], %swap3A_905 {strides = array<i32>} : memref<80x64xf32, #tpu.memory_space<vmem>>, vector<1x16xf32>,
          %get3A_906 = arith.index_cast %add3A_870 : i32 to index
          %get3A_907 = arith.constant 48 : index
          %get3A_908 = tpu.vector_load %arg12[%get3A_906, %get3A_907] {strides = array<i32>} : memref<80x64xf32, #tpu.memory_space<vmem>>, vector<1x16xf32>,
          %get3A_909 = vector.shape_cast %get3A_908 : vector<1x16xf32> to vector<16xf32>
          %mul3A_910 = vector.broadcast %squeeze3A_872 : f32 to vector<16xf32>
          %mul3A_911 = arith.mulf %get3A_909, %mul3A_910 : vector<16xf32>
          %swap3A_912 = arith.index_cast %add3A_870 : i32 to index
          %swap3A_913 = arith.constant 48 : index
          %swap3A_914 = tpu.vector_load %arg12[%swap3A_912, %swap3A_913] {strides = array<i32>} : memref<80x64xf32, #tpu.memory_space<vmem>>, vector<1x16xf32>,
          %swap3A_915 = vector.shape_cast %swap3A_914 : vector<1x16xf32> to vector<16xf32>
          %swap3A_916 = vector.shape_cast %mul3A_911 : vector<16xf32> to vector<1x16xf32>
          tpu.vector_store %arg12[%swap3A_912, %swap3A_913], %swap3A_916 {strides = array<i32>} : memref<80x64xf32, #tpu.memory_space<vmem>>, vector<1x16xf32>,
          %scan3A_917 = arith.constant 0 : i32
          scf.yield %scan3A_917 : i32
        }
        %scan3A_109 = arith.constant 5 : i32
        "tpu.region"() ({
          %run_scoped3A = tpu.sem_alloc : memref<!tpu.dma_semaphore, #tpu.memory_space<semaphore_mem>>
          %dma_start3A_111 = arith.constant 0 : i32
          %dma_start3A_112 = arith.constant 0 : i32
          %dma_start3A_113 = tpu.memref_slice %arg14[%dma_start3A_111, %dma_start3A_112] : memref<10000x64xf32, #tpu.memory_space<vmem_shared>> -> memref<10000x64xf32, #tpu.memory_space<vmem_shared>>
          tpu.enqueue_indirect_dma source(%arg12 : memref<80x64xf32, #tpu.memory_space<vmem>>) target(%dma_start3A_113 : memref<10000x64xf32, #tpu.memory_space<vmem_shared>>) offsets(%arg11 : memref<80xi32, #tpu.memory_space<vmem>>) semaphore(%run_scoped3A : memref<!tpu.dma_semaphore, #tpu.memory_space<semaphore_mem>>) {add = true}
          %dma_wait3A_114 = arith.constant 0 : i32
          %dma_wait3A_115 = arith.constant 0 : i32
          %dma_wait3A_116 = tpu.memref_slice %arg14[%dma_wait3A_114, %dma_wait3A_115] : memref<10000x64xf32, #tpu.memory_space<vmem_shared>> -> memref<10000x64xf32, #tpu.memory_space<vmem_shared>>
          tpu.wait_indirect_dma semaphore(%run_scoped3A : memref<!tpu.dma_semaphore, #tpu.memory_space<semaphore_mem>>) src(%arg12 : memref<80x64xf32, #tpu.memory_space<vmem>>) dst(%dma_wait3A_116 : memref<10000x64xf32, #tpu.memory_space<vmem_shared>>)
          tpu.yield
        }) : () -> ()
        %scan3A_110 = arith.constant 0 : i32
        scf.yield %scan3A_110 : i32
      }
      %scan3A_49 = arith.constant 250 : i32
    } else {
    }
    %barrier3A_31 = arith.constant 0 : index
    tpu.barrier barrier_id(%barrier3A_31)
    %add3A_32 = arith.constant 0 : i32
    %add3A_33 = arith.addi %mul3A_7, %add3A_32 : i32
    "tpu.region"() ({
      %run_scoped3A = tpu.sem_alloc : memref<!tpu.dma_semaphore, #tpu.memory_space<semaphore_mem>>
      %dma_start3A = arith.constant 0 : i32
      %dma_start3A_43 = tpu.memref_slice %arg14[%add3A_33, %dma_start3A] : memref<10000x64xf32, #tpu.memory_space<vmem_shared>> -> memref<208x64xf32, #tpu.memory_space<vmem_shared>>
      %dma_start3A_44 = arith.constant 0 : i32
      %dma_start3A_45 = tpu.memref_slice %arg14[%add3A_33, %dma_start3A_44] : memref<10000x64xf32, #tpu.memory_space<vmem_shared>> -> memref<208x64xf32, #tpu.memory_space<vmem_shared>>
      tpu.enqueue_dma source(%dma_start3A_45 : memref<208x64xf32, #tpu.memory_space<vmem_shared>>) target(%arg13 : memref<208x64xf32, #tpu.memory_space<vmem>>) target_semaphore(%run_scoped3A : memref<!tpu.dma_semaphore, #tpu.memory_space<semaphore_mem>>)
      %dma_wait3A = arith.constant 0 : i32
      %dma_wait3A_46 = tpu.memref_slice %arg14[%add3A_33, %dma_wait3A] : memref<10000x64xf32, #tpu.memory_space<vmem_shared>> -> memref<208x64xf32, #tpu.memory_space<vmem_shared>>
      %dma_wait3A_47 = arith.constant 0 : i32
      %dma_wait3A_48 = tpu.memref_slice %arg14[%add3A_33, %dma_wait3A_47] : memref<10000x64xf32, #tpu.memory_space<vmem_shared>> -> memref<208x64xf32, #tpu.memory_space<vmem_shared>>
      tpu.wait_dma2 semaphore(%run_scoped3A : memref<!tpu.dma_semaphore, #tpu.memory_space<semaphore_mem>>) src(%dma_wait3A_48 : memref<208x64xf32, #tpu.memory_space<vmem_shared>>) dst(%arg13 : memref<208x64xf32, #tpu.memory_space<vmem>>)
      tpu.yield
    }) : () -> ()
    "tpu.region"() ({
      %run_scoped3A = tpu.sem_alloc : memref<!tpu.dma_semaphore, #tpu.memory_space<semaphore_mem>>
      %dma_start3A = arith.constant 0 : i32
      %dma_start3A_43 = tpu.memref_slice %arg7[%arg0, %add3A_33, %dma_start3A] : memref<2x10000x64xf32, #tpu.memory_space<hbm>> -> memref<1x208x64xf32, #tpu.memory_space<hbm>>
      %dma_start3A_44 = tpu.memref_squeeze %dma_start3A_43 : memref<1x208x64xf32, #tpu.memory_space<hbm>> -> memref<208x64xf32, #tpu.memory_space<hbm>>
      %dma_start3A_45 = arith.constant 0 : i32
      %dma_start3A_46 = tpu.memref_slice %arg7[%arg0, %add3A_33, %dma_start3A_45] : memref<2x10000x64xf32, #tpu.memory_space<hbm>> -> memref<1x208x64xf32, #tpu.memory_space<hbm>>
      %dma_start3A_47 = tpu.memref_squeeze %dma_start3A_46 : memref<1x208x64xf32, #tpu.memory_space<hbm>> -> memref<208x64xf32, #tpu.memory_space<hbm>>
      tpu.enqueue_dma source(%arg13 : memref<208x64xf32, #tpu.memory_space<vmem>>) target(%dma_start3A_47 : memref<208x64xf32, #tpu.memory_space<hbm>>) target_semaphore(%run_scoped3A : memref<!tpu.dma_semaphore, #tpu.memory_space<semaphore_mem>>)
      %dma_wait3A = arith.constant 0 : i32
      %dma_wait3A_48 = tpu.memref_slice %arg7[%arg0, %add3A_33, %dma_wait3A] : memref<2x10000x64xf32, #tpu.memory_space<hbm>> -> memref<1x208x64xf32, #tpu.memory_space<hbm>>
      %dma_wait3A_49 = tpu.memref_squeeze %dma_wait3A_48 : memref<1x208x64xf32, #tpu.memory_space<hbm>> -> memref<208x64xf32, #tpu.memory_space<hbm>>
      %dma_wait3A_50 = arith.constant 0 : i32
      %dma_wait3A_51 = tpu.memref_slice %arg7[%arg0, %add3A_33, %dma_wait3A_50] : memref<2x10000x64xf32, #tpu.memory_space<hbm>> -> memref<1x208x64xf32, #tpu.memory_space<hbm>>
      %dma_wait3A_52 = tpu.memref_squeeze %dma_wait3A_51 : memref<1x208x64xf32, #tpu.memory_space<hbm>> -> memref<208x64xf32, #tpu.memory_space<hbm>>
      tpu.wait_dma2 semaphore(%run_scoped3A : memref<!tpu.dma_semaphore, #tpu.memory_space<semaphore_mem>>) src(%arg13 : memref<208x64xf32, #tpu.memory_space<vmem>>) dst(%dma_wait3A_52 : memref<208x64xf32, #tpu.memory_space<hbm>>)
      tpu.yield
    }) : () -> ()
    %add3A_34 = arith.constant 208 : i32
    %add3A_35 = arith.addi %mul3A_7, %add3A_34 : i32
    "tpu.region"() ({
      %run_scoped3A = tpu.sem_alloc : memref<!tpu.dma_semaphore, #tpu.memory_space<semaphore_mem>>
      %dma_start3A = arith.constant 0 : i32
      %dma_start3A_43 = tpu.memref_slice %arg14[%add3A_35, %dma_start3A] : memref<10000x64xf32, #tpu.memory_space<vmem_shared>> -> memref<208x64xf32, #tpu.memory_space<vmem_shared>>
      %dma_start3A_44 = arith.constant 0 : i32
      %dma_start3A_45 = tpu.memref_slice %arg14[%add3A_35, %dma_start3A_44] : memref<10000x64xf32, #tpu.memory_space<vmem_shared>> -> memref<208x64xf32, #tpu.memory_space<vmem_shared>>
      tpu.enqueue_dma source(%dma_start3A_45 : memref<208x64xf32, #tpu.memory_space<vmem_shared>>) target(%arg13 : memref<208x64xf32, #tpu.memory_space<vmem>>) target_semaphore(%run_scoped3A : memref<!tpu.dma_semaphore, #tpu.memory_space<semaphore_mem>>)
      %dma_wait3A = arith.constant 0 : i32
      %dma_wait3A_46 = tpu.memref_slice %arg14[%add3A_35, %dma_wait3A] : memref<10000x64xf32, #tpu.memory_space<vmem_shared>> -> memref<208x64xf32, #tpu.memory_space<vmem_shared>>
      %dma_wait3A_47 = arith.constant 0 : i32
      %dma_wait3A_48 = tpu.memref_slice %arg14[%add3A_35, %dma_wait3A_47] : memref<10000x64xf32, #tpu.memory_space<vmem_shared>> -> memref<208x64xf32, #tpu.memory_space<vmem_shared>>
      tpu.wait_dma2 semaphore(%run_scoped3A : memref<!tpu.dma_semaphore, #tpu.memory_space<semaphore_mem>>) src(%dma_wait3A_48 : memref<208x64xf32, #tpu.memory_space<vmem_shared>>) dst(%arg13 : memref<208x64xf32, #tpu.memory_space<vmem>>)
      tpu.yield
    }) : () -> ()
    "tpu.region"() ({
      %run_scoped3A = tpu.sem_alloc : memref<!tpu.dma_semaphore, #tpu.memory_space<semaphore_mem>>
      %dma_start3A = arith.constant 0 : i32
      %dma_start3A_43 = tpu.memref_slice %arg7[%arg0, %add3A_35, %dma_start3A] : memref<2x10000x64xf32, #tpu.memory_space<hbm>> -> memref<1x208x64xf32, #tpu.memory_space<hbm>>
      %dma_start3A_44 = tpu.memref_squeeze %dma_start3A_43 : memref<1x208x64xf32, #tpu.memory_space<hbm>> -> memref<208x64xf32, #tpu.memory_space<hbm>>
      %dma_start3A_45 = arith.constant 0 : i32
      %dma_start3A_46 = tpu.memref_slice %arg7[%arg0, %add3A_35, %dma_start3A_45] : memref<2x10000x64xf32, #tpu.memory_space<hbm>> -> memref<1x208x64xf32, #tpu.memory_space<hbm>>
      %dma_start3A_47 = tpu.memref_squeeze %dma_start3A_46 : memref<1x208x64xf32, #tpu.memory_space<hbm>> -> memref<208x64xf32, #tpu.memory_space<hbm>>
      tpu.enqueue_dma source(%arg13 : memref<208x64xf32, #tpu.memory_space<vmem>>) target(%dma_start3A_47 : memref<208x64xf32, #tpu.memory_space<hbm>>) target_semaphore(%run_scoped3A : memref<!tpu.dma_semaphore, #tpu.memory_space<semaphore_mem>>)
      %dma_wait3A = arith.constant 0 : i32
      %dma_wait3A_48 = tpu.memref_slice %arg7[%arg0, %add3A_35, %dma_wait3A] : memref<2x10000x64xf32, #tpu.memory_space<hbm>> -> memref<1x208x64xf32, #tpu.memory_space<hbm>>
      %dma_wait3A_49 = tpu.memref_squeeze %dma_wait3A_48 : memref<1x208x64xf32, #tpu.memory_space<hbm>> -> memref<208x64xf32, #tpu.memory_space<hbm>>
      %dma_wait3A_50 = arith.constant 0 : i32
      %dma_wait3A_51 = tpu.memref_slice %arg7[%arg0, %add3A_35, %dma_wait3A_50] : memref<2x10000x64xf32, #tpu.memory_space<hbm>> -> memref<1x208x64xf32, #tpu.memory_space<hbm>>
      %dma_wait3A_52 = tpu.memref_squeeze %dma_wait3A_51 : memref<1x208x64xf32, #tpu.memory_space<hbm>> -> memref<208x64xf32, #tpu.memory_space<hbm>>
      tpu.wait_dma2 semaphore(%run_scoped3A : memref<!tpu.dma_semaphore, #tpu.memory_space<semaphore_mem>>) src(%arg13 : memref<208x64xf32, #tpu.memory_space<vmem>>) dst(%dma_wait3A_52 : memref<208x64xf32, #tpu.memory_space<hbm>>)
      tpu.yield
    }) : () -> ()
    %add3A_36 = arith.constant 416 : i32
    %add3A_37 = arith.addi %mul3A_7, %add3A_36 : i32
    "tpu.region"() ({
      %run_scoped3A = tpu.sem_alloc : memref<!tpu.dma_semaphore, #tpu.memory_space<semaphore_mem>>
      %dma_start3A = arith.constant 0 : i32
      %dma_start3A_43 = tpu.memref_slice %arg14[%add3A_37, %dma_start3A] : memref<10000x64xf32, #tpu.memory_space<vmem_shared>> -> memref<208x64xf32, #tpu.memory_space<vmem_shared>>
      %dma_start3A_44 = arith.constant 0 : i32
      %dma_start3A_45 = tpu.memref_slice %arg14[%add3A_37, %dma_start3A_44] : memref<10000x64xf32, #tpu.memory_space<vmem_shared>> -> memref<208x64xf32, #tpu.memory_space<vmem_shared>>
      tpu.enqueue_dma source(%dma_start3A_45 : memref<208x64xf32, #tpu.memory_space<vmem_shared>>) target(%arg13 : memref<208x64xf32, #tpu.memory_space<vmem>>) target_semaphore(%run_scoped3A : memref<!tpu.dma_semaphore, #tpu.memory_space<semaphore_mem>>)
      %dma_wait3A = arith.constant 0 : i32
      %dma_wait3A_46 = tpu.memref_slice %arg14[%add3A_37, %dma_wait3A] : memref<10000x64xf32, #tpu.memory_space<vmem_shared>> -> memref<208x64xf32, #tpu.memory_space<vmem_shared>>
      %dma_wait3A_47 = arith.constant 0 : i32
      %dma_wait3A_48 = tpu.memref_slice %arg14[%add3A_37, %dma_wait3A_47] : memref<10000x64xf32, #tpu.memory_space<vmem_shared>> -> memref<208x64xf32, #tpu.memory_space<vmem_shared>>
      tpu.wait_dma2 semaphore(%run_scoped3A : memref<!tpu.dma_semaphore, #tpu.memory_space<semaphore_mem>>) src(%dma_wait3A_48 : memref<208x64xf32, #tpu.memory_space<vmem_shared>>) dst(%arg13 : memref<208x64xf32, #tpu.memory_space<vmem>>)
      tpu.yield
    }) : () -> ()
    "tpu.region"() ({
      %run_scoped3A = tpu.sem_alloc : memref<!tpu.dma_semaphore, #tpu.memory_space<semaphore_mem>>
      %dma_start3A = arith.constant 0 : i32
      %dma_start3A_43 = tpu.memref_slice %arg7[%arg0, %add3A_37, %dma_start3A] : memref<2x10000x64xf32, #tpu.memory_space<hbm>> -> memref<1x208x64xf32, #tpu.memory_space<hbm>>
      %dma_start3A_44 = tpu.memref_squeeze %dma_start3A_43 : memref<1x208x64xf32, #tpu.memory_space<hbm>> -> memref<208x64xf32, #tpu.memory_space<hbm>>
      %dma_start3A_45 = arith.constant 0 : i32
      %dma_start3A_46 = tpu.memref_slice %arg7[%arg0, %add3A_37, %dma_start3A_45] : memref<2x10000x64xf32, #tpu.memory_space<hbm>> -> memref<1x208x64xf32, #tpu.memory_space<hbm>>
      %dma_start3A_47 = tpu.memref_squeeze %dma_start3A_46 : memref<1x208x64xf32, #tpu.memory_space<hbm>> -> memref<208x64xf32, #tpu.memory_space<hbm>>
      tpu.enqueue_dma source(%arg13 : memref<208x64xf32, #tpu.memory_space<vmem>>) target(%dma_start3A_47 : memref<208x64xf32, #tpu.memory_space<hbm>>) target_semaphore(%run_scoped3A : memref<!tpu.dma_semaphore, #tpu.memory_space<semaphore_mem>>)
      %dma_wait3A = arith.constant 0 : i32
      %dma_wait3A_48 = tpu.memref_slice %arg7[%arg0, %add3A_37, %dma_wait3A] : memref<2x10000x64xf32, #tpu.memory_space<hbm>> -> memref<1x208x64xf32, #tpu.memory_space<hbm>>
      %dma_wait3A_49 = tpu.memref_squeeze %dma_wait3A_48 : memref<1x208x64xf32, #tpu.memory_space<hbm>> -> memref<208x64xf32, #tpu.memory_space<hbm>>
      %dma_wait3A_50 = arith.constant 0 : i32
      %dma_wait3A_51 = tpu.memref_slice %arg7[%arg0, %add3A_37, %dma_wait3A_50] : memref<2x10000x64xf32, #tpu.memory_space<hbm>> -> memref<1x208x64xf32, #tpu.memory_space<hbm>>
      %dma_wait3A_52 = tpu.memref_squeeze %dma_wait3A_51 : memref<1x208x64xf32, #tpu.memory_space<hbm>> -> memref<208x64xf32, #tpu.memory_space<hbm>>
      tpu.wait_dma2 semaphore(%run_scoped3A : memref<!tpu.dma_semaphore, #tpu.memory_space<semaphore_mem>>) src(%arg13 : memref<208x64xf32, #tpu.memory_space<vmem>>) dst(%dma_wait3A_52 : memref<208x64xf32, #tpu.memory_space<hbm>>)
      tpu.yield
    }) : () -> ()
    %eq3A_38 = arith.constant 15 : i32
    %eq3A_39 = arith.cmpi eq, %arg1, %eq3A_38 : i32
    %convert_element_type3A_40 = arith.extui %eq3A_39 : i1 to i32
    %cond3A_41 = arith.constant 0 : i32
    %cond3A_42 = arith.cmpi ne, %convert_element_type3A_40, %cond3A_41 : i32
    scf.if %cond3A_42 {
      "tpu.region"() ({
        %run_scoped3A = tpu.sem_alloc : memref<!tpu.dma_semaphore, #tpu.memory_space<semaphore_mem>>
        %dma_start3A = arith.constant 0 : i32
        %dma_start3A_43 = arith.constant 0 : i32
        %dma_start3A_44 = tpu.memref_slice %arg13[%dma_start3A, %dma_start3A_43] : memref<208x64xf32, #tpu.memory_space<vmem>> -> memref<16x64xf32, #tpu.memory_space<vmem>>
        %dma_start3A_45 = arith.constant 9984 : i32
        %dma_start3A_46 = arith.constant 0 : i32
        %dma_start3A_47 = tpu.memref_slice %arg14[%dma_start3A_45, %dma_start3A_46] : memref<10000x64xf32, #tpu.memory_space<vmem_shared>> -> memref<16x64xf32, #tpu.memory_space<vmem_shared>>
        %dma_start3A_48 = arith.constant 0 : i32
        %dma_start3A_49 = arith.constant 0 : i32
        %dma_start3A_50 = tpu.memref_slice %arg13[%dma_start3A_48, %dma_start3A_49] : memref<208x64xf32, #tpu.memory_space<vmem>> -> memref<16x64xf32, #tpu.memory_space<vmem>>
        %dma_start3A_51 = arith.constant 9984 : i32
        %dma_start3A_52 = arith.constant 0 : i32
        %dma_start3A_53 = tpu.memref_slice %arg14[%dma_start3A_51, %dma_start3A_52] : memref<10000x64xf32, #tpu.memory_space<vmem_shared>> -> memref<16x64xf32, #tpu.memory_space<vmem_shared>>
        tpu.enqueue_dma source(%dma_start3A_53 : memref<16x64xf32, #tpu.memory_space<vmem_shared>>) target(%dma_start3A_50 : memref<16x64xf32, #tpu.memory_space<vmem>>) target_semaphore(%run_scoped3A : memref<!tpu.dma_semaphore, #tpu.memory_space<semaphore_mem>>)
        %dma_wait3A = arith.constant 0 : i32
        %dma_wait3A_54 = arith.constant 0 : i32
        %dma_wait3A_55 = tpu.memref_slice %arg13[%dma_wait3A, %dma_wait3A_54] : memref<208x64xf32, #tpu.memory_space<vmem>> -> memref<16x64xf32, #tpu.memory_space<vmem>>
        %dma_wait3A_56 = arith.constant 9984 : i32
        %dma_wait3A_57 = arith.constant 0 : i32
        %dma_wait3A_58 = tpu.memref_slice %arg14[%dma_wait3A_56, %dma_wait3A_57] : memref<10000x64xf32, #tpu.memory_space<vmem_shared>> -> memref<16x64xf32, #tpu.memory_space<vmem_shared>>
        %dma_wait3A_59 = arith.constant 0 : i32
        %dma_wait3A_60 = arith.constant 0 : i32
        %dma_wait3A_61 = tpu.memref_slice %arg13[%dma_wait3A_59, %dma_wait3A_60] : memref<208x64xf32, #tpu.memory_space<vmem>> -> memref<16x64xf32, #tpu.memory_space<vmem>>
        %dma_wait3A_62 = arith.constant 9984 : i32
        %dma_wait3A_63 = arith.constant 0 : i32
        %dma_wait3A_64 = tpu.memref_slice %arg14[%dma_wait3A_62, %dma_wait3A_63] : memref<10000x64xf32, #tpu.memory_space<vmem_shared>> -> memref<16x64xf32, #tpu.memory_space<vmem_shared>>
        tpu.wait_dma2 semaphore(%run_scoped3A : memref<!tpu.dma_semaphore, #tpu.memory_space<semaphore_mem>>) src(%dma_wait3A_64 : memref<16x64xf32, #tpu.memory_space<vmem_shared>>) dst(%dma_wait3A_61 : memref<16x64xf32, #tpu.memory_space<vmem>>)
        tpu.yield
      }) : () -> ()
      "tpu.region"() ({
        %run_scoped3A = tpu.sem_alloc : memref<!tpu.dma_semaphore, #tpu.memory_space<semaphore_mem>>
        %dma_start3A = arith.constant 0 : i32
        %dma_start3A_43 = arith.constant 0 : i32
        %dma_start3A_44 = tpu.memref_slice %arg13[%dma_start3A, %dma_start3A_43] : memref<208x64xf32, #tpu.memory_space<vmem>> -> memref<16x64xf32, #tpu.memory_space<vmem>>
        %dma_start3A_45 = arith.constant 9984 : i32
        %dma_start3A_46 = arith.constant 0 : i32
        %dma_start3A_47 = tpu.memref_slice %arg7[%arg0, %dma_start3A_45, %dma_start3A_46] : memref<2x10000x64xf32, #tpu.memory_space<hbm>> -> memref<1x16x64xf32, #tpu.memory_space<hbm>>
        %dma_start3A_48 = tpu.memref_squeeze %dma_start3A_47 : memref<1x16x64xf32, #tpu.memory_space<hbm>> -> memref<16x64xf32, #tpu.memory_space<hbm>>
        %dma_start3A_49 = arith.constant 9984 : i32
        %dma_start3A_50 = arith.constant 0 : i32
        %dma_start3A_51 = tpu.memref_slice %arg7[%arg0, %dma_start3A_49, %dma_start3A_50] : memref<2x10000x64xf32, #tpu.memory_space<hbm>> -> memref<1x16x64xf32, #tpu.memory_space<hbm>>
        %dma_start3A_52 = tpu.memref_squeeze %dma_start3A_51 : memref<1x16x64xf32, #tpu.memory_space<hbm>> -> memref<16x64xf32, #tpu.memory_space<hbm>>
        %dma_start3A_53 = arith.constant 0 : i32
        %dma_start3A_54 = arith.constant 0 : i32
        %dma_start3A_55 = tpu.memref_slice %arg13[%dma_start3A_53, %dma_start3A_54] : memref<208x64xf32, #tpu.memory_space<vmem>> -> memref<16x64xf32, #tpu.memory_space<vmem>>
        tpu.enqueue_dma source(%dma_start3A_55 : memref<16x64xf32, #tpu.memory_space<vmem>>) target(%dma_start3A_52 : memref<16x64xf32, #tpu.memory_space<hbm>>) target_semaphore(%run_scoped3A : memref<!tpu.dma_semaphore, #tpu.memory_space<semaphore_mem>>)
        %dma_wait3A = arith.constant 0 : i32
        %dma_wait3A_56 = arith.constant 0 : i32
        %dma_wait3A_57 = tpu.memref_slice %arg13[%dma_wait3A, %dma_wait3A_56] : memref<208x64xf32, #tpu.memory_space<vmem>> -> memref<16x64xf32, #tpu.memory_space<vmem>>
        %dma_wait3A_58 = arith.constant 9984 : i32
        %dma_wait3A_59 = arith.constant 0 : i32
        %dma_wait3A_60 = tpu.memref_slice %arg7[%arg0, %dma_wait3A_58, %dma_wait3A_59] : memref<2x10000x64xf32, #tpu.memory_space<hbm>> -> memref<1x16x64xf32, #tpu.memory_space<hbm>>
        %dma_wait3A_61 = tpu.memref_squeeze %dma_wait3A_60 : memref<1x16x64xf32, #tpu.memory_space<hbm>> -> memref<16x64xf32, #tpu.memory_space<hbm>>
        %dma_wait3A_62 = arith.constant 9984 : i32
        %dma_wait3A_63 = arith.constant 0 : i32
        %dma_wait3A_64 = tpu.memref_slice %arg7[%arg0, %dma_wait3A_62, %dma_wait3A_63] : memref<2x10000x64xf32, #tpu.memory_space<hbm>> -> memref<1x16x64xf32, #tpu.memory_space<hbm>>
        %dma_wait3A_65 = tpu.memref_squeeze %dma_wait3A_64 : memref<1x16x64xf32, #tpu.memory_space<hbm>> -> memref<16x64xf32, #tpu.memory_space<hbm>>
        %dma_wait3A_66 = arith.constant 0 : i32
        %dma_wait3A_67 = arith.constant 0 : i32
        %dma_wait3A_68 = tpu.memref_slice %arg13[%dma_wait3A_66, %dma_wait3A_67] : memref<208x64xf32, #tpu.memory_space<vmem>> -> memref<16x64xf32, #tpu.memory_space<vmem>>
        tpu.wait_dma2 semaphore(%run_scoped3A : memref<!tpu.dma_semaphore, #tpu.memory_space<semaphore_mem>>) src(%dma_wait3A_68 : memref<16x64xf32, #tpu.memory_space<vmem>>) dst(%dma_wait3A_65 : memref<16x64xf32, #tpu.memory_space<hbm>>)
        tpu.yield
      }) : () -> ()
    } else {
    }
    return
  }
}

module attributes {stable_mosaic.version = 14 : i64} {
  func.func @_tc_body(%arg0: i32, %arg1: memref<2x2000x64xf32, #tpu.memory_space<vmem>>, %arg2: memref<2000x128xf32, #tpu.memory_space<vmem>>, %arg3: memref<128x128xf32, #tpu.memory_space<vmem>>, %arg4: memref<2000x128xf32, #tpu.memory_space<vmem>>) attributes {dimension_semantics = [#tpu.dimension_semantics<arbitrary>], iteration_bounds = array<i64: 5>, scalar_prefetch = 0 : i64, scratch_operands = 0 : i64, tpu.core_type = #tpu.core_type<tc>, window_params = [{transform_indices = @transform_0, window_bounds = array<i64: 2, 2000, 64>}, {transform_indices = @transform_1, window_bounds = array<i64: 2000, 128>}, {pipeline_mode = #tpu.pipeline_mode<synchronous>, transform_indices = @transform_2, window_bounds = array<i64: 128, 128>}, {transform_indices = @transform_3, window_bounds = array<i64: 2000, 128>}]} {
    %get3A = arith.constant 0 : index
    %get3A_0 = arith.constant 0 : index
    %get3A_1 = arith.constant 0 : index
    %get3A_2 = vector.load %arg1[%get3A, %get3A_0, %get3A_1] : memref<2x2000x64xf32, #tpu.memory_space<vmem>>, vector<1x2000x64xf32>
    %get3A_3 = vector.shape_cast %get3A_2 : vector<1x2000x64xf32> to vector<2000x64xf32>
    %get3A_4 = arith.constant 1 : index
    %get3A_5 = arith.constant 0 : index
    %get3A_6 = arith.constant 0 : index
    %get3A_7 = vector.load %arg1[%get3A_4, %get3A_5, %get3A_6] : memref<2x2000x64xf32, #tpu.memory_space<vmem>>, vector<1x2000x64xf32>
    %get3A_8 = vector.shape_cast %get3A_7 : vector<1x2000x64xf32> to vector<2000x64xf32>
    %concatenate3A = tpu.concatenate %get3A_3, %get3A_8 in 1 : vector<2000x64xf32>, vector<2000x64xf32> -> vector<2000x128xf32>
    %mul3A = arith.constant 0.899999976 : f32
    %mul3A_9 = vector.broadcast %mul3A : f32 to vector<2000x128xf32>
    %mul3A_10 = arith.mulf %mul3A_9, %concatenate3A : vector<2000x128xf32>
    %get3A_11 = arith.constant 0 : index
    %get3A_12 = arith.constant 0 : index
    %get3A_13 = vector.load %arg2[%get3A_11, %get3A_12] : memref<2000x128xf32, #tpu.memory_space<vmem>>, vector<2000x128xf32>
    %mul3A_14 = arith.constant 1.000000e-01 : f32
    %mul3A_15 = vector.broadcast %mul3A_14 : f32 to vector<2000x128xf32>
    %mul3A_16 = arith.mulf %mul3A_15, %get3A_13 : vector<2000x128xf32>
    %add3A = arith.addf %mul3A_10, %mul3A_16 : vector<2000x128xf32>
    %mul3A_17 = arith.constant 0.594534874 : f32
    %mul3A_18 = vector.broadcast %mul3A_17 : f32 to vector<2000x128xf32>
    %mul3A_19 = arith.mulf %mul3A_18, %add3A : vector<2000x128xf32>
    %get3A_20 = arith.constant 0 : index
    %get3A_21 = arith.constant 0 : index
    %get3A_22 = vector.load %arg3[%get3A_20, %get3A_21] : memref<128x128xf32, #tpu.memory_space<vmem>>, vector<128x128xf32>
    %dot_general3A = arith.constant dense<0.000000e+00> : vector<2000x128xf32>
    %dot_general3A_23 = tpu.matmul %add3A, %get3A_22, %dot_general3A {dimension_numbers = #tpu.dot_dimension_numbers<[1], [0], [0], [1], [0, 0, 1, 1], [], []>, transpose_lhs_hint = false} : vector<2000x128xf32>, vector<128x128xf32>, vector<2000x128xf32> -> vector<2000x128xf32>
    %mul3A_24 = arith.constant 0.405465096 : f32
    %mul3A_25 = vector.broadcast %mul3A_24 : f32 to vector<2000x128xf32>
    %mul3A_26 = arith.mulf %mul3A_25, %dot_general3A_23 : vector<2000x128xf32>
    %add3A_27 = arith.addf %mul3A_19, %mul3A_26 : vector<2000x128xf32>
    %swap3A = arith.constant 0 : index
    %swap3A_28 = arith.constant 0 : index
    %swap3A_29 = vector.load %arg4[%swap3A, %swap3A_28] : memref<2000x128xf32, #tpu.memory_space<vmem>>, vector<2000x128xf32>
    tpu.vector_store %arg4[%swap3A, %swap3A_28], %add3A_27 {strides = array<i32>} : memref<2000x128xf32, #tpu.memory_space<vmem>>, vector<2000x128xf32>,
    return
  }
  func.func @transform_0(%arg0: i32) -> (i32, i32, i32) {
    %c0_i32 = arith.constant 0 : i32
    %c0_i32_0 = arith.constant 0 : i32
    %c0_i32_1 = arith.constant 0 : i32
    return %c0_i32, %arg0, %c0_i32_0 : i32, i32, i32
  }
  func.func @transform_1(%arg0: i32) -> (i32, i32) {
    %c0_i32 = arith.constant 0 : i32
    %c0_i32_0 = arith.constant 0 : i32
    return %arg0, %c0_i32 : i32, i32
  }
  func.func @transform_2(%arg0: i32) -> (i32, i32) {
    %c0_i32 = arith.constant 0 : i32
    %c0_i32_0 = arith.constant 0 : i32
    %c0_i32_1 = arith.constant 0 : i32
    return %c0_i32, %c0_i32_0 : i32, i32
  }
  func.func @transform_3(%arg0: i32) -> (i32, i32) {
    %c0_i32 = arith.constant 0 : i32
    %c0_i32_0 = arith.constant 0 : i32
    return %arg0, %c0_i32 : i32, i32
  }
}

</mosaic_0001>

<sc_bundles>
// kernel: kernel.4.cloned.1.call-start
scs
__scs_entry_jumppad:
0x0: {  	(pc) =	sbr.rel $0x88, $3  }
0x1: {  	(tag) =	ssettag $0x0;
	lr =	simm.s32 $0x1  }
0x2: {  	[smem:$0x3F9C] =	sst lr;
	_ =	strace $0xD0000000  }
0x3: {  	_ = 	snop  }
0x4: {  	_ = 	snop  }
0x5: {  	_ = 	snop  }
0x6: {  	_ = 	snop  }
0x7: {  	_ = 	snop  }
__scs_overlays_trampoline_lowered:
0x8: {  	[smem:$0x3FAB] =	sst s0  }
0x9: {  	[smem:$0x3FAC] =	sst s1  }
0xa: {  	[smem:$0x3FAD] =	sst s2  }
0xb: {  	[smem:$0x3FAE] =	sst s3  }
0xc: {  	[smem:$0x3FAF] =	sst s4  }
0xd: {  	[smem:$0x3FB0] =	sst s5  }
0xe: {  	[smem:$0x3FB1] =	sst s6  }
0xf: {  	[smem:$0x3FB2] =	sst s7  }
0x10: {  	[smem:$0x3FB3] =	sst s8  }
0x11: {  	[smem:$0x3FB4] =	sst s9;
	s0 =	simm.s32 @!p0 $0x0  }
0x12: {  	s1 =	sld [smem:$0x3F9A];
	s0 =	simm.s32 @p0 $0x1  }
0x13: {  	[smem:$0x3FB5] =	sst s0;
	s0 =	simm.s32 @!p1 $0x0  }
0x14: {  	s2 =	sld [smem:$0x3F99];
	s0 =	simm.s32 @p1 $0x1  }
0x15: {  	[smem:$0x3FB6] =	sst s0;
	s0 =	simm.s32 @!p2 $0x0  }
0x16: {  	s3 =	sld [smem:$0x3FDB];
	s0 =	simm.s32 @p2 $0x1  }
0x17: {  	s4 =	simm.s32 $0x1BF5;
	[smem:$0x3FB8] =	sst s0  }
0x18: {  	s0 =	sld [smem:$0x3F9B];
	_ =	swait.ge [sflag:s4], $0x0  }
0x19: {  	s7 =	sld [smem:$0x3F9C]  }
0x1a: {  	s8 =	sadd.s32 $0xFFFFE003, lr  }
0x1b: {  	s9 =	sadd.s32 $0xFFFFFEF7, lr;
	s5 =	simm.s32 $0xFFFFFFFF;
	p2 =	slt.u32 s8, $0xFFFFF086  }
0x1c: {  	p1 =	slt.u32 s9, $0xF7A;
	s5 =	simm.s32 @!p2 $0x0  }
0x1d: {  	s5 =	simm.s32 @p1 $0x1;
	p0 =	seq.s32 s7, s2  }
0x1e: {  	s7 =	smul.u32 @!p0 $0xF7A, s2;
	p2 =	seq.s32 @!p0 s5, $0x0  }
0x1f: {  	s9 =	smul.u32 $0xF7A, s1;
	s8 =	simm.s32 @!p0 $0x1BF5;
	p2 =	por !p2, p0  }
0x20: {  	[sflag:s8] =	ssyncset.s32 @!p0 $0xFFFFF086;
	s6 =	sadd.s32 @!p0 s3, s7;
	s7 =	simm.s32 @!p0 $0x108  }
0x21: {  	s3 =	sadd.s32 s3, s9;
	s6 =	sadd.s32 @!p0 $0x88, s6;
	s7 =	simm.s32 @p2 $0x1082  }
0x22: {  	[simem:s7], [sflag:s8] =	dma.local @!p0 [hbm:s6], $0xF7A  }
0x23: {  	s9 =	sor.u32 $0xD0000000, s2;
	s6 =	simm.s32 $0x108;
	_ =	swait.ge @!p0 [sflag:s8], $0x0  }
0x24: {  	s3 =	sadd.s32 $0x88, s3;
	s6 =	simm.s32 @!p1 $0x1082;
	[sflag:s4] =	ssyncset.s32 $0xFFFFF086  }
0x25: {  	[simem:s6], [sflag:s4] =	dma.local [hbm:s3], $0xF7A  }
0x26: {  	[smem:$0x3F9C] =	sst s1;
	(tag) =	ssettag s2;
	_ =	strace s9  }
0x27: {  	s1 =	sld [smem:$0x3FAC]  }
0x28: {  	s2 =	sld [smem:$0x3FAD]  }
0x29: {  	s4 =	sld [smem:$0x3FAF]  }
0x2a: {  	p0 =	seq.s32 s5, $0x0;
	s5 =	sld [smem:$0x3FB0]  }
0x2b: {  	s6 =	sld [smem:$0x3FB1]  }
0x2c: {  	s7 =	sld [smem:$0x3FB2]  }
0x2d: {  	s3 =	simm.s32 $0x108;
	s8 =	sld [smem:$0x3FB3]  }
0x2e: {  	s3 =	simm.s32 @!p0 $0x1082;
	s9 =	sld [smem:$0x3FB4]  }
0x2f: {  	lr =	sadd.s32 s0, s3;
	s0 =	sld [smem:$0x3FAB]  }
0x30: {  	s3 =	sld [smem:$0x3FAE]  }
0x31: {  	[smem:$0x3FB7] =	sst s10  }
0x32: {  	s10 =	sld [smem:$0x3FB5];
	_ =	sdelay $0x3  }
0x33: {  	p0 =	seq.s32 s10, $0x1;
	s10 =	sld [smem:$0x3FB7];
	_ =	sdelay $0x3  }
0x34: {  	[smem:$0x3FB7] =	sst s10  }
0x35: {  	s10 =	sld [smem:$0x3FB6];
	_ =	sdelay $0x3  }
0x36: {  	p1 =	seq.s32 s10, $0x1;
	s10 =	sld [smem:$0x3FB7];
	_ =	sdelay $0x3  }
0x37: {  	[smem:$0x3FB7] =	sst s10  }
0x38: {  	s10 =	sld [smem:$0x3FB8]  }
0x39: {  	_ = 	snop;
	(pc) =	sbr.ind lr, $3  }
0x3a: {  	_ = 	snop  }
0x3b: {  	_ = 	snop  }
0x3c: {  	p2 =	seq.s32 s10, $0x1;
	s10 =	sld [smem:$0x3FB7]  }
0x3d: {  	_ =	shalt  }
0x3e: {  	_ =	shalt  }
0x3f: {  	_ =	shalt  }
0x40: {  	_ =	shalt  }
0x41: {  	_ =	shalt  }
0x42: {  	_ =	shalt  }
0x43: {  	_ =	shalt  }
0x44: {  	_ =	shalt  }
0x45: {  	_ =	shalt  }
0x46: {  	_ =	shalt  }
0x47: {  	_ =	shalt  }
0x48: {  	_ =	shalt  }
0x49: {  	_ =	shalt  }
0x4a: {  	_ =	shalt  }
0x4b: {  	_ =	shalt  }
0x4c: {  	_ =	shalt  }
0x4d: {  	_ =	shalt  }
0x4e: {  	_ =	shalt  }
0x4f: {  	_ =	shalt  }
0x50: {  	_ =	shalt  }
0x51: {  	_ =	shalt  }
0x52: {  	_ =	shalt  }
0x53: {  	_ =	shalt  }
0x54: {  	_ =	shalt  }
0x55: {  	_ =	shalt  }
0x56: {  	_ =	shalt  }
0x57: {  	_ =	shalt  }
0x58: {  	_ =	shalt  }
0x59: {  	_ =	shalt  }
0x5a: {  	_ =	shalt  }
0x5b: {  	_ =	shalt  }
0x5c: {  	_ =	shalt  }
0x5d: {  	_ =	shalt  }
0x5e: {  	_ =	shalt  }
0x5f: {  	_ =	shalt  }
0x60: {  	_ =	shalt  }
0x61: {  	_ =	shalt  }
0x62: {  	_ =	shalt  }
0x63: {  	_ =	shalt  }
0x64: {  	_ =	shalt  }
0x65: {  	_ =	shalt  }
0x66: {  	_ =	shalt  }
0x67: {  	_ =	shalt  }
0x68: {  	_ =	shalt  }
0x69: {  	_ =	shalt  }
0x6a: {  	_ =	shalt  }
0x6b: {  	_ =	shalt  }
0x6c: {  	_ =	shalt  }
0x6d: {  	_ =	shalt  }
0x6e: {  	_ =	shalt  }
0x6f: {  	_ =	shalt  }
0x70: {  	_ =	shalt  }
0x71: {  	_ =	shalt  }
0x72: {  	_ =	shalt  }
0x73: {  	_ =	shalt  }
0x74: {  	_ =	shalt  }
0x75: {  	_ =	shalt  }
0x76: {  	_ =	shalt  }
0x77: {  	_ =	shalt  }
0x78: {  	_ =	shalt  }
0x79: {  	_ =	shalt  }
0x7a: {  	_ =	shalt  }
0x7b: {  	_ =	shalt  }
0x7c: {  	_ =	shalt  }
0x7d: {  	_ =	shalt  }
0x7e: {  	_ =	shalt  }
0x7f: {  	_ =	shalt  }
0x80: {  	_ =	shalt  }
0x81: {  	_ =	shalt  }
0x82: {  	_ =	shalt  }
0x83: {  	_ =	shalt  }
0x84: {  	_ =	shalt  }
0x85: {  	_ =	shalt  }
0x86: {  	_ =	shalt  }
0x87: {  	_ =	shalt  }
.Lfunc_end0:
.L_simem_size_0:
called_computation_lowered:
.L_overlay_start_0:
0x88: {  	s2 =	sld [smem:$0x3FD9]  }
0x89: {  	s3 =	sld [smem:$0x3FFE];
	_ =	sdelay $0x1  }
0x8a: {  	s1 =	srdreg.scid  }
0x8b: {  	s0 =	sand.u32 $0x1, s1  }
0x8c: {  	s17 =	sshll.u32 s0, $0xA;
	s2 =	sadd.s32 s3, s2  }
0x8d: {  	s2 =	sadd.s32 s2, s17  }
0x8e: {  	[smem:$0x3FC3] =	sst s2  }
0x8f: {  	_ = 	snop  }
0x90: {  	s2 =	sld [smem:$0x3FC7]  }
0x91: {  	s18 =	sld [smem:$0x3FD0];
	(tm) =	ssettm $0x1  }
0x92: {  	s4 =	sld [smem:$0x3FFB];
	_ =	sdelay $0x3  }
0x93: {  	_ =	strace s4  }
0x94: {  	s4 =	sld [smem:$0x3FFC];
	_ =	sdelay $0x3  }
0x95: {  	_ =	strace s4  }
0x96: {  	s4 =	sld [smem:$0x3FFD];
	_ =	sdelay $0x3  }
0x97: {  	_ =	strace s4  }
0x98: {  	_ =	strace $0x8FFFFFFF  }
0x99: {  	s19 =	sld [smem:$0x3FDB];
	_ =	sdelay $0x1  }
0x9a: {  	s5 =	simm.s32 $_scs_section_size  }
0x9b: {  	s6 =	simm.s32 $_size__tile_overlayer_lowered;
	s7 =	simm.s32 $_tile_overlayer_lowered  }
0x9c: {  	s22 =	simm.s32 $0x1BFF;
	s21 =	sshll.u32 s7, $0x1;
	s4 =	sadd.s32 s5, s19  }
0x9d: {  	s8 =	simm.s32 $0x0;
	s20 =	sshll.u32 s6, $0x1;
	s6 =	sadd.s32 s21, s4  }
0x9e: {  	[timem:s8], [sflag:s22] =	dma.local [hbm:s6], s20  }
0x9f: {  	_ =	swait.ge [sflag:s22], s20  }
0xa0: {  	s5 =	ssub.s32 $0x0, s20;
	[sflag:s22] =	ssyncset.done $0x0  }
0xa1: {  	[sflag:s22] =	ssyncadd.s32 s5;
	_ =	sdelay $0x1  }
0xa2: {  	s23 =	simm.s32 $0x1B8B  }
0xa3: {  	_ =	swait.ge [sflag:s23], $0x1  }
0xa4: {  	[sflag:s23] =	ssyncset.done $0x0  }
0xa5: {  	s25 =	simm.s32 $0x1B8E;
	s24 =	sld [smem:$0x3FFE];
	[sflag:s23] =	ssyncadd.s32 $0xFFFFFFFF  }
0xa6: {  	s26 =	simm.s32 $execute0_lowered;
	[smem:$0x3FD2] =	sst s25  }
0xa7: {  	s6 =	sshll.u32 s26, $0x1;
	_ =	strace $0x80000046;
	[dreg:$0x1] =	wrdreg $0xFFFFFFFF  }
0xa8: {  	s28 =	simm.s32 $_size_execute0_lowered;
	s4 =	sadd.s32 s4, s6;
	[dreg:$0x0] =	wrdreg $0x0  }
0xa9: {  	s6 =	sshll.u32 s28, $0x1;
	[dreg:$0x2] =	wrdreg s4  }
0xaa: {  	[dreg:$0x3] =	wrdreg s6  }
0xab: {  	[dreg:$0x4] =	wrdreg $0xC0  }
0xac: {  	_ =	task [dreg:s8], $0x5FFFF  }
0xad: {  	[dreg:$0x1] =	wrdreg $0xFFFFFFFF  }
0xae: {  	[dreg:$0x0] =	wrdreg $0x60  }
0xaf: {  	[dreg:$0x2] =	wrdreg s24  }
0xb0: {  	[dreg:$0x3] =	wrdreg s2  }
0xb1: {  	[dreg:$0x4] =	wrdreg s18  }
0xb2: {  	[dreg:$0x5] =	wrdreg $0x132B00  }
0xb3: {  	[dreg:$0x6] =	wrdreg $0x9  }
0xb4: {  	_ =	task.clear_ibuf [dreg:s8], $0x7FFFF;
	_ =	strace $0x90000046  }
0xb5: {  	s29 =	simm.s32 $0x9;
	_ =	strace $0x80000048  }
0xb6: {  	_ =	swait.ge [sflag:s29], $0x1  }
0xb7: {  	[sflag:s29] =	ssyncadd.s32 $0xFFFFFFFF  }
0xb8: {  	_ =	strace $0x90000048  }
0xb9: {  	_ =	sfence  }
0xba: {  	s30 =	sld [smem:$0x0];
	_ =	sdelay $0x2  }
0xbb: {  	s31 =	sshll.u32 s1, $0xD;
	s1 =	sshrl.u32 s1, $0x2  }
0xbc: {  	s3 =	sand.u32 $0x4000, s31;
	s1 =	sadd.s32 s1, s30  }
0xbd: {  	s0 =	sor.u32 s3, s0;
	s1 =	sshll.u32 s1, $0x11  }
0xbe: {  	s0 =	sor.u32 s1, s0  }
0xbf: {  	s0 =	sadd.s32 $0x8F2B, s0  }
0xc0: {  	[sflag:s0] =	ssyncadd.remote.s32 $0x1  }
0xc1: {  	_ =	sfence.sel $0xFFFF  }
0xc2: {  	[dreg:$0x0] =	wrdreg $0xFFFFFFFF;
	(pc) =	sbr.abs _section_cstart, $3  }
0xc3: {  	[dreg:$0x1] =	wrdreg $0xFFFFFFFF  }
0xc4: {  	_ =	task.clear_ibuf [dreg:s8], $0x2FFFF;
	_ =	strace $0x9FFFFFFF  }
0xc5: {  	(tm) =	ssettm $0x7FFFFFFF  }
tec
execute0_lowered:
.L_overlay_start_1:
0x0: {  	(tag) =	ssettag $0x1  }
0x1: {  	s5 =	rddreg [dreg:$0x0]  }
0x2: {  	s12 =	rddreg [dreg:$0x1]  }
0x3: {  	s15 =	rddreg [dreg:$0x2]  }
0x4: {  	s2 =	rddreg [dreg:$0x3]  }
0x5: {  	s0 =	rddreg [dreg:$0x4]  }
0x6: {  	s3 =	simm.s32 $0x0;
	s1 =	stileid.u32;
	s4 =	srdreg.scid  }
0x7: {  	s21 =	simm.s32 $0x50;
	s22 =	simm.s32 $0xEAB0;
	s23 =	simm.s32 $0x1  }
0x8: {  	s24 =	simm.s32 $0xEA60;
	s25 =	simm.s32 $0x0;
	s13 =	smul.u32 $0x9C4, s1  }
0x9: {  	[smem:$0x7FF] =	sst s3;
	s14 =	sand.u32 $0x1, s4;
	s16 =	smul.u32 $0x9C00, s1  }
0xa: {  	s4 =	sadd.s32 $0x14400, s5;
	s9 =	sadd.s32 $0x9C000, s2;
	p1 =	sne.s32 s1, $0xF  }
0xb: {  	_ =	strace $0x80000047;
	s6 =	ssub.s32 $0x2, s14;
	s20 =	smul.u32 $0x9C400, s14  }
0xc: {  	p0 =	seq.s32 s14, $0x1;
	s11 =	sadd.s32 s13, s5;
	s7 =	sshrl.u32 s6, $0x1  }
0xd: {  	s5 =	sadd.s32 $0xA00, s5;
	s18 =	sadd.s32 $0x3400, s16;
	s19 =	sadd.s32 $0x6800, s16  }
0xe: {  	s12 =	sadd.s32 s12, s13;
	s17 =	ssub.s32 s6, s7;
	s6 =	sadd.s32 s16, s2  }
0xf: {  	s7 =	sadd.s32 s18, s2;
	s8 =	sadd.s32 s19, s2;
	s10 =	sadd.s32 $0x31C00, s11  }
0x10: {  	s16 =	sadd.s32 s16, s20;
	s11 =	sadd.s32 $0x27E00, s11;
	s29 =	sadd.s32 s20, s18  }
.Ltmp0:
0x11: {  	s30 =	sadd.s32 s20, s19;
	s31 =	sshrl.u32 s20, $0x3;
	(pc) =	sbr.rel .LBB2_1-.Ltmp0, $4  }
0x12: {  	s19 =	simm.s32 $0x2;
	s20 =	simm.s32 $0x4E20;
	s28 =	sshrl.u32 s16, $0x3  }
0x13: {  	s14 =	sshrl.u32 s29, $0x3;
	s16 =	sshrl.u32 s30, $0x3;
	s18 =	sadd.s32 s15, s31  }
0x14: {  	s17 =	smax.u32 s17, $0x1;
	s13 =	sadd.s32 s15, s28;
	s14 =	sadd.s32 s15, s14  }
0x15: {  	v0 =	vimm.f32 $0.0e+00;
	s15 =	sadd.s32 s15, s16;
	s16 =	sadd.s32 $0x13800, s18;
	s18 =	simm.s32 $0xFEB0  }
.LBB2_10:
0x16: {  	[bflag:$0x0] =	sbarrier.arrive $0xFFFF  }
0x17: {  	[tilespmem:s18], [sflag:$0x2] =	stream.linear.gather [spmem:s6], $0x3400, $0x38;
	[tilespmem:$0x1CEF0] =	vst v63  }
0x18: {  	_ =	swait.ge [sflag:s19], $0x3400  }
0x19: {  	[sflag:s19] =	ssyncset.done $0x0  }
0x1a: {  	[sflag:s19] =	ssyncadd.s32 $0xFFFFCC00  }
0x1b: {  	[hbm4b:s13+s3] =	stream.linear.scatter [tilespmem:s18], [sflag:$0x2], $0x3400, $0x38;
	[tilespmem:$0x1CEF0] =	vst v63  }
0x1c: {  	_ =	swait.ge [sflag:s19], $0x3400  }
0x1d: {  	[sflag:s19] =	ssyncset.done $0x0  }
0x1e: {  	[sflag:s19] =	ssyncadd.s32 $0xFFFFCC00  }
0x1f: {  	[tilespmem:s18], [sflag:$0x2] =	stream.linear.gather [spmem:s7], $0x3400, $0x38;
	[tilespmem:$0x1CEF0] =	vst v63  }
0x20: {  	_ =	swait.ge [sflag:s19], $0x3400  }
0x21: {  	[sflag:s19] =	ssyncset.done $0x0  }
0x22: {  	[sflag:s19] =	ssyncadd.s32 $0xFFFFCC00  }
0x23: {  	[hbm4b:s14+s3] =	stream.linear.scatter [tilespmem:s18], [sflag:$0x2], $0x3400, $0x38;
	[tilespmem:$0x1CEF0] =	vst v63  }
0x24: {  	_ =	swait.ge [sflag:s19], $0x3400  }
0x25: {  	[sflag:s19] =	ssyncset.done $0x0  }
0x26: {  	[sflag:s19] =	ssyncadd.s32 $0xFFFFCC00  }
0x27: {  	[tilespmem:s18], [sflag:$0x2] =	stream.linear.gather [spmem:s8], $0x3400, $0x38;
	[tilespmem:$0x1CEF0] =	vst v63  }
0x28: {  	_ =	swait.ge [sflag:s19], $0x3400  }
0x29: {  	[sflag:s19] =	ssyncset.done $0x0  }
0x2a: {  	[sflag:s19] =	ssyncadd.s32 $0xFFFFCC00  }
0x2b: {  	[hbm4b:s15+s3] =	stream.linear.scatter [tilespmem:s18], [sflag:$0x2], $0x3400, $0x38;
	[tilespmem:$0x1CEF0] =	vst v63  }
0x2c: {  	_ =	swait.ge [sflag:s19], $0x3400  }
0x2d: {  	[sflag:s19] =	ssyncset.done $0x0  }
0x2e: {  	s26 =	simm.s32 @!p1 $0xFEB0;
	s28 =	simm.s32 @!p1 $0x2;
	[sflag:s19] =	ssyncadd.s32 $0xFFFFCC00  }
0x2f: {  	[tilespmem:s26], [sflag:$0x2] =	stream.linear.gather @!p1 [spmem:s9], $0x400, $0x38;
	[tilespmem:$0x1CEF0] =	vst v63  }
0x30: {  	s25 =	sadd.s32 $0x1, s25;
	_ =	swait.ge @!p1 [sflag:s28], $0x400  }
0x31: {  	p2 =	sne.s32 s25, s17;
	[sflag:s28] =	ssyncset.done @!p1 $0x0  }
.Ltmp1:
0x32: {  	s29 =	simm.s32 @!p1 $0x0;
	[sflag:s28] =	ssyncadd.s32 @!p1 $0xFFFFFC00;
	(pc) =	sbr.rel @!p2 .LBB2_11-.Ltmp1, $4  }
0x33: {  	[hbm4b:s16+s29] =	stream.linear.scatter @!p1 [tilespmem:s26], [sflag:$0x2], $0x400, $0x38;
	[tilespmem:$0x1CEF0] =	vst v63  }
0x34: {  	_ =	swait.ge @!p1 [sflag:s28], $0x400  }
0x35: {  	[sflag:s28] =	ssyncset.done @!p1 $0x0  }
0x36: {  	[sflag:s28] =	ssyncadd.s32 @!p1 $0xFFFFFC00  }
.LBB2_1:
0x37: {  	s28 =	simm.s32 $0x100;
	s26 =	simm.s32 $0x0  }
.LBB2_2:
0x38: {  	p2 =	sne.s32 s28, $0xCF00;
	[tilespmem:s26+$0xFEE0] =	vst v0;
	s29 =	smov.u32 s28;
	s28 =	sadd.s32 $0x100, s28  }
.Ltmp2:
0x39: {  	[tilespmem:s26+$0xFED0] =	vst v0;
	(pc) =	sbr.rel @p2 .LBB2_2-.Ltmp2, $3  }
0x3a: {  	[tilespmem:s26+$0xFEB0] =	vst v0  }
0x3b: {  	[tilespmem:s26+$0xFEC0] =	vst v0;
	_ =	sdelay $0x1  }
0x3c: {  	s26 =	sshra.s32 s29, $0x2  }
0x3d: {  	[tilespmem:s26+$0xFEE0] =	vst v0  }
0x3e: {  	[tilespmem:s26+$0xFED0] =	vst v0  }
0x3f: {  	[tilespmem:s26+$0xFEB0] =	vst v0  }
0x40: {  	[tilespmem:s26+$0xFEC0] =	vst v0  }
0x41: {  	[spmem:s6] =	stream.linear.scatter [tilespmem:s18], [sflag:$0x2], $0x3400, $0x38;
	[tilespmem:$0x1CEF0] =	vst v63  }
0x42: {  	_ =	swait.ge [sflag:s19], $0x3400  }
0x43: {  	[sflag:s19] =	ssyncset.done $0x0  }
0x44: {  	[sflag:s19] =	ssyncadd.s32 $0xFFFFCC00  }
0x45: {  	[spmem:s7] =	stream.linear.scatter [tilespmem:s18], [sflag:$0x2], $0x3400, $0x38;
	[tilespmem:$0x1CEF0] =	vst v63  }
0x46: {  	_ =	swait.ge [sflag:s19], $0x3400  }
0x47: {  	[sflag:s19] =	ssyncset.done $0x0  }
0x48: {  	[sflag:s19] =	ssyncadd.s32 $0xFFFFCC00  }
0x49: {  	[spmem:s8] =	stream.linear.scatter [tilespmem:s18], [sflag:$0x2], $0x3400, $0x38;
	[tilespmem:$0x1CEF0] =	vst v63  }
0x4a: {  	_ =	swait.ge [sflag:s19], $0x3400  }
0x4b: {  	[sflag:s19] =	ssyncset.done $0x0  }
0x4c: {  	s26 =	simm.s32 @!p1 $0xFEB0;
	[sflag:s19] =	ssyncadd.s32 $0xFFFFCC00  }
0x4d: {  	[spmem:s9] =	stream.linear.scatter @!p1 [tilespmem:s26], [sflag:$0x2], $0x400, $0x38;
	[tilespmem:$0x1CEF0] =	vst v63  }
0x4e: {  	s26 =	simm.s32 @!p1 $0x2  }
0x4f: {  	_ =	swait.ge @!p1 [sflag:s26], $0x400  }
0x50: {  	[sflag:s26] =	ssyncset.done @!p1 $0x0  }
0x51: {  	[sflag:s26] =	ssyncadd.s32 @!p1 $0xFFFFFC00  }
0x52: {  	s26 =	simm.s32 $0x0;
	[bflag:$0x0] =	sbarrier.arrive $0xFFFF  }
0x53: {  	[tilespmem:s26], [sflag:$0x2] =	stream.linear.gather [hbm4b:s10+s26], $0x4E20, $0x38;
	[tilespmem:$0x1CEF0] =	vst v63  }
0x54: {  	_ =	swait.ge [sflag:s19], $0x4E20  }
0x55: {  	[sflag:s19] =	ssyncset.done $0x0  }
0x56: {  	[sflag:s19] =	ssyncadd.s32 $0xFFFFB1E0  }
0x57: {  	[tilespmem:s20], [sflag:$0x2] =	stream.linear.gather [hbm4b:s11+s26], $0x4E20, $0x38;
	[tilespmem:$0x1CEF0] =	vst v63  }
0x58: {  	_ =	swait.ge [sflag:s19], $0x4E20  }
0x59: {  	[sflag:s19] =	ssyncset.done $0x0  }
.Ltmp3:
0x5a: {  	s28 =	simm.s32 $0x9C40;
	[sflag:s19] =	ssyncadd.s32 $0xFFFFB1E0;
	(pc) =	sbr.rel @!p0 .LBB2_4-.Ltmp3, $4  }
0x5b: {  	[tilespmem:s28], [sflag:$0x2] =	stream.linear.gather [hbm4b:s12+s26], $0x4E20, $0x38;
	[tilespmem:$0x1CEF0] =	vst v63  }
0x5c: {  	_ =	swait.ge [sflag:s19], $0x4E20  }
0x5d: {  	[sflag:s19] =	ssyncset.done $0x0  }
0x5e: {  	[sflag:s19] =	ssyncadd.s32 $0xFFFFB1E0  }
.LBB2_7:
0x5f: {  	s29 =	smul.u32 $0x50, s26;
	_ =	sdelay $0x1  }
0x60: {  	[tilespmem:s22], [sflag:$0x1] =	stream.indirect.gather [hbm4b:s5+s21], $0x40, s29, s21, $0xb8;
	[tilespmem:$0x1CEF0] =	vst v63  }
0x61: {  	_ =	swait.ge [sflag:s23], $0x1400  }
0x62: {  	[sflag:s23] =	ssyncset.done $0x0  }
0x63: {  	[sflag:s23] =	ssyncadd.s32 $0xFFFFEC00  }
0x64: {  	v1 =	vld [tilespmem:s29+$0x4E20];
	_ =	sdelay $0x4  }
0x65: {  	[tilespmem:$0xEA60] =	vst v1  }
0x66: {  	v1 =	vld [tilespmem:s29+$0x4E30];
	_ =	sdelay $0x4  }
0x67: {  	[tilespmem:$0xEA70] =	vst v1  }
0x68: {  	v1 =	vld [tilespmem:s29+$0x4E40];
	_ =	sdelay $0x4  }
0x69: {  	[tilespmem:$0xEA80] =	vst v1  }
0x6a: {  	v1 =	vld [tilespmem:s29+$0x4E50];
	_ =	sdelay $0x4  }
0x6b: {  	[tilespmem:$0xEA90] =	vst v1  }
0x6c: {  	v1 =	vld [tilespmem:s29+$0x4E60];
	_ =	sdelay $0x4  }
0x6d: {  	[tilespmem:$0xEAA0] =	vst v1;
	v1 =	vmov s28;
	_ =	sdelay $0x2  }
0x6e: {  	s30 =	simm.s32 $0x0;
	s29 =	simm.s32 $0xECB0  }
.LBB2_8:
0x6f: {  	s31 =	sshra.s32 s30, $0x2  }
0x70: {  	v2 =	vld.idx.msk [tilespmem:v1+s31+$0x0 ss:$0x1], $0xffff;
	_ =	sdelay $0x1  }
0x71: {  	v3 =	vld [tilespmem:s29+$0xFFFFFE00];
	_ =	sdelay $0x2  }
0x72: {  	v4 =	vbroadcast v2, $0x0;
	_ =	sdelay $0x1  }
0x73: {  	v3 =	vmul.f32 v4, v3;
	_ =	sdelay $0x1  }
0x74: {  	[tilespmem:s29+$0xFFFFFE00] =	vst v3;
	v3 =	vld [tilespmem:s29+$0xFFFFFE10];
	_ =	sdelay $0x4  }
0x75: {  	v3 =	vmul.f32 v3, v4;
	_ =	sdelay $0x1  }
0x76: {  	[tilespmem:s29+$0xFFFFFE10] =	vst v3;
	v3 =	vld [tilespmem:s29+$0xFFFFFE20];
	_ =	sdelay $0x4  }
0x77: {  	v3 =	vmul.f32 v3, v4;
	_ =	sdelay $0x1  }
0x78: {  	[tilespmem:s29+$0xFFFFFE20] =	vst v3;
	v3 =	vld [tilespmem:s29+$0xFFFFFE30];
	_ =	sdelay $0x4  }
0x79: {  	v3 =	vmul.f32 v3, v4;
	_ =	sdelay $0x1  }
0x7a: {  	[tilespmem:s29+$0xFFFFFE30] =	vst v3;
	v3 =	vld [tilespmem:s29+$0xFFFFFE40];
	_ =	sdelay $0x2  }
0x7b: {  	v50 =	vbroadcast v2, $0x1;
	_ =	sdelay $0x1  }
0x7c: {  	v3 =	vmul.f32 v3, v50;
	_ =	sdelay $0x1  }
0x7d: {  	[tilespmem:s29+$0xFFFFFE40] =	vst v3;
	v3 =	vld [tilespmem:s29+$0xFFFFFE50];
	_ =	sdelay $0x4  }
0x7e: {  	v3 =	vmul.f32 v3, v50;
	_ =	sdelay $0x1  }
0x7f: {  	[tilespmem:s29+$0xFFFFFE50] =	vst v3;
	v3 =	vld [tilespmem:s29+$0xFFFFFE60];
	_ =	sdelay $0x4  }
0x80: {  	v3 =	vmul.f32 v3, v50;
	_ =	sdelay $0x1  }
0x81: {  	[tilespmem:s29+$0xFFFFFE60] =	vst v3;
	v3 =	vld [tilespmem:s29+$0xFFFFFE70];
	_ =	sdelay $0x4  }
0x82: {  	v3 =	vmul.f32 v3, v50;
	_ =	sdelay $0x1  }
0x83: {  	[tilespmem:s29+$0xFFFFFE70] =	vst v3;
	v3 =	vld [tilespmem:s29+$0xFFFFFE80];
	_ =	sdelay $0x2  }
0x84: {  	v51 =	vbroadcast v2, $0x2;
	_ =	sdelay $0x1  }
0x85: {  	v3 =	vmul.f32 v3, v51;
	_ =	sdelay $0x1  }
0x86: {  	[tilespmem:s29+$0xFFFFFE80] =	vst v3;
	v3 =	vld [tilespmem:s29+$0xFFFFFE90];
	_ =	sdelay $0x4  }
0x87: {  	v3 =	vmul.f32 v3, v51;
	_ =	sdelay $0x1  }
0x88: {  	[tilespmem:s29+$0xFFFFFE90] =	vst v3;
	v3 =	vld [tilespmem:s29+$0xFFFFFEA0];
	_ =	sdelay $0x4  }
0x89: {  	v3 =	vmul.f32 v3, v51;
	_ =	sdelay $0x1  }
0x8a: {  	[tilespmem:s29+$0xFFFFFEA0] =	vst v3;
	v3 =	vld [tilespmem:s29+$0xFFFFFEB0];
	_ =	sdelay $0x4  }
0x8b: {  	v3 =	vmul.f32 v3, v51;
	_ =	sdelay $0x1  }
0x8c: {  	[tilespmem:s29+$0xFFFFFEB0] =	vst v3;
	v3 =	vld [tilespmem:s29+$0xFFFFFEC0];
	_ =	sdelay $0x2  }
0x8d: {  	v52 =	vbroadcast v2, $0x3;
	_ =	sdelay $0x1  }
0x8e: {  	v3 =	vmul.f32 v3, v52;
	_ =	sdelay $0x1  }
0x8f: {  	[tilespmem:s29+$0xFFFFFEC0] =	vst v3;
	v3 =	vld [tilespmem:s29+$0xFFFFFED0];
	_ =	sdelay $0x4  }
0x90: {  	v3 =	vmul.f32 v3, v52;
	_ =	sdelay $0x1  }
0x91: {  	[tilespmem:s29+$0xFFFFFED0] =	vst v3;
	v3 =	vld [tilespmem:s29+$0xFFFFFEE0];
	_ =	sdelay $0x4  }
0x92: {  	v3 =	vmul.f32 v3, v52;
	_ =	sdelay $0x1  }
0x93: {  	[tilespmem:s29+$0xFFFFFEE0] =	vst v3;
	v3 =	vld [tilespmem:s29+$0xFFFFFEF0];
	_ =	sdelay $0x4  }
0x94: {  	v3 =	vmul.f32 v3, v52;
	_ =	sdelay $0x1  }
0x95: {  	[tilespmem:s29+$0xFFFFFEF0] =	vst v3;
	v3 =	vld [tilespmem:s29+$0xFFFFFF00];
	_ =	sdelay $0x2  }
0x96: {  	v53 =	vbroadcast v2, $0x4;
	_ =	sdelay $0x1  }
0x97: {  	v3 =	vmul.f32 v3, v53;
	_ =	sdelay $0x1  }
0x98: {  	[tilespmem:s29+$0xFFFFFF00] =	vst v3;
	v3 =	vld [tilespmem:s29+$0xFFFFFF10];
	_ =	sdelay $0x4  }
0x99: {  	v3 =	vmul.f32 v3, v53;
	_ =	sdelay $0x1  }
0x9a: {  	[tilespmem:s29+$0xFFFFFF10] =	vst v3;
	v3 =	vld [tilespmem:s29+$0xFFFFFF20];
	_ =	sdelay $0x4  }
0x9b: {  	v3 =	vmul.f32 v3, v53;
	_ =	sdelay $0x1  }
0x9c: {  	[tilespmem:s29+$0xFFFFFF20] =	vst v3;
	v3 =	vld [tilespmem:s29+$0xFFFFFF30];
	_ =	sdelay $0x4  }
0x9d: {  	v3 =	vmul.f32 v3, v53;
	_ =	sdelay $0x1  }
0x9e: {  	[tilespmem:s29+$0xFFFFFF30] =	vst v3;
	v3 =	vld [tilespmem:s29+$0xFFFFFF40];
	_ =	sdelay $0x2  }
0x9f: {  	v54 =	vbroadcast v2, $0x5;
	_ =	sdelay $0x1  }
0xa0: {  	v3 =	vmul.f32 v3, v54;
	_ =	sdelay $0x1  }
0xa1: {  	[tilespmem:s29+$0xFFFFFF40] =	vst v3;
	v3 =	vld [tilespmem:s29+$0xFFFFFF50];
	_ =	sdelay $0x4  }
0xa2: {  	v3 =	vmul.f32 v3, v54;
	_ =	sdelay $0x1  }
0xa3: {  	[tilespmem:s29+$0xFFFFFF50] =	vst v3;
	v3 =	vld [tilespmem:s29+$0xFFFFFF60];
	_ =	sdelay $0x4  }
0xa4: {  	v3 =	vmul.f32 v3, v54;
	_ =	sdelay $0x1  }
0xa5: {  	[tilespmem:s29+$0xFFFFFF60] =	vst v3;
	v3 =	vld [tilespmem:s29+$0xFFFFFF70];
	_ =	sdelay $0x4  }
0xa6: {  	v3 =	vmul.f32 v3, v54;
	_ =	sdelay $0x1  }
0xa7: {  	[tilespmem:s29+$0xFFFFFF70] =	vst v3;
	v3 =	vld [tilespmem:s29+$0xFFFFFF80];
	_ =	sdelay $0x2  }
0xa8: {  	v55 =	vbroadcast v2, $0x6;
	_ =	sdelay $0x1  }
0xa9: {  	v3 =	vmul.f32 v3, v55;
	_ =	sdelay $0x1  }
0xaa: {  	[tilespmem:s29+$0xFFFFFF80] =	vst v3;
	v3 =	vld [tilespmem:s29+$0xFFFFFF90];
	_ =	sdelay $0x4  }
0xab: {  	v3 =	vmul.f32 v3, v55;
	_ =	sdelay $0x1  }
0xac: {  	[tilespmem:s29+$0xFFFFFF90] =	vst v3;
	v3 =	vld [tilespmem:s29+$0xFFFFFFA0];
	_ =	sdelay $0x4  }
0xad: {  	v3 =	vmul.f32 v3, v55;
	_ =	sdelay $0x1  }
0xae: {  	[tilespmem:s29+$0xFFFFFFA0] =	vst v3;
	v3 =	vld [tilespmem:s29+$0xFFFFFFB0];
	_ =	sdelay $0x4  }
0xaf: {  	v3 =	vmul.f32 v3, v55;
	_ =	sdelay $0x1  }
0xb0: {  	[tilespmem:s29+$0xFFFFFFB0] =	vst v3;
	v3 =	vld [tilespmem:s29+$0xFFFFFFC0];
	_ =	sdelay $0x2  }
0xb1: {  	v56 =	vbroadcast v2, $0x7;
	_ =	sdelay $0x1  }
0xb2: {  	v3 =	vmul.f32 v3, v56;
	_ =	sdelay $0x1  }
0xb3: {  	[tilespmem:s29+$0xFFFFFFC0] =	vst v3;
	v3 =	vld [tilespmem:s29+$0xFFFFFFD0];
	_ =	sdelay $0x4  }
0xb4: {  	v3 =	vmul.f32 v3, v56;
	_ =	sdelay $0x1  }
0xb5: {  	[tilespmem:s29+$0xFFFFFFD0] =	vst v3;
	v3 =	vld [tilespmem:s29+$0xFFFFFFE0];
	_ =	sdelay $0x4  }
0xb6: {  	v3 =	vmul.f32 v3, v56;
	_ =	sdelay $0x1  }
0xb7: {  	[tilespmem:s29+$0xFFFFFFE0] =	vst v3;
	v3 =	vld [tilespmem:s29+$0xFFFFFFF0];
	_ =	sdelay $0x4  }
0xb8: {  	v3 =	vmul.f32 v3, v56;
	_ =	sdelay $0x1  }
0xb9: {  	[tilespmem:s29+$0xFFFFFFF0] =	vst v3;
	v3 =	vld [tilespmem:s29+$0x0];
	_ =	sdelay $0x2  }
0xba: {  	v57 =	vbroadcast v2, $0x8;
	_ =	sdelay $0x1  }
0xbb: {  	v3 =	vmul.f32 v3, v57;
	_ =	sdelay $0x1  }
0xbc: {  	[tilespmem:s29+$0x0] =	vst v3;
	v3 =	vld [tilespmem:s29+$0x10];
	_ =	sdelay $0x4  }
0xbd: {  	v3 =	vmul.f32 v3, v57;
	_ =	sdelay $0x1  }
0xbe: {  	[tilespmem:s29+$0x10] =	vst v3;
	v3 =	vld [tilespmem:s29+$0x20];
	_ =	sdelay $0x4  }
0xbf: {  	v3 =	vmul.f32 v3, v57;
	_ =	sdelay $0x1  }
0xc0: {  	[tilespmem:s29+$0x20] =	vst v3;
	v3 =	vld [tilespmem:s29+$0x30];
	_ =	sdelay $0x4  }
0xc1: {  	v3 =	vmul.f32 v3, v57;
	_ =	sdelay $0x1  }
0xc2: {  	[tilespmem:s29+$0x30] =	vst v3;
	v3 =	vld [tilespmem:s29+$0x40];
	_ =	sdelay $0x2  }
0xc3: {  	v58 =	vbroadcast v2, $0x9;
	_ =	sdelay $0x1  }
0xc4: {  	v3 =	vmul.f32 v3, v58;
	_ =	sdelay $0x1  }
0xc5: {  	[tilespmem:s29+$0x40] =	vst v3;
	v3 =	vld [tilespmem:s29+$0x50];
	_ =	sdelay $0x4  }
0xc6: {  	v3 =	vmul.f32 v3, v58;
	_ =	sdelay $0x1  }
0xc7: {  	[tilespmem:s29+$0x50] =	vst v3;
	v3 =	vld [tilespmem:s29+$0x60];
	_ =	sdelay $0x4  }
0xc8: {  	v3 =	vmul.f32 v3, v58;
	_ =	sdelay $0x1  }
0xc9: {  	[tilespmem:s29+$0x60] =	vst v3;
	v3 =	vld [tilespmem:s29+$0x70];
	_ =	sdelay $0x4  }
0xca: {  	v3 =	vmul.f32 v3, v58;
	_ =	sdelay $0x1  }
0xcb: {  	[tilespmem:s29+$0x70] =	vst v3;
	v3 =	vld [tilespmem:s29+$0x80];
	_ =	sdelay $0x2  }
0xcc: {  	v59 =	vbroadcast v2, $0xA;
	_ =	sdelay $0x1  }
0xcd: {  	v3 =	vmul.f32 v3, v59;
	_ =	sdelay $0x1  }
0xce: {  	[tilespmem:s29+$0x80] =	vst v3;
	v3 =	vld [tilespmem:s29+$0x90];
	_ =	sdelay $0x4  }
0xcf: {  	v3 =	vmul.f32 v3, v59;
	_ =	sdelay $0x1  }
0xd0: {  	[tilespmem:s29+$0x90] =	vst v3;
	v3 =	vld [tilespmem:s29+$0xA0];
	_ =	sdelay $0x4  }
0xd1: {  	v3 =	vmul.f32 v3, v59;
	_ =	sdelay $0x1  }
0xd2: {  	[tilespmem:s29+$0xA0] =	vst v3;
	v3 =	vld [tilespmem:s29+$0xB0];
	_ =	sdelay $0x4  }
0xd3: {  	v3 =	vmul.f32 v3, v59;
	_ =	sdelay $0x1  }
0xd4: {  	[tilespmem:s29+$0xB0] =	vst v3;
	v3 =	vld [tilespmem:s29+$0xC0];
	_ =	sdelay $0x2  }
0xd5: {  	v60 =	vbroadcast v2, $0xB;
	_ =	sdelay $0x1  }
0xd6: {  	v3 =	vmul.f32 v3, v60;
	_ =	sdelay $0x1  }
0xd7: {  	[tilespmem:s29+$0xC0] =	vst v3;
	v3 =	vld [tilespmem:s29+$0xD0];
	_ =	sdelay $0x4  }
0xd8: {  	v3 =	vmul.f32 v3, v60;
	_ =	sdelay $0x1  }
0xd9: {  	[tilespmem:s29+$0xD0] =	vst v3;
	v3 =	vld [tilespmem:s29+$0xE0];
	_ =	sdelay $0x4  }
0xda: {  	v3 =	vmul.f32 v3, v60;
	_ =	sdelay $0x1  }
0xdb: {  	[tilespmem:s29+$0xE0] =	vst v3;
	v3 =	vld [tilespmem:s29+$0xF0];
	_ =	sdelay $0x4  }
0xdc: {  	v3 =	vmul.f32 v3, v60;
	_ =	sdelay $0x1  }
0xdd: {  	[tilespmem:s29+$0xF0] =	vst v3;
	v3 =	vld [tilespmem:s29+$0x100];
	_ =	sdelay $0x2  }
0xde: {  	v61 =	vbroadcast v2, $0xC;
	_ =	sdelay $0x1  }
0xdf: {  	v3 =	vmul.f32 v3, v61;
	_ =	sdelay $0x1  }
0xe0: {  	[tilespmem:s29+$0x100] =	vst v3;
	v3 =	vld [tilespmem:s29+$0x110];
	_ =	sdelay $0x4  }
0xe1: {  	v3 =	vmul.f32 v3, v61;
	_ =	sdelay $0x1  }
0xe2: {  	[tilespmem:s29+$0x110] =	vst v3;
	v3 =	vld [tilespmem:s29+$0x120];
	_ =	sdelay $0x4  }
0xe3: {  	v3 =	vmul.f32 v3, v61;
	_ =	sdelay $0x1  }
0xe4: {  	[tilespmem:s29+$0x120] =	vst v3;
	v3 =	vld [tilespmem:s29+$0x130];
	_ =	sdelay $0x4  }
0xe5: {  	v3 =	vmul.f32 v3, v61;
	_ =	sdelay $0x1  }
0xe6: {  	[tilespmem:s29+$0x130] =	vst v3;
	v3 =	vld [tilespmem:s29+$0x140];
	_ =	sdelay $0x2  }
0xe7: {  	v62 =	vbroadcast v2, $0xD;
	_ =	sdelay $0x1  }
0xe8: {  	v3 =	vmul.f32 v3, v62;
	_ =	sdelay $0x1  }
0xe9: {  	[tilespmem:s29+$0x140] =	vst v3;
	v3 =	vld [tilespmem:s29+$0x150];
	_ =	sdelay $0x4  }
0xea: {  	v3 =	vmul.f32 v3, v62;
	_ =	sdelay $0x1  }
0xeb: {  	[tilespmem:s29+$0x150] =	vst v3;
	v3 =	vld [tilespmem:s29+$0x160];
	_ =	sdelay $0x4  }
0xec: {  	v3 =	vmul.f32 v3, v62;
	_ =	sdelay $0x1  }
0xed: {  	[tilespmem:s29+$0x160] =	vst v3;
	v3 =	vld [tilespmem:s29+$0x170];
	_ =	sdelay $0x4  }
0xee: {  	v3 =	vmul.f32 v3, v62;
	_ =	sdelay $0x1  }
0xef: {  	[tilespmem:s29+$0x170] =	vst v3;
	v3 =	vld [tilespmem:s29+$0x180];
	_ =	sdelay $0x2  }
0xf0: {  	v63 =	vbroadcast v2, $0xE;
	_ =	sdelay $0x1  }
0xf1: {  	v3 =	vmul.f32 v3, v63;
	_ =	sdelay $0x1  }
0xf2: {  	[tilespmem:s29+$0x180] =	vst v3;
	v3 =	vld [tilespmem:s29+$0x190];
	_ =	sdelay $0x4  }
0xf3: {  	v3 =	vmul.f32 v3, v63;
	_ =	sdelay $0x1  }
0xf4: {  	[tilespmem:s29+$0x190] =	vst v3;
	v3 =	vld [tilespmem:s29+$0x1A0];
	_ =	sdelay $0x4  }
0xf5: {  	v3 =	vmul.f32 v3, v63;
	_ =	sdelay $0x1  }
0xf6: {  	[tilespmem:s29+$0x1A0] =	vst v3;
	v3 =	vld [tilespmem:s29+$0x1B0];
	_ =	sdelay $0x4  }
0xf7: {  	v3 =	vmul.f32 v3, v63;
	_ =	sdelay $0x1  }
0xf8: {  	[tilespmem:s29+$0x1B0] =	vst v3;
	v3 =	vld [tilespmem:s29+$0x1C0];
	_ =	sdelay $0x2  }
0xf9: {  	v2 =	vbroadcast v2, $0xF;
	_ =	sdelay $0x1  }
0xfa: {  	v3 =	vmul.f32 v3, v2;
	_ =	sdelay $0x1  }
0xfb: {  	[tilespmem:s29+$0x1C0] =	vst v3;
	v3 =	vld [tilespmem:s29+$0x1D0];
	_ =	sdelay $0x4  }
0xfc: {  	v3 =	vmul.f32 v3, v2;
	_ =	sdelay $0x1  }
0xfd: {  	[tilespmem:s29+$0x1D0] =	vst v3;
	v3 =	vld [tilespmem:s29+$0x1E0];
	_ =	sdelay $0x4  }
0xfe: {  	v3 =	vmul.f32 v3, v2;
	_ =	sdelay $0x1  }
0xff: {  	[tilespmem:s29+$0x1E0] =	vst v3;
	v3 =	vld [tilespmem:s29+$0x1F0];
	_ =	sdelay $0x1  }
0x100: {  	p2 =	sne.s32 s30, $0x100  }
.Ltmp4:
0x101: {  	_ = 	snop;
	(pc) =	sbr.rel @p2 .LBB2_8-.Ltmp4, $3  }
0x102: {  	_ = 	snop  }
0x103: {  	v2 =	vmul.f32 v3, v2;
	_ =	sdelay $0x1  }
0x104: {  	s30 =	sadd.s32 $0x40, s30;
	[tilespmem:s29+$0x1F0] =	vst v2;
	s29 =	sadd.s32 $0x400, s29  }
0x105: {  	[spmem:s2] =	stream.indirect.scatter.add.f32 [tilespmem:s22], [sflag:$0x2], $0x40, s24, s21, $0xb8;
	[tilespmem:$0x1CEF0] =	vst v63  }
0x106: {  	s26 =	sadd.s32 $0x1, s26  }
0x107: {  	p2 =	sne.s32 s26, $0xFA  }
.Ltmp5:
0x108: {  	_ = 	snop;
	(pc) =	sbr.rel @p2 .LBB2_7-.Ltmp5, $4  }
.Ltmp6:
0x109: {  	_ = 	snop;
	(pc) =	sbr.rel @!p2 .LBB2_10-.Ltmp6, $4  }
0x10a: {  	_ =	swait.ge [sflag:s19], $0x1400  }
0x10b: {  	[sflag:s19] =	ssyncset.done $0x0  }
0x10c: {  	s28 =	sadd.s32 $0x50, s28;
	[sflag:s19] =	ssyncadd.s32 $0xFFFFEC00  }
0x10d: {  	_ = 	snop  }
.LBB2_4:
0x10e: {  	s29 =	smul.u32 $0x50, s26;
	_ =	sdelay $0x1  }
0x10f: {  	[tilespmem:s22], [sflag:$0x1] =	stream.indirect.gather [hbm4b:s4+s21], $0x40, s29, s21, $0xb8;
	[tilespmem:$0x1CEF0] =	vst v63  }
0x110: {  	_ =	swait.ge [sflag:s23], $0x1400  }
0x111: {  	[sflag:s23] =	ssyncset.done $0x0  }
0x112: {  	[sflag:s23] =	ssyncadd.s32 $0xFFFFEC00  }
0x113: {  	v1 =	vld [tilespmem:s29+$0x4E20];
	_ =	sdelay $0x4  }
0x114: {  	[tilespmem:$0xEA60] =	vst v1  }
0x115: {  	v1 =	vld [tilespmem:s29+$0x4E30];
	_ =	sdelay $0x4  }
0x116: {  	[tilespmem:$0xEA70] =	vst v1  }
0x117: {  	v1 =	vld [tilespmem:s29+$0x4E40];
	_ =	sdelay $0x4  }
0x118: {  	[tilespmem:$0xEA80] =	vst v1  }
0x119: {  	v1 =	vld [tilespmem:s29+$0x4E50];
	_ =	sdelay $0x4  }
0x11a: {  	[tilespmem:$0xEA90] =	vst v1  }
0x11b: {  	v1 =	vld [tilespmem:s29+$0x4E60];
	_ =	sdelay $0x4  }
0x11c: {  	[tilespmem:$0xEAA0] =	vst v1;
	v1 =	vmov s28;
	_ =	sdelay $0x2  }
0x11d: {  	s30 =	simm.s32 $0x0;
	s29 =	simm.s32 $0xECB0  }
.LBB2_5:
0x11e: {  	s31 =	sshra.s32 s30, $0x2  }
0x11f: {  	v2 =	vld.idx.msk [tilespmem:v1+s31+$0x0 ss:$0x1], $0xffff;
	_ =	sdelay $0x1  }
0x120: {  	v3 =	vld [tilespmem:s29+$0xFFFFFE00];
	_ =	sdelay $0x2  }
0x121: {  	v4 =	vbroadcast v2, $0x0;
	_ =	sdelay $0x1  }
0x122: {  	v3 =	vmul.f32 v4, v3;
	_ =	sdelay $0x1  }
0x123: {  	[tilespmem:s29+$0xFFFFFE00] =	vst v3;
	v3 =	vld [tilespmem:s29+$0xFFFFFE10];
	_ =	sdelay $0x4  }
0x124: {  	v3 =	vmul.f32 v3, v4;
	_ =	sdelay $0x1  }
0x125: {  	[tilespmem:s29+$0xFFFFFE10] =	vst v3;
	v3 =	vld [tilespmem:s29+$0xFFFFFE20];
	_ =	sdelay $0x4  }
0x126: {  	v3 =	vmul.f32 v3, v4;
	_ =	sdelay $0x1  }
0x127: {  	[tilespmem:s29+$0xFFFFFE20] =	vst v3;
	v3 =	vld [tilespmem:s29+$0xFFFFFE30];
	_ =	sdelay $0x4  }
0x128: {  	v3 =	vmul.f32 v3, v4;
	_ =	sdelay $0x1  }
0x129: {  	[tilespmem:s29+$0xFFFFFE30] =	vst v3;
	v3 =	vld [tilespmem:s29+$0xFFFFFE40];
	_ =	sdelay $0x2  }
0x12a: {  	v50 =	vbroadcast v2, $0x1;
	_ =	sdelay $0x1  }
0x12b: {  	v3 =	vmul.f32 v3, v50;
	_ =	sdelay $0x1  }
0x12c: {  	[tilespmem:s29+$0xFFFFFE40] =	vst v3;
	v3 =	vld [tilespmem:s29+$0xFFFFFE50];
	_ =	sdelay $0x4  }
0x12d: {  	v3 =	vmul.f32 v3, v50;
	_ =	sdelay $0x1  }
0x12e: {  	[tilespmem:s29+$0xFFFFFE50] =	vst v3;
	v3 =	vld [tilespmem:s29+$0xFFFFFE60];
	_ =	sdelay $0x4  }
0x12f: {  	v3 =	vmul.f32 v3, v50;
	_ =	sdelay $0x1  }
0x130: {  	[tilespmem:s29+$0xFFFFFE60] =	vst v3;
	v3 =	vld [tilespmem:s29+$0xFFFFFE70];
	_ =	sdelay $0x4  }
0x131: {  	v3 =	vmul.f32 v3, v50;
	_ =	sdelay $0x1  }
0x132: {  	[tilespmem:s29+$0xFFFFFE70] =	vst v3;
	v3 =	vld [tilespmem:s29+$0xFFFFFE80];
	_ =	sdelay $0x2  }
0x133: {  	v51 =	vbroadcast v2, $0x2;
	_ =	sdelay $0x1  }
0x134: {  	v3 =	vmul.f32 v3, v51;
	_ =	sdelay $0x1  }
0x135: {  	[tilespmem:s29+$0xFFFFFE80] =	vst v3;
	v3 =	vld [tilespmem:s29+$0xFFFFFE90];
	_ =	sdelay $0x4  }
0x136: {  	v3 =	vmul.f32 v3, v51;
	_ =	sdelay $0x1  }
0x137: {  	[tilespmem:s29+$0xFFFFFE90] =	vst v3;
	v3 =	vld [tilespmem:s29+$0xFFFFFEA0];
	_ =	sdelay $0x4  }
0x138: {  	v3 =	vmul.f32 v3, v51;
	_ =	sdelay $0x1  }
0x139: {  	[tilespmem:s29+$0xFFFFFEA0] =	vst v3;
	v3 =	vld [tilespmem:s29+$0xFFFFFEB0];
	_ =	sdelay $0x4  }
0x13a: {  	v3 =	vmul.f32 v3, v51;
	_ =	sdelay $0x1  }
0x13b: {  	[tilespmem:s29+$0xFFFFFEB0] =	vst v3;
	v3 =	vld [tilespmem:s29+$0xFFFFFEC0];
	_ =	sdelay $0x2  }
0x13c: {  	v52 =	vbroadcast v2, $0x3;
	_ =	sdelay $0x1  }
0x13d: {  	v3 =	vmul.f32 v3, v52;
	_ =	sdelay $0x1  }
0x13e: {  	[tilespmem:s29+$0xFFFFFEC0] =	vst v3;
	v3 =	vld [tilespmem:s29+$0xFFFFFED0];
	_ =	sdelay $0x4  }
0x13f: {  	v3 =	vmul.f32 v3, v52;
	_ =	sdelay $0x1  }
0x140: {  	[tilespmem:s29+$0xFFFFFED0] =	vst v3;
	v3 =	vld [tilespmem:s29+$0xFFFFFEE0];
	_ =	sdelay $0x4  }
0x141: {  	v3 =	vmul.f32 v3, v52;
	_ =	sdelay $0x1  }
0x142: {  	[tilespmem:s29+$0xFFFFFEE0] =	vst v3;
	v3 =	vld [tilespmem:s29+$0xFFFFFEF0];
	_ =	sdelay $0x4  }
0x143: {  	v3 =	vmul.f32 v3, v52;
	_ =	sdelay $0x1  }
0x144: {  	[tilespmem:s29+$0xFFFFFEF0] =	vst v3;
	v3 =	vld [tilespmem:s29+$0xFFFFFF00];
	_ =	sdelay $0x2  }
0x145: {  	v53 =	vbroadcast v2, $0x4;
	_ =	sdelay $0x1  }
0x146: {  	v3 =	vmul.f32 v3, v53;
	_ =	sdelay $0x1  }
0x147: {  	[tilespmem:s29+$0xFFFFFF00] =	vst v3;
	v3 =	vld [tilespmem:s29+$0xFFFFFF10];
	_ =	sdelay $0x4  }
0x148: {  	v3 =	vmul.f32 v3, v53;
	_ =	sdelay $0x1  }
0x149: {  	[tilespmem:s29+$0xFFFFFF10] =	vst v3;
	v3 =	vld [tilespmem:s29+$0xFFFFFF20];
	_ =	sdelay $0x4  }
0x14a: {  	v3 =	vmul.f32 v3, v53;
	_ =	sdelay $0x1  }
0x14b: {  	[tilespmem:s29+$0xFFFFFF20] =	vst v3;
	v3 =	vld [tilespmem:s29+$0xFFFFFF30];
	_ =	sdelay $0x4  }
0x14c: {  	v3 =	vmul.f32 v3, v53;
	_ =	sdelay $0x1  }
0x14d: {  	[tilespmem:s29+$0xFFFFFF30] =	vst v3;
	v3 =	vld [tilespmem:s29+$0xFFFFFF40];
	_ =	sdelay $0x2  }
0x14e: {  	v54 =	vbroadcast v2, $0x5;
	_ =	sdelay $0x1  }
0x14f: {  	v3 =	vmul.f32 v3, v54;
	_ =	sdelay $0x1  }
0x150: {  	[tilespmem:s29+$0xFFFFFF40] =	vst v3;
	v3 =	vld [tilespmem:s29+$0xFFFFFF50];
	_ =	sdelay $0x4  }
0x151: {  	v3 =	vmul.f32 v3, v54;
	_ =	sdelay $0x1  }
0x152: {  	[tilespmem:s29+$0xFFFFFF50] =	vst v3;
	v3 =	vld [tilespmem:s29+$0xFFFFFF60];
	_ =	sdelay $0x4  }
0x153: {  	v3 =	vmul.f32 v3, v54;
	_ =	sdelay $0x1  }
0x154: {  	[tilespmem:s29+$0xFFFFFF60] =	vst v3;
	v3 =	vld [tilespmem:s29+$0xFFFFFF70];
	_ =	sdelay $0x4  }
0x155: {  	v3 =	vmul.f32 v3, v54;
	_ =	sdelay $0x1  }
0x156: {  	[tilespmem:s29+$0xFFFFFF70] =	vst v3;
	v3 =	vld [tilespmem:s29+$0xFFFFFF80];
	_ =	sdelay $0x2  }
0x157: {  	v55 =	vbroadcast v2, $0x6;
	_ =	sdelay $0x1  }
0x158: {  	v3 =	vmul.f32 v3, v55;
	_ =	sdelay $0x1  }
0x159: {  	[tilespmem:s29+$0xFFFFFF80] =	vst v3;
	v3 =	vld [tilespmem:s29+$0xFFFFFF90];
	_ =	sdelay $0x4  }
0x15a: {  	v3 =	vmul.f32 v3, v55;
	_ =	sdelay $0x1  }
0x15b: {  	[tilespmem:s29+$0xFFFFFF90] =	vst v3;
	v3 =	vld [tilespmem:s29+$0xFFFFFFA0];
	_ =	sdelay $0x4  }
0x15c: {  	v3 =	vmul.f32 v3, v55;
	_ =	sdelay $0x1  }
0x15d: {  	[tilespmem:s29+$0xFFFFFFA0] =	vst v3;
	v3 =	vld [tilespmem:s29+$0xFFFFFFB0];
	_ =	sdelay $0x4  }
0x15e: {  	v3 =	vmul.f32 v3, v55;
	_ =	sdelay $0x1  }
0x15f: {  	[tilespmem:s29+$0xFFFFFFB0] =	vst v3;
	v3 =	vld [tilespmem:s29+$0xFFFFFFC0];
	_ =	sdelay $0x2  }
0x160: {  	v56 =	vbroadcast v2, $0x7;
	_ =	sdelay $0x1  }
0x161: {  	v3 =	vmul.f32 v3, v56;
	_ =	sdelay $0x1  }
0x162: {  	[tilespmem:s29+$0xFFFFFFC0] =	vst v3;
	v3 =	vld [tilespmem:s29+$0xFFFFFFD0];
	_ =	sdelay $0x4  }
0x163: {  	v3 =	vmul.f32 v3, v56;
	_ =	sdelay $0x1  }
0x164: {  	[tilespmem:s29+$0xFFFFFFD0] =	vst v3;
	v3 =	vld [tilespmem:s29+$0xFFFFFFE0];
	_ =	sdelay $0x4  }
0x165: {  	v3 =	vmul.f32 v3, v56;
	_ =	sdelay $0x1  }
0x166: {  	[tilespmem:s29+$0xFFFFFFE0] =	vst v3;
	v3 =	vld [tilespmem:s29+$0xFFFFFFF0];
	_ =	sdelay $0x4  }
0x167: {  	v3 =	vmul.f32 v3, v56;
	_ =	sdelay $0x1  }
0x168: {  	[tilespmem:s29+$0xFFFFFFF0] =	vst v3;
	v3 =	vld [tilespmem:s29+$0x0];
	_ =	sdelay $0x2  }
0x169: {  	v57 =	vbroadcast v2, $0x8;
	_ =	sdelay $0x1  }
0x16a: {  	v3 =	vmul.f32 v3, v57;
	_ =	sdelay $0x1  }
0x16b: {  	[tilespmem:s29+$0x0] =	vst v3;
	v3 =	vld [tilespmem:s29+$0x10];
	_ =	sdelay $0x4  }
0x16c: {  	v3 =	vmul.f32 v3, v57;
	_ =	sdelay $0x1  }
0x16d: {  	[tilespmem:s29+$0x10] =	vst v3;
	v3 =	vld [tilespmem:s29+$0x20];
	_ =	sdelay $0x4  }
0x16e: {  	v3 =	vmul.f32 v3, v57;
	_ =	sdelay $0x1  }
0x16f: {  	[tilespmem:s29+$0x20] =	vst v3;
	v3 =	vld [tilespmem:s29+$0x30];
	_ =	sdelay $0x4  }
0x170: {  	v3 =	vmul.f32 v3, v57;
	_ =	sdelay $0x1  }
0x171: {  	[tilespmem:s29+$0x30] =	vst v3;
	v3 =	vld [tilespmem:s29+$0x40];
	_ =	sdelay $0x2  }
0x172: {  	v58 =	vbroadcast v2, $0x9;
	_ =	sdelay $0x1  }
0x173: {  	v3 =	vmul.f32 v3, v58;
	_ =	sdelay $0x1  }
0x174: {  	[tilespmem:s29+$0x40] =	vst v3;
	v3 =	vld [tilespmem:s29+$0x50];
	_ =	sdelay $0x4  }
0x175: {  	v3 =	vmul.f32 v3, v58;
	_ =	sdelay $0x1  }
0x176: {  	[tilespmem:s29+$0x50] =	vst v3;
	v3 =	vld [tilespmem:s29+$0x60];
	_ =	sdelay $0x4  }
0x177: {  	v3 =	vmul.f32 v3, v58;
	_ =	sdelay $0x1  }
0x178: {  	[tilespmem:s29+$0x60] =	vst v3;
	v3 =	vld [tilespmem:s29+$0x70];
	_ =	sdelay $0x4  }
0x179: {  	v3 =	vmul.f32 v3, v58;
	_ =	sdelay $0x1  }
0x17a: {  	[tilespmem:s29+$0x70] =	vst v3;
	v3 =	vld [tilespmem:s29+$0x80];
	_ =	sdelay $0x2  }
0x17b: {  	v59 =	vbroadcast v2, $0xA;
	_ =	sdelay $0x1  }
0x17c: {  	v3 =	vmul.f32 v3, v59;
	_ =	sdelay $0x1  }
0x17d: {  	[tilespmem:s29+$0x80] =	vst v3;
	v3 =	vld [tilespmem:s29+$0x90];
	_ =	sdelay $0x4  }
0x17e: {  	v3 =	vmul.f32 v3, v59;
	_ =	sdelay $0x1  }
0x17f: {  	[tilespmem:s29+$0x90] =	vst v3;
	v3 =	vld [tilespmem:s29+$0xA0];
	_ =	sdelay $0x4  }
0x180: {  	v3 =	vmul.f32 v3, v59;
	_ =	sdelay $0x1  }
0x181: {  	[tilespmem:s29+$0xA0] =	vst v3;
	v3 =	vld [tilespmem:s29+$0xB0];
	_ =	sdelay $0x4  }
0x182: {  	v3 =	vmul.f32 v3, v59;
	_ =	sdelay $0x1  }
0x183: {  	[tilespmem:s29+$0xB0] =	vst v3;
	v3 =	vld [tilespmem:s29+$0xC0];
	_ =	sdelay $0x2  }
0x184: {  	v60 =	vbroadcast v2, $0xB;
	_ =	sdelay $0x1  }
0x185: {  	v3 =	vmul.f32 v3, v60;
	_ =	sdelay $0x1  }
0x186: {  	[tilespmem:s29+$0xC0] =	vst v3;
	v3 =	vld [tilespmem:s29+$0xD0];
	_ =	sdelay $0x4  }
0x187: {  	v3 =	vmul.f32 v3, v60;
	_ =	sdelay $0x1  }
0x188: {  	[tilespmem:s29+$0xD0] =	vst v3;
	v3 =	vld [tilespmem:s29+$0xE0];
	_ =	sdelay $0x4  }
0x189: {  	v3 =	vmul.f32 v3, v60;
	_ =	sdelay $0x1  }
0x18a: {  	[tilespmem:s29+$0xE0] =	vst v3;
	v3 =	vld [tilespmem:s29+$0xF0];
	_ =	sdelay $0x4  }
0x18b: {  	v3 =	vmul.f32 v3, v60;
	_ =	sdelay $0x1  }
0x18c: {  	[tilespmem:s29+$0xF0] =	vst v3;
	v3 =	vld [tilespmem:s29+$0x100];
	_ =	sdelay $0x2  }
0x18d: {  	v61 =	vbroadcast v2, $0xC;
	_ =	sdelay $0x1  }
0x18e: {  	v3 =	vmul.f32 v3, v61;
	_ =	sdelay $0x1  }
0x18f: {  	[tilespmem:s29+$0x100] =	vst v3;
	v3 =	vld [tilespmem:s29+$0x110];
	_ =	sdelay $0x4  }
0x190: {  	v3 =	vmul.f32 v3, v61;
	_ =	sdelay $0x1  }
0x191: {  	[tilespmem:s29+$0x110] =	vst v3;
	v3 =	vld [tilespmem:s29+$0x120];
	_ =	sdelay $0x4  }
0x192: {  	v3 =	vmul.f32 v3, v61;
	_ =	sdelay $0x1  }
0x193: {  	[tilespmem:s29+$0x120] =	vst v3;
	v3 =	vld [tilespmem:s29+$0x130];
	_ =	sdelay $0x4  }
0x194: {  	v3 =	vmul.f32 v3, v61;
	_ =	sdelay $0x1  }
0x195: {  	[tilespmem:s29+$0x130] =	vst v3;
	v3 =	vld [tilespmem:s29+$0x140];
	_ =	sdelay $0x2  }
0x196: {  	v62 =	vbroadcast v2, $0xD;
	_ =	sdelay $0x1  }
0x197: {  	v3 =	vmul.f32 v3, v62;
	_ =	sdelay $0x1  }
0x198: {  	[tilespmem:s29+$0x140] =	vst v3;
	v3 =	vld [tilespmem:s29+$0x150];
	_ =	sdelay $0x4  }
0x199: {  	v3 =	vmul.f32 v3, v62;
	_ =	sdelay $0x1  }
0x19a: {  	[tilespmem:s29+$0x150] =	vst v3;
	v3 =	vld [tilespmem:s29+$0x160];
	_ =	sdelay $0x4  }
0x19b: {  	v3 =	vmul.f32 v3, v62;
	_ =	sdelay $0x1  }
0x19c: {  	[tilespmem:s29+$0x160] =	vst v3;
	v3 =	vld [tilespmem:s29+$0x170];
	_ =	sdelay $0x4  }
0x19d: {  	v3 =	vmul.f32 v3, v62;
	_ =	sdelay $0x1  }
0x19e: {  	[tilespmem:s29+$0x170] =	vst v3;
	v3 =	vld [tilespmem:s29+$0x180];
	_ =	sdelay $0x2  }
0x19f: {  	v63 =	vbroadcast v2, $0xE;
	_ =	sdelay $0x1  }
0x1a0: {  	v3 =	vmul.f32 v3, v63;
	_ =	sdelay $0x1  }
0x1a1: {  	[tilespmem:s29+$0x180] =	vst v3;
	v3 =	vld [tilespmem:s29+$0x190];
	_ =	sdelay $0x4  }
0x1a2: {  	v3 =	vmul.f32 v3, v63;
	_ =	sdelay $0x1  }
0x1a3: {  	[tilespmem:s29+$0x190] =	vst v3;
	v3 =	vld [tilespmem:s29+$0x1A0];
	_ =	sdelay $0x4  }
0x1a4: {  	v3 =	vmul.f32 v3, v63;
	_ =	sdelay $0x1  }
0x1a5: {  	[tilespmem:s29+$0x1A0] =	vst v3;
	v3 =	vld [tilespmem:s29+$0x1B0];
	_ =	sdelay $0x4  }
0x1a6: {  	v3 =	vmul.f32 v3, v63;
	_ =	sdelay $0x1  }
0x1a7: {  	[tilespmem:s29+$0x1B0] =	vst v3;
	v3 =	vld [tilespmem:s29+$0x1C0];
	_ =	sdelay $0x2  }
0x1a8: {  	v2 =	vbroadcast v2, $0xF;
	_ =	sdelay $0x1  }
0x1a9: {  	v3 =	vmul.f32 v3, v2;
	_ =	sdelay $0x1  }
0x1aa: {  	[tilespmem:s29+$0x1C0] =	vst v3;
	v3 =	vld [tilespmem:s29+$0x1D0];
	_ =	sdelay $0x4  }
0x1ab: {  	v3 =	vmul.f32 v3, v2;
	_ =	sdelay $0x1  }
0x1ac: {  	[tilespmem:s29+$0x1D0] =	vst v3;
	v3 =	vld [tilespmem:s29+$0x1E0];
	_ =	sdelay $0x4  }
0x1ad: {  	v3 =	vmul.f32 v3, v2;
	_ =	sdelay $0x1  }
0x1ae: {  	[tilespmem:s29+$0x1E0] =	vst v3;
	v3 =	vld [tilespmem:s29+$0x1F0];
	_ =	sdelay $0x1  }
0x1af: {  	p2 =	sne.s32 s30, $0x100  }
.Ltmp7:
0x1b0: {  	_ = 	snop;
	(pc) =	sbr.rel @p2 .LBB2_5-.Ltmp7, $3  }
0x1b1: {  	_ = 	snop  }
0x1b2: {  	v2 =	vmul.f32 v3, v2;
	_ =	sdelay $0x1  }
0x1b3: {  	s30 =	sadd.s32 $0x40, s30;
	[tilespmem:s29+$0x1F0] =	vst v2;
	s29 =	sadd.s32 $0x400, s29  }
0x1b4: {  	[spmem:s2] =	stream.indirect.scatter.add.f32 [tilespmem:s22], [sflag:$0x2], $0x40, s24, s21, $0xb8;
	[tilespmem:$0x1CEF0] =	vst v63  }
0x1b5: {  	s26 =	sadd.s32 $0x1, s26  }
0x1b6: {  	p2 =	seq.s32 s26, $0xFA  }
.Ltmp8:
0x1b7: {  	_ = 	snop;
	(pc) =	sbr.rel @!p2 .LBB2_4-.Ltmp8, $4  }
.Ltmp9:
0x1b8: {  	_ = 	snop;
	(pc) =	sbr.rel @p2 .LBB2_10-.Ltmp9, $4  }
0x1b9: {  	_ =	swait.ge [sflag:s19], $0x1400  }
0x1ba: {  	[sflag:s19] =	ssyncset.done $0x0  }
0x1bb: {  	s28 =	sadd.s32 $0x50, s28;
	[sflag:s19] =	ssyncadd.s32 $0xFFFFEC00  }
0x1bc: {  	_ = 	snop  }
.LBB2_11:
0x1bd: {  	_ =	sfence.sel $0x180000  }
0x1be: {  	[bflag:$0x0] =	sbarrier.arrive $0xFFFF  }
0x1bf: {  	p0 =	sne.s32 s1, $0x0;
	_ =	strace $0x90000047  }
0x1c0: {  	s0 =	sadd.s32 @!p0 $0x100000, s0;
	[bflag:$0x2] =	sbarrier.arrive $0xFFFF  }
0x1c1: {  	[sflag:s0] =	ssyncadd.tile.s32 @!p0 $0x1;
	_ =	shalt  }
.Lfunc_end2:
_tile_overlayer_lowered:
.L_overlay_start_2:
0x1c2: {  	(tag) =	ssettag $0x2  }
0x1c3: {  	s0 =	rddreg [dreg:$0x0];
	s2 =	stileid.u32  }
0x1c4: {  	s1 =	rddreg [dreg:$0x1];
	p0 =	sne.s32 s2, $0x0  }
0x1c5: {  	s3 =	rddreg [dreg:$0x2];
	[bflag:$0x3] =	sbarrier.arrive $0xFFFF;
	s2 =	simm.s32 @!p0 $0x1C02  }
0x1c6: {  	[timem:s3], [sflag:s2] =	dma.local @!p0 [hbm:s0], s1  }
0x1c7: {  	s0 =	simm.s32 @!p0 $0x2  }
0x1c8: {  	_ =	swait.ge @!p0 [sflag:s0], s1  }
0x1c9: {  	s1 =	ssub.s32 @!p0 $0x0, s1;
	[sflag:s0] =	ssyncset.done @!p0 $0x0  }
0x1ca: {  	[sflag:s0] =	ssyncadd.s32 @!p0 s1  }
0x1cb: {  	[bflag:$0x3] =	sbarrier.arrive $0xFFFF  }
0x1cc: {  	_ =	shalt  }

</sc_bundles>
